<compile_context>
chip_gen: v7x
topology: tpu7x:2x2x1
jax: 0.10.2.dev20260603
libtpu: 0.0.44.dev20260713+nightly
codegen_flags: <defaults>
</compile_context>

<pallas_src>
import functools

import jax
import jax.numpy as jnp
from jax import lax
from jax.experimental import pallas as pl
from jax.experimental.pallas import tpu as pltpu
from jax.experimental.pallas import tpu_sc as plsc

_LANES = 16


def _make_sc_kernel(num_nodes, feat, num_edges):
    info = plsc.get_sparse_core_info()
    nc, ns = info.num_cores, info.num_subcores
    nw = nc * ns
    assert num_edges % nw == 0
    e_per_w = num_edges // nw

    chunk = 80
    assert e_per_w % chunk == 0 and chunk % _LANES == 0 and chunk % 8 == 0
    n_chunks = e_per_w // chunk
    n_groups = chunk // _LANES
    assert feat % _LANES == 0 and feat & (feat - 1) == 0

    stripe = ((num_nodes + ns - 1) // ns + 7) // 8 * 8
    last_stripe = num_nodes - (ns - 1) * stripe
    assert last_stripe > 0

    mesh = plsc.VectorSubcoreMesh(core_axis_name="c", subcore_axis_name="s")

    @functools.partial(
        pl.kernel,
        mesh=mesh,
        out_type=jax.ShapeDtypeStruct((num_edges,), jnp.float32),
        scratch_types=[
            pltpu.VMEM((2 * chunk,), jnp.int32),
            pltpu.VMEM((2 * chunk,), jnp.int32),
            pltpu.VMEM((2 * chunk, feat), jnp.float32),
            pltpu.VMEM((2 * chunk, feat), jnp.float32),
            pltpu.VMEM((2 * chunk,), jnp.float32),
            pltpu.VMEM_SHARED((num_nodes, feat), jnp.float32),
            pltpu.SemaphoreType.DMA,
            pltpu.SemaphoreType.DMA,
            pltpu.SemaphoreType.DMA,
            pltpu.SemaphoreType.DMA,
        ],
        compiler_params=pltpu.CompilerParams(needs_layout_passes=False),
    )
    def kern(z_hbm, src_hbm, dst_hbm, out_hbm,
             idx_s, idx_d, rows_s, rows_d, out_v, z_sh,
             sem_s, sem_d, sem_i, sem_o):
        cid = lax.axis_index("c")
        sid = lax.axis_index("s")
        wid = sid * nc + cid
        wbase = wid * e_per_w
        lane_iota = lax.iota(jnp.int32, _LANES)

        zbase = sid * stripe

        @pl.when(sid < ns - 1)
        def _():
            pltpu.sync_copy(z_hbm.at[pl.ds(zbase, stripe)],
                            z_sh.at[pl.ds(zbase, stripe)])

        @pl.when(sid == ns - 1)
        def _():
            pltpu.sync_copy(z_hbm.at[pl.ds((ns - 1) * stripe, last_stripe)],
                            z_sh.at[pl.ds((ns - 1) * stripe, last_stripe)])

        def idx_copies(c, buf):
            return (
                pltpu.make_async_copy(
                    src_hbm.at[pl.ds(wbase + c * chunk, chunk)],
                    idx_s.at[pl.ds(buf * chunk, chunk)], sem_i),
                pltpu.make_async_copy(
                    dst_hbm.at[pl.ds(wbase + c * chunk, chunk)],
                    idx_d.at[pl.ds(buf * chunk, chunk)], sem_i),
            )

        def gather_copies(c, buf):
            return (
                pltpu.make_async_copy(
                    z_sh.at[idx_s.at[pl.ds(buf * chunk, chunk)]],
                    rows_s.at[pl.ds(buf * chunk, chunk)], sem_s),
                pltpu.make_async_copy(
                    z_sh.at[idx_d.at[pl.ds(buf * chunk, chunk)]],
                    rows_d.at[pl.ds(buf * chunk, chunk)], sem_d),
            )

        def out_copy(c, buf):
            return pltpu.make_async_copy(
                out_v.at[pl.ds(buf * chunk, chunk)],
                out_hbm.at[pl.ds(wbase + c * chunk, chunk)], sem_o)

        for cp in idx_copies(0, 0):
            cp.start()
        for cp in idx_copies(0, 0):
            cp.wait()
        plsc.subcore_barrier()
        for cp in gather_copies(0, 0):
            cp.start()
        for cp in idx_copies(1, 1):
            cp.start()

        def chunk_body(c, _):
            buf = lax.rem(c, 2)
            nbuf = 1 - buf

            @pl.when(c + 1 < n_chunks)
            def _():
                for cp in idx_copies(c + 1, nbuf):
                    cp.wait()
                for cp in gather_copies(c + 1, nbuf):
                    cp.start()

            for cp in gather_copies(c, buf):
                cp.wait()

            @pl.when(c + 2 < n_chunks)
            def _():
                for cp in idx_copies(c + 2, buf):
                    cp.start()

            @pl.when(c >= 2)
            def _():
                out_copy(c - 2, buf).wait()

            rbase = buf * chunk

            def group_body(g, _):
                row_idx = rbase + g * _LANES + lane_iota
                col = lane_iota
                acc = (plsc.load_gather(rows_s, [row_idx, col])
                       * plsc.load_gather(rows_d, [row_idx, col]))
                for _ in range(1, feat):
                    col = (col + 1) & (feat - 1)
                    acc = acc + (plsc.load_gather(rows_s, [row_idx, col])
                                 * plsc.load_gather(rows_d, [row_idx, col]))
                out_v[pl.ds(rbase + g * _LANES, _LANES)] = acc
                return 0

            lax.fori_loop(0, n_groups, group_body, 0)
            out_copy(c, buf).start()
            return 0

        lax.fori_loop(0, n_chunks, chunk_body, 0)
        out_copy(n_chunks - 2, lax.rem(n_chunks - 2, 2)).wait()
        out_copy(n_chunks - 1, lax.rem(n_chunks - 1, 2)).wait()

    return kern


def kernel(z, edge_index):
    num_nodes, feat = z.shape
    num_edges = edge_index.shape[1]
    kern = _make_sc_kernel(num_nodes, feat, num_edges)
    src = edge_index[0]
    dst = edge_index[1]
    return kern(z, src, dst)

# --- scband reference (transcript-rebuilt; emitter-appended) ---
"""Pipeline reference for scband-inner-product-decoder-41351945125989 (READ-ONLY COPY).

The authoritative reference and input builder live on the scoring server;
editing this copy changes nothing except your own understanding.
"""

import jax, jax.numpy as jnp
import numpy as np


def setup_inputs(seed: int = 0) -> dict:
    key = jax.random.key(seed)
    k1, k2 = jax.random.split(key)
    z = jax.random.normal(k1, (10000, 128), dtype=jnp.float32)
    edge_index = jax.random.randint(k2, (2, 320000), 0, 10000, dtype=jnp.int32)
    return {"z": z, "edge_index": edge_index}


def reference(z, edge_index):
    # (z[edge_index[0]] * z[edge_index[1]]).sum(dim=-1)
    src = jnp.take(z, edge_index[0], axis=0)
    dst = jnp.take(z, edge_index[1], axis=0)
    return (src * dst).sum(axis=-1)

if __name__ == "__main__":
    import jax
    _d = setup_inputs()
    print(jax.jit(kernel)(*tuple(_d.values())))

</pallas_src>

<mosaic_0001>
#map = affine_map<(d0, d1) -> (0, 0)>
#map1 = affine_map<(d0, d1) -> (0)>
module attributes {stable_mosaic.version = 14 : i64} {
  func.func @kern(%arg0: i32, %arg1: i32, %arg2: memref<10000x128xf32, #tpu.memory_space<hbm>>, %arg3: memref<320000xi32, #tpu.memory_space<hbm>>, %arg4: memref<320000xi32, #tpu.memory_space<hbm>>, %arg5: memref<320000xf32, #tpu.memory_space<hbm>>, %arg6: memref<160xi32, #tpu.memory_space<vmem>>, %arg7: memref<160xi32, #tpu.memory_space<vmem>>, %arg8: memref<160x128xf32, #tpu.memory_space<vmem>>, %arg9: memref<160x128xf32, #tpu.memory_space<vmem>>, %arg10: memref<160xf32, #tpu.memory_space<vmem>>, %arg11: memref<10000x128xf32, #tpu.memory_space<vmem_shared>>, %arg12: memref<!tpu.dma_semaphore, #tpu.memory_space<semaphore_mem>>, %arg13: memref<!tpu.dma_semaphore, #tpu.memory_space<semaphore_mem>>, %arg14: memref<!tpu.dma_semaphore, #tpu.memory_space<semaphore_mem>>, %arg15: memref<!tpu.dma_semaphore, #tpu.memory_space<semaphore_mem>>) attributes {dimension_semantics = [#tpu.dimension_semantics<core_parallel>, #tpu.dimension_semantics<subcore_parallel>], iteration_bounds = array<i64: 2, 16>, scalar_prefetch = 0 : i64, scratch_operands = 10 : i64, tpu.core_type = #tpu.core_type<sc_vector_subcore>, window_params = [{transform_indices = #map}, {transform_indices = #map1}, {transform_indices = #map1}, {transform_indices = #map1}]} {
    %mul3A = arith.constant 2 : i32
    %mul3A_0 = arith.muli %arg1, %mul3A : i32
    %add3A = arith.addi %mul3A_0, %arg0 : i32
    %mul3A_1 = arith.constant 10000 : i32
    %mul3A_2 = arith.muli %add3A, %mul3A_1 : i32
    %iota3A = tpu.iota {dimensions = array<i32: 0>} : vector<16xi32>
    %mul3A_3 = arith.constant 632 : i32
    %mul3A_4 = arith.muli %arg1, %mul3A_3 : i32
    %lt3A = arith.constant 15 : i32
    %lt3A_5 = arith.cmpi slt, %arg1, %lt3A : i32
    %convert_element_type3A = arith.extui %lt3A_5 : i1 to i32
    %cond3A = arith.constant 0 : i32
    %cond3A_6 = arith.cmpi ne, %convert_element_type3A, %cond3A : i32
    scf.if %cond3A_6 {
      "tpu.region"() ({
        %run_scoped3A = tpu.sem_alloc : memref<!tpu.dma_semaphore, #tpu.memory_space<semaphore_mem>>
        %dma_start3A_100 = arith.constant 0 : i32
        %dma_start3A_101 = tpu.memref_slice %arg11[%mul3A_4, %dma_start3A_100] : memref<10000x128xf32, #tpu.memory_space<vmem_shared>> -> memref<632x128xf32, #tpu.memory_space<vmem_shared>>
        %dma_start3A_102 = arith.constant 0 : i32
        %dma_start3A_103 = tpu.memref_slice %arg2[%mul3A_4, %dma_start3A_102] : memref<10000x128xf32, #tpu.memory_space<hbm>> -> memref<632x128xf32, #tpu.memory_space<hbm>>
        tpu.enqueue_dma source(%dma_start3A_103 : memref<632x128xf32, #tpu.memory_space<hbm>>) target(%dma_start3A_101 : memref<632x128xf32, #tpu.memory_space<vmem_shared>>) target_semaphore(%run_scoped3A : memref<!tpu.dma_semaphore, #tpu.memory_space<semaphore_mem>>)
        %dma_wait3A_104 = arith.constant 0 : i32
        %dma_wait3A_105 = tpu.memref_slice %arg11[%mul3A_4, %dma_wait3A_104] : memref<10000x128xf32, #tpu.memory_space<vmem_shared>> -> memref<632x128xf32, #tpu.memory_space<vmem_shared>>
        %dma_wait3A_106 = arith.constant 0 : i32
        %dma_wait3A_107 = tpu.memref_slice %arg2[%mul3A_4, %dma_wait3A_106] : memref<10000x128xf32, #tpu.memory_space<hbm>> -> memref<632x128xf32, #tpu.memory_space<hbm>>
        tpu.wait_dma2 semaphore(%run_scoped3A : memref<!tpu.dma_semaphore, #tpu.memory_space<semaphore_mem>>) src(%dma_wait3A_107 : memref<632x128xf32, #tpu.memory_space<hbm>>) dst(%dma_wait3A_105 : memref<632x128xf32, #tpu.memory_space<vmem_shared>>)
        tpu.yield
      }) : () -> ()
    } else {
    }
    %eq3A = arith.constant 15 : i32
    %eq3A_7 = arith.cmpi eq, %arg1, %eq3A : i32
    %convert_element_type3A_8 = arith.extui %eq3A_7 : i1 to i32
    %cond3A_9 = arith.constant 0 : i32
    %cond3A_10 = arith.cmpi ne, %convert_element_type3A_8, %cond3A_9 : i32
    scf.if %cond3A_10 {
      "tpu.region"() ({
        %run_scoped3A = tpu.sem_alloc : memref<!tpu.dma_semaphore, #tpu.memory_space<semaphore_mem>>
        %dma_start3A_100 = arith.constant 9480 : i32
        %dma_start3A_101 = arith.constant 0 : i32
        %dma_start3A_102 = tpu.memref_slice %arg11[%dma_start3A_100, %dma_start3A_101] : memref<10000x128xf32, #tpu.memory_space<vmem_shared>> -> memref<520x128xf32, #tpu.memory_space<vmem_shared>>
        %dma_start3A_103 = arith.constant 9480 : i32
        %dma_start3A_104 = arith.constant 0 : i32
        %dma_start3A_105 = tpu.memref_slice %arg2[%dma_start3A_103, %dma_start3A_104] : memref<10000x128xf32, #tpu.memory_space<hbm>> -> memref<520x128xf32, #tpu.memory_space<hbm>>
        tpu.enqueue_dma source(%dma_start3A_105 : memref<520x128xf32, #tpu.memory_space<hbm>>) target(%dma_start3A_102 : memref<520x128xf32, #tpu.memory_space<vmem_shared>>) target_semaphore(%run_scoped3A : memref<!tpu.dma_semaphore, #tpu.memory_space<semaphore_mem>>)
        %dma_wait3A_106 = arith.constant 9480 : i32
        %dma_wait3A_107 = arith.constant 0 : i32
        %dma_wait3A_108 = tpu.memref_slice %arg11[%dma_wait3A_106, %dma_wait3A_107] : memref<10000x128xf32, #tpu.memory_space<vmem_shared>> -> memref<520x128xf32, #tpu.memory_space<vmem_shared>>
        %dma_wait3A_109 = arith.constant 9480 : i32
        %dma_wait3A_110 = arith.constant 0 : i32
        %dma_wait3A_111 = tpu.memref_slice %arg2[%dma_wait3A_109, %dma_wait3A_110] : memref<10000x128xf32, #tpu.memory_space<hbm>> -> memref<520x128xf32, #tpu.memory_space<hbm>>
        tpu.wait_dma2 semaphore(%run_scoped3A : memref<!tpu.dma_semaphore, #tpu.memory_space<semaphore_mem>>) src(%dma_wait3A_111 : memref<520x128xf32, #tpu.memory_space<hbm>>) dst(%dma_wait3A_108 : memref<520x128xf32, #tpu.memory_space<vmem_shared>>)
        tpu.yield
      }) : () -> ()
    } else {
    }
    %add3A_11 = arith.constant 0 : i32
    %add3A_12 = arith.addi %mul3A_2, %add3A_11 : i32
    %add3A_13 = arith.constant 0 : i32
    %add3A_14 = arith.addi %mul3A_2, %add3A_13 : i32
    %dma_start3A = arith.constant 0 : i32
    %dma_start3A_15 = tpu.memref_slice %arg6[%dma_start3A] : memref<160xi32, #tpu.memory_space<vmem>> -> memref<80xi32, #tpu.memory_space<vmem>>
    %dma_start3A_16 = tpu.memref_slice %arg3[%add3A_12] : memref<320000xi32, #tpu.memory_space<hbm>> -> memref<80xi32, #tpu.memory_space<hbm>>
    %dma_start3A_17 = arith.constant 0 : i32
    %dma_start3A_18 = tpu.memref_slice %arg6[%dma_start3A_17] : memref<160xi32, #tpu.memory_space<vmem>> -> memref<80xi32, #tpu.memory_space<vmem>>
    %dma_start3A_19 = tpu.memref_slice %arg3[%add3A_12] : memref<320000xi32, #tpu.memory_space<hbm>> -> memref<80xi32, #tpu.memory_space<hbm>>
    tpu.enqueue_dma source(%dma_start3A_19 : memref<80xi32, #tpu.memory_space<hbm>>) target(%dma_start3A_18 : memref<80xi32, #tpu.memory_space<vmem>>) target_semaphore(%arg14 : memref<!tpu.dma_semaphore, #tpu.memory_space<semaphore_mem>>)
    %dma_start3A_20 = arith.constant 0 : i32
    %dma_start3A_21 = tpu.memref_slice %arg7[%dma_start3A_20] : memref<160xi32, #tpu.memory_space<vmem>> -> memref<80xi32, #tpu.memory_space<vmem>>
    %dma_start3A_22 = tpu.memref_slice %arg4[%add3A_14] : memref<320000xi32, #tpu.memory_space<hbm>> -> memref<80xi32, #tpu.memory_space<hbm>>
    %dma_start3A_23 = arith.constant 0 : i32
    %dma_start3A_24 = tpu.memref_slice %arg7[%dma_start3A_23] : memref<160xi32, #tpu.memory_space<vmem>> -> memref<80xi32, #tpu.memory_space<vmem>>
    %dma_start3A_25 = tpu.memref_slice %arg4[%add3A_14] : memref<320000xi32, #tpu.memory_space<hbm>> -> memref<80xi32, #tpu.memory_space<hbm>>
    tpu.enqueue_dma source(%dma_start3A_25 : memref<80xi32, #tpu.memory_space<hbm>>) target(%dma_start3A_24 : memref<80xi32, #tpu.memory_space<vmem>>) target_semaphore(%arg14 : memref<!tpu.dma_semaphore, #tpu.memory_space<semaphore_mem>>)
    %add3A_26 = arith.constant 0 : i32
    %add3A_27 = arith.addi %mul3A_2, %add3A_26 : i32
    %add3A_28 = arith.constant 0 : i32
    %add3A_29 = arith.addi %mul3A_2, %add3A_28 : i32
    %dma_wait3A = arith.constant 0 : i32
    %dma_wait3A_30 = tpu.memref_slice %arg6[%dma_wait3A] : memref<160xi32, #tpu.memory_space<vmem>> -> memref<80xi32, #tpu.memory_space<vmem>>
    %dma_wait3A_31 = tpu.memref_slice %arg3[%add3A_27] : memref<320000xi32, #tpu.memory_space<hbm>> -> memref<80xi32, #tpu.memory_space<hbm>>
    %dma_wait3A_32 = arith.constant 0 : i32
    %dma_wait3A_33 = tpu.memref_slice %arg6[%dma_wait3A_32] : memref<160xi32, #tpu.memory_space<vmem>> -> memref<80xi32, #tpu.memory_space<vmem>>
    %dma_wait3A_34 = tpu.memref_slice %arg3[%add3A_27] : memref<320000xi32, #tpu.memory_space<hbm>> -> memref<80xi32, #tpu.memory_space<hbm>>
    tpu.wait_dma2 semaphore(%arg14 : memref<!tpu.dma_semaphore, #tpu.memory_space<semaphore_mem>>) src(%dma_wait3A_34 : memref<80xi32, #tpu.memory_space<hbm>>) dst(%dma_wait3A_33 : memref<80xi32, #tpu.memory_space<vmem>>)
    %dma_wait3A_35 = arith.constant 0 : i32
    %dma_wait3A_36 = tpu.memref_slice %arg7[%dma_wait3A_35] : memref<160xi32, #tpu.memory_space<vmem>> -> memref<80xi32, #tpu.memory_space<vmem>>
    %dma_wait3A_37 = tpu.memref_slice %arg4[%add3A_29] : memref<320000xi32, #tpu.memory_space<hbm>> -> memref<80xi32, #tpu.memory_space<hbm>>
    %dma_wait3A_38 = arith.constant 0 : i32
    %dma_wait3A_39 = tpu.memref_slice %arg7[%dma_wait3A_38] : memref<160xi32, #tpu.memory_space<vmem>> -> memref<80xi32, #tpu.memory_space<vmem>>
    %dma_wait3A_40 = tpu.memref_slice %arg4[%add3A_29] : memref<320000xi32, #tpu.memory_space<hbm>> -> memref<80xi32, #tpu.memory_space<hbm>>
    tpu.wait_dma2 semaphore(%arg14 : memref<!tpu.dma_semaphore, #tpu.memory_space<semaphore_mem>>) src(%dma_wait3A_40 : memref<80xi32, #tpu.memory_space<hbm>>) dst(%dma_wait3A_39 : memref<80xi32, #tpu.memory_space<vmem>>)
    %barrier3A = arith.constant 0 : index
    tpu.barrier barrier_id(%barrier3A)
    %dma_start3A_41 = arith.constant 0 : i32
    %dma_start3A_42 = arith.constant 0 : i32
    %dma_start3A_43 = tpu.memref_slice %arg8[%dma_start3A_41, %dma_start3A_42] : memref<160x128xf32, #tpu.memory_space<vmem>> -> memref<80x128xf32, #tpu.memory_space<vmem>>
    %dma_start3A_44 = arith.constant 0 : i32
    %dma_start3A_45 = tpu.memref_slice %arg6[%dma_start3A_44] : memref<160xi32, #tpu.memory_space<vmem>> -> memref<80xi32, #tpu.memory_space<vmem>>
    %dma_start3A_46 = arith.constant 0 : i32
    %dma_start3A_47 = arith.constant 0 : i32
    %dma_start3A_48 = tpu.memref_slice %arg11[%dma_start3A_46, %dma_start3A_47] : memref<10000x128xf32, #tpu.memory_space<vmem_shared>> -> memref<10000x128xf32, #tpu.memory_space<vmem_shared>>
    tpu.enqueue_indirect_dma source(%dma_start3A_48 : memref<10000x128xf32, #tpu.memory_space<vmem_shared>>) target(%dma_start3A_43 : memref<80x128xf32, #tpu.memory_space<vmem>>) offsets(%dma_start3A_45 : memref<80xi32, #tpu.memory_space<vmem>>) semaphore(%arg12 : memref<!tpu.dma_semaphore, #tpu.memory_space<semaphore_mem>>)
    %dma_start3A_49 = arith.constant 0 : i32
    %dma_start3A_50 = arith.constant 0 : i32
    %dma_start3A_51 = tpu.memref_slice %arg9[%dma_start3A_49, %dma_start3A_50] : memref<160x128xf32, #tpu.memory_space<vmem>> -> memref<80x128xf32, #tpu.memory_space<vmem>>
    %dma_start3A_52 = arith.constant 0 : i32
    %dma_start3A_53 = tpu.memref_slice %arg7[%dma_start3A_52] : memref<160xi32, #tpu.memory_space<vmem>> -> memref<80xi32, #tpu.memory_space<vmem>>
    %dma_start3A_54 = arith.constant 0 : i32
    %dma_start3A_55 = arith.constant 0 : i32
    %dma_start3A_56 = tpu.memref_slice %arg11[%dma_start3A_54, %dma_start3A_55] : memref<10000x128xf32, #tpu.memory_space<vmem_shared>> -> memref<10000x128xf32, #tpu.memory_space<vmem_shared>>
    tpu.enqueue_indirect_dma source(%dma_start3A_56 : memref<10000x128xf32, #tpu.memory_space<vmem_shared>>) target(%dma_start3A_51 : memref<80x128xf32, #tpu.memory_space<vmem>>) offsets(%dma_start3A_53 : memref<80xi32, #tpu.memory_space<vmem>>) semaphore(%arg13 : memref<!tpu.dma_semaphore, #tpu.memory_space<semaphore_mem>>)
    %add3A_57 = arith.constant 80 : i32
    %add3A_58 = arith.addi %mul3A_2, %add3A_57 : i32
    %add3A_59 = arith.constant 80 : i32
    %add3A_60 = arith.addi %mul3A_2, %add3A_59 : i32
    %dma_start3A_61 = arith.constant 80 : i32
    %dma_start3A_62 = tpu.memref_slice %arg6[%dma_start3A_61] : memref<160xi32, #tpu.memory_space<vmem>> -> memref<80xi32, #tpu.memory_space<vmem>>
    %dma_start3A_63 = tpu.memref_slice %arg3[%add3A_58] : memref<320000xi32, #tpu.memory_space<hbm>> -> memref<80xi32, #tpu.memory_space<hbm>>
    %dma_start3A_64 = arith.constant 80 : i32
    %dma_start3A_65 = tpu.memref_slice %arg6[%dma_start3A_64] : memref<160xi32, #tpu.memory_space<vmem>> -> memref<80xi32, #tpu.memory_space<vmem>>
    %dma_start3A_66 = tpu.memref_slice %arg3[%add3A_58] : memref<320000xi32, #tpu.memory_space<hbm>> -> memref<80xi32, #tpu.memory_space<hbm>>
    tpu.enqueue_dma source(%dma_start3A_66 : memref<80xi32, #tpu.memory_space<hbm>>) target(%dma_start3A_65 : memref<80xi32, #tpu.memory_space<vmem>>) target_semaphore(%arg14 : memref<!tpu.dma_semaphore, #tpu.memory_space<semaphore_mem>>)
    %dma_start3A_67 = arith.constant 80 : i32
    %dma_start3A_68 = tpu.memref_slice %arg7[%dma_start3A_67] : memref<160xi32, #tpu.memory_space<vmem>> -> memref<80xi32, #tpu.memory_space<vmem>>
    %dma_start3A_69 = tpu.memref_slice %arg4[%add3A_60] : memref<320000xi32, #tpu.memory_space<hbm>> -> memref<80xi32, #tpu.memory_space<hbm>>
    %dma_start3A_70 = arith.constant 80 : i32
    %dma_start3A_71 = tpu.memref_slice %arg7[%dma_start3A_70] : memref<160xi32, #tpu.memory_space<vmem>> -> memref<80xi32, #tpu.memory_space<vmem>>
    %dma_start3A_72 = tpu.memref_slice %arg4[%add3A_60] : memref<320000xi32, #tpu.memory_space<hbm>> -> memref<80xi32, #tpu.memory_space<hbm>>
    tpu.enqueue_dma source(%dma_start3A_72 : memref<80xi32, #tpu.memory_space<hbm>>) target(%dma_start3A_71 : memref<80xi32, #tpu.memory_space<vmem>>) target_semaphore(%arg14 : memref<!tpu.dma_semaphore, #tpu.memory_space<semaphore_mem>>)
    %scan3A = arith.constant 0 : i32
    %scan3A_73 = arith.constant 0 : i32
    %scan3A_74 = arith.constant 125 : i32
    %scan3A_75 = arith.addi %scan3A_73, %scan3A_74 : i32
    %scan3A_76 = arith.constant 1 : i32
    %scan3A_77 = scf.for %scan3A_100 = %scan3A_73 to %scan3A_75 step %scan3A_76 iter_args(%scan3A_101 = %scan3A) -> (i32)  : i32 {
      %rem3A_102 = arith.constant 2 : i32
      %rem3A_103 = arith.remsi %scan3A_100, %rem3A_102 : i32
      %sub3A = arith.constant 1 : i32
      %sub3A_104 = arith.subi %sub3A, %rem3A_103 : i32
      %add3A_105 = arith.constant 1 : i32
      %add3A_106 = arith.addi %scan3A_100, %add3A_105 : i32
      %lt3A_107 = arith.constant 125 : i32
      %lt3A_108 = arith.cmpi slt, %add3A_106, %lt3A_107 : i32
      %convert_element_type3A_109 = arith.extui %lt3A_108 : i1 to i32
      %cond3A_110 = arith.constant 0 : i32
      %cond3A_111 = arith.cmpi ne, %convert_element_type3A_109, %cond3A_110 : i32
      scf.if %cond3A_111 {
        %add3A_162 = arith.constant 1 : i32
        %add3A_163 = arith.addi %scan3A_100, %add3A_162 : i32
        %mul3A_164 = arith.constant 80 : i32
        %mul3A_165 = arith.muli %add3A_163, %mul3A_164 : i32
        %add3A_166 = arith.addi %mul3A_2, %mul3A_165 : i32
        %mul3A_167 = arith.constant 80 : i32
        %mul3A_168 = arith.muli %sub3A_104, %mul3A_167 : i32
        %mul3A_169 = arith.constant 80 : i32
        %mul3A_170 = arith.muli %add3A_163, %mul3A_169 : i32
        %add3A_171 = arith.addi %mul3A_2, %mul3A_170 : i32
        %mul3A_172 = arith.constant 80 : i32
        %mul3A_173 = arith.muli %sub3A_104, %mul3A_172 : i32
        %dma_wait3A_174 = tpu.memref_slice %arg6[%mul3A_168] : memref<160xi32, #tpu.memory_space<vmem>> -> memref<80xi32, #tpu.memory_space<vmem>>
        %dma_wait3A_175 = tpu.memref_slice %arg3[%add3A_166] : memref<320000xi32, #tpu.memory_space<hbm>> -> memref<80xi32, #tpu.memory_space<hbm>>
        %dma_wait3A_176 = tpu.memref_slice %arg6[%mul3A_168] : memref<160xi32, #tpu.memory_space<vmem>> -> memref<80xi32, #tpu.memory_space<vmem>>
        %dma_wait3A_177 = tpu.memref_slice %arg3[%add3A_166] : memref<320000xi32, #tpu.memory_space<hbm>> -> memref<80xi32, #tpu.memory_space<hbm>>
        tpu.wait_dma2 semaphore(%arg14 : memref<!tpu.dma_semaphore, #tpu.memory_space<semaphore_mem>>) src(%dma_wait3A_177 : memref<80xi32, #tpu.memory_space<hbm>>) dst(%dma_wait3A_176 : memref<80xi32, #tpu.memory_space<vmem>>)
        %dma_wait3A_178 = tpu.memref_slice %arg7[%mul3A_173] : memref<160xi32, #tpu.memory_space<vmem>> -> memref<80xi32, #tpu.memory_space<vmem>>
        %dma_wait3A_179 = tpu.memref_slice %arg4[%add3A_171] : memref<320000xi32, #tpu.memory_space<hbm>> -> memref<80xi32, #tpu.memory_space<hbm>>
        %dma_wait3A_180 = tpu.memref_slice %arg7[%mul3A_173] : memref<160xi32, #tpu.memory_space<vmem>> -> memref<80xi32, #tpu.memory_space<vmem>>
        %dma_wait3A_181 = tpu.memref_slice %arg4[%add3A_171] : memref<320000xi32, #tpu.memory_space<hbm>> -> memref<80xi32, #tpu.memory_space<hbm>>
        tpu.wait_dma2 semaphore(%arg14 : memref<!tpu.dma_semaphore, #tpu.memory_space<semaphore_mem>>) src(%dma_wait3A_181 : memref<80xi32, #tpu.memory_space<hbm>>) dst(%dma_wait3A_180 : memref<80xi32, #tpu.memory_space<vmem>>)
        %add3A_182 = arith.constant 1 : i32
        %add3A_183 = arith.addi %scan3A_100, %add3A_182 : i32
        %mul3A_184 = arith.constant 80 : i32
        %mul3A_185 = arith.muli %sub3A_104, %mul3A_184 : i32
        %mul3A_186 = arith.constant 80 : i32
        %mul3A_187 = arith.muli %sub3A_104, %mul3A_186 : i32
        %mul3A_188 = arith.constant 80 : i32
        %mul3A_189 = arith.muli %sub3A_104, %mul3A_188 : i32
        %mul3A_190 = arith.constant 80 : i32
        %mul3A_191 = arith.muli %sub3A_104, %mul3A_190 : i32
        %dma_start3A_192 = arith.constant 0 : i32
        %dma_start3A_193 = tpu.memref_slice %arg8[%mul3A_187, %dma_start3A_192] : memref<160x128xf32, #tpu.memory_space<vmem>> -> memref<80x128xf32, #tpu.memory_space<vmem>>
        %dma_start3A_194 = tpu.memref_slice %arg6[%mul3A_185] : memref<160xi32, #tpu.memory_space<vmem>> -> memref<80xi32, #tpu.memory_space<vmem>>
        %dma_start3A_195 = arith.constant 0 : i32
        %dma_start3A_196 = arith.constant 0 : i32
        %dma_start3A_197 = tpu.memref_slice %arg11[%dma_start3A_195, %dma_start3A_196] : memref<10000x128xf32, #tpu.memory_space<vmem_shared>> -> memref<10000x128xf32, #tpu.memory_space<vmem_shared>>
        tpu.enqueue_indirect_dma source(%dma_start3A_197 : memref<10000x128xf32, #tpu.memory_space<vmem_shared>>) target(%dma_start3A_193 : memref<80x128xf32, #tpu.memory_space<vmem>>) offsets(%dma_start3A_194 : memref<80xi32, #tpu.memory_space<vmem>>) semaphore(%arg12 : memref<!tpu.dma_semaphore, #tpu.memory_space<semaphore_mem>>)
        %dma_start3A_198 = arith.constant 0 : i32
        %dma_start3A_199 = tpu.memref_slice %arg9[%mul3A_191, %dma_start3A_198] : memref<160x128xf32, #tpu.memory_space<vmem>> -> memref<80x128xf32, #tpu.memory_space<vmem>>
        %dma_start3A_200 = tpu.memref_slice %arg7[%mul3A_189] : memref<160xi32, #tpu.memory_space<vmem>> -> memref<80xi32, #tpu.memory_space<vmem>>
        %dma_start3A_201 = arith.constant 0 : i32
        %dma_start3A_202 = arith.constant 0 : i32
        %dma_start3A_203 = tpu.memref_slice %arg11[%dma_start3A_201, %dma_start3A_202] : memref<10000x128xf32, #tpu.memory_space<vmem_shared>> -> memref<10000x128xf32, #tpu.memory_space<vmem_shared>>
        tpu.enqueue_indirect_dma source(%dma_start3A_203 : memref<10000x128xf32, #tpu.memory_space<vmem_shared>>) target(%dma_start3A_199 : memref<80x128xf32, #tpu.memory_space<vmem>>) offsets(%dma_start3A_200 : memref<80xi32, #tpu.memory_space<vmem>>) semaphore(%arg13 : memref<!tpu.dma_semaphore, #tpu.memory_space<semaphore_mem>>)
      } else {
      }
      %mul3A_112 = arith.constant 80 : i32
      %mul3A_113 = arith.muli %rem3A_103, %mul3A_112 : i32
      %mul3A_114 = arith.constant 80 : i32
      %mul3A_115 = arith.muli %rem3A_103, %mul3A_114 : i32
      %mul3A_116 = arith.constant 80 : i32
      %mul3A_117 = arith.muli %rem3A_103, %mul3A_116 : i32
      %mul3A_118 = arith.constant 80 : i32
      %mul3A_119 = arith.muli %rem3A_103, %mul3A_118 : i32
      %dma_wait3A_120 = arith.constant 0 : i32
      %dma_wait3A_121 = tpu.memref_slice %arg8[%mul3A_115, %dma_wait3A_120] : memref<160x128xf32, #tpu.memory_space<vmem>> -> memref<80x128xf32, #tpu.memory_space<vmem>>
      %dma_wait3A_122 = tpu.memref_slice %arg6[%mul3A_113] : memref<160xi32, #tpu.memory_space<vmem>> -> memref<80xi32, #tpu.memory_space<vmem>>
      %dma_wait3A_123 = arith.constant 0 : i32
      %dma_wait3A_124 = arith.constant 0 : i32
      %dma_wait3A_125 = tpu.memref_slice %arg11[%dma_wait3A_123, %dma_wait3A_124] : memref<10000x128xf32, #tpu.memory_space<vmem_shared>> -> memref<10000x128xf32, #tpu.memory_space<vmem_shared>>
      tpu.wait_indirect_dma semaphore(%arg12 : memref<!tpu.dma_semaphore, #tpu.memory_space<semaphore_mem>>) src(%dma_wait3A_125 : memref<10000x128xf32, #tpu.memory_space<vmem_shared>>) dst(%dma_wait3A_121 : memref<80x128xf32, #tpu.memory_space<vmem>>)
      %dma_wait3A_126 = arith.constant 0 : i32
      %dma_wait3A_127 = tpu.memref_slice %arg9[%mul3A_119, %dma_wait3A_126] : memref<160x128xf32, #tpu.memory_space<vmem>> -> memref<80x128xf32, #tpu.memory_space<vmem>>
      %dma_wait3A_128 = tpu.memref_slice %arg7[%mul3A_117] : memref<160xi32, #tpu.memory_space<vmem>> -> memref<80xi32, #tpu.memory_space<vmem>>
      %dma_wait3A_129 = arith.constant 0 : i32
      %dma_wait3A_130 = arith.constant 0 : i32
      %dma_wait3A_131 = tpu.memref_slice %arg11[%dma_wait3A_129, %dma_wait3A_130] : memref<10000x128xf32, #tpu.memory_space<vmem_shared>> -> memref<10000x128xf32, #tpu.memory_space<vmem_shared>>
      tpu.wait_indirect_dma semaphore(%arg13 : memref<!tpu.dma_semaphore, #tpu.memory_space<semaphore_mem>>) src(%dma_wait3A_131 : memref<10000x128xf32, #tpu.memory_space<vmem_shared>>) dst(%dma_wait3A_127 : memref<80x128xf32, #tpu.memory_space<vmem>>)
      %add3A_132 = arith.constant 2 : i32
      %add3A_133 = arith.addi %scan3A_100, %add3A_132 : i32
      %lt3A_134 = arith.constant 125 : i32
      %lt3A_135 = arith.cmpi slt, %add3A_133, %lt3A_134 : i32
      %convert_element_type3A_136 = arith.extui %lt3A_135 : i1 to i32
      %cond3A_137 = arith.constant 0 : i32
      %cond3A_138 = arith.cmpi ne, %convert_element_type3A_136, %cond3A_137 : i32
      scf.if %cond3A_138 {
        %add3A_162 = arith.constant 2 : i32
        %add3A_163 = arith.addi %scan3A_100, %add3A_162 : i32
        %mul3A_164 = arith.constant 80 : i32
        %mul3A_165 = arith.muli %add3A_163, %mul3A_164 : i32
        %add3A_166 = arith.addi %mul3A_2, %mul3A_165 : i32
        %mul3A_167 = arith.constant 80 : i32
        %mul3A_168 = arith.muli %rem3A_103, %mul3A_167 : i32
        %mul3A_169 = arith.constant 80 : i32
        %mul3A_170 = arith.muli %add3A_163, %mul3A_169 : i32
        %add3A_171 = arith.addi %mul3A_2, %mul3A_170 : i32
        %mul3A_172 = arith.constant 80 : i32
        %mul3A_173 = arith.muli %rem3A_103, %mul3A_172 : i32
        %dma_start3A_174 = tpu.memref_slice %arg6[%mul3A_168] : memref<160xi32, #tpu.memory_space<vmem>> -> memref<80xi32, #tpu.memory_space<vmem>>
        %dma_start3A_175 = tpu.memref_slice %arg3[%add3A_166] : memref<320000xi32, #tpu.memory_space<hbm>> -> memref<80xi32, #tpu.memory_space<hbm>>
        %dma_start3A_176 = tpu.memref_slice %arg6[%mul3A_168] : memref<160xi32, #tpu.memory_space<vmem>> -> memref<80xi32, #tpu.memory_space<vmem>>
        %dma_start3A_177 = tpu.memref_slice %arg3[%add3A_166] : memref<320000xi32, #tpu.memory_space<hbm>> -> memref<80xi32, #tpu.memory_space<hbm>>
        tpu.enqueue_dma source(%dma_start3A_177 : memref<80xi32, #tpu.memory_space<hbm>>) target(%dma_start3A_176 : memref<80xi32, #tpu.memory_space<vmem>>) target_semaphore(%arg14 : memref<!tpu.dma_semaphore, #tpu.memory_space<semaphore_mem>>)
        %dma_start3A_178 = tpu.memref_slice %arg7[%mul3A_173] : memref<160xi32, #tpu.memory_space<vmem>> -> memref<80xi32, #tpu.memory_space<vmem>>
        %dma_start3A_179 = tpu.memref_slice %arg4[%add3A_171] : memref<320000xi32, #tpu.memory_space<hbm>> -> memref<80xi32, #tpu.memory_space<hbm>>
        %dma_start3A_180 = tpu.memref_slice %arg7[%mul3A_173] : memref<160xi32, #tpu.memory_space<vmem>> -> memref<80xi32, #tpu.memory_space<vmem>>
        %dma_start3A_181 = tpu.memref_slice %arg4[%add3A_171] : memref<320000xi32, #tpu.memory_space<hbm>> -> memref<80xi32, #tpu.memory_space<hbm>>
        tpu.enqueue_dma source(%dma_start3A_181 : memref<80xi32, #tpu.memory_space<hbm>>) target(%dma_start3A_180 : memref<80xi32, #tpu.memory_space<vmem>>) target_semaphore(%arg14 : memref<!tpu.dma_semaphore, #tpu.memory_space<semaphore_mem>>)
      } else {
      }
      %ge3A = arith.constant 2 : i32
      %ge3A_139 = arith.cmpi sge, %scan3A_100, %ge3A : i32
      %convert_element_type3A_140 = arith.extui %ge3A_139 : i1 to i32
      %cond3A_141 = arith.constant 0 : i32
      %cond3A_142 = arith.cmpi ne, %convert_element_type3A_140, %cond3A_141 : i32
      scf.if %cond3A_142 {
        %sub3A_162 = arith.constant 2 : i32
        %sub3A_163 = arith.subi %scan3A_100, %sub3A_162 : i32
        %mul3A_164 = arith.constant 80 : i32
        %mul3A_165 = arith.muli %rem3A_103, %mul3A_164 : i32
        %mul3A_166 = arith.constant 80 : i32
        %mul3A_167 = arith.muli %sub3A_163, %mul3A_166 : i32
        %add3A_168 = arith.addi %mul3A_2, %mul3A_167 : i32
        %dma_wait3A_169 = tpu.memref_slice %arg10[%mul3A_165] : memref<160xf32, #tpu.memory_space<vmem>> -> memref<80xf32, #tpu.memory_space<vmem>>
        %dma_wait3A_170 = tpu.memref_slice %arg5[%add3A_168] : memref<320000xf32, #tpu.memory_space<hbm>> -> memref<80xf32, #tpu.memory_space<hbm>>
        %dma_wait3A_171 = tpu.memref_slice %arg5[%add3A_168] : memref<320000xf32, #tpu.memory_space<hbm>> -> memref<80xf32, #tpu.memory_space<hbm>>
        %dma_wait3A_172 = tpu.memref_slice %arg10[%mul3A_165] : memref<160xf32, #tpu.memory_space<vmem>> -> memref<80xf32, #tpu.memory_space<vmem>>
        tpu.wait_dma2 semaphore(%arg15 : memref<!tpu.dma_semaphore, #tpu.memory_space<semaphore_mem>>) src(%dma_wait3A_172 : memref<80xf32, #tpu.memory_space<vmem>>) dst(%dma_wait3A_171 : memref<80xf32, #tpu.memory_space<hbm>>)
      } else {
      }
      %mul3A_143 = arith.constant 80 : i32
      %mul3A_144 = arith.muli %rem3A_103, %mul3A_143 : i32
      %scan3A_145 = arith.constant 0 : i32
      %scan3A_146 = arith.constant 0 : i32
      %scan3A_147 = arith.constant 5 : i32
      %scan3A_148 = arith.addi %scan3A_146, %scan3A_147 : i32
      %scan3A_149 = arith.constant 1 : i32
      %scan3A_150 = scf.for %scan3A_162 = %scan3A_146 to %scan3A_148 step %scan3A_149 iter_args(%scan3A_163 = %scan3A_145) -> (i32)  : i32 {
        %mul3A_164 = arith.constant 16 : i32
        %mul3A_165 = arith.muli %scan3A_162, %mul3A_164 : i32
        %add3A_166 = arith.addi %mul3A_144, %mul3A_165 : i32
        %add3A_167 = vector.broadcast %add3A_166 : i32 to vector<16xi32>
        %add3A_168 = arith.addi %add3A_167, %iota3A : vector<16xi32>
        %gather3A = tpu.vector_load_idx %arg8[%add3A_168, %iota3A] : memref<160x128xf32, #tpu.memory_space<vmem>>[vector<16xi32>, vector<16xi32>], vector<16xf32>,
        %gather3A_169 = tpu.vector_load_idx %arg9[%add3A_168, %iota3A] : memref<160x128xf32, #tpu.memory_space<vmem>>[vector<16xi32>, vector<16xi32>], vector<16xf32>,
        %mul3A_170 = arith.mulf %gather3A, %gather3A_169 : vector<16xf32>
        %add3A_171 = arith.constant 1 : i32
        %add3A_172 = vector.broadcast %add3A_171 : i32 to vector<16xi32>
        %add3A_173 = arith.addi %iota3A, %add3A_172 : vector<16xi32>
        %and3A = arith.constant 127 : i32
        %and3A_174 = vector.broadcast %and3A : i32 to vector<16xi32>
        %and3A_175 = arith.andi %add3A_173, %and3A_174 : vector<16xi32>
        %gather3A_176 = tpu.vector_load_idx %arg8[%add3A_168, %and3A_175] : memref<160x128xf32, #tpu.memory_space<vmem>>[vector<16xi32>, vector<16xi32>], vector<16xf32>,
        %gather3A_177 = tpu.vector_load_idx %arg9[%add3A_168, %and3A_175] : memref<160x128xf32, #tpu.memory_space<vmem>>[vector<16xi32>, vector<16xi32>], vector<16xf32>,
        %mul3A_178 = arith.mulf %gather3A_176, %gather3A_177 : vector<16xf32>
        %add3A_179 = arith.addf %mul3A_170, %mul3A_178 : vector<16xf32>
        %add3A_180 = arith.constant 1 : i32
        %add3A_181 = vector.broadcast %add3A_180 : i32 to vector<16xi32>
        %add3A_182 = arith.addi %and3A_175, %add3A_181 : vector<16xi32>
        %and3A_183 = arith.constant 127 : i32
        %and3A_184 = vector.broadcast %and3A_183 : i32 to vector<16xi32>
        %and3A_185 = arith.andi %add3A_182, %and3A_184 : vector<16xi32>
        %gather3A_186 = tpu.vector_load_idx %arg8[%add3A_168, %and3A_185] : memref<160x128xf32, #tpu.memory_space<vmem>>[vector<16xi32>, vector<16xi32>], vector<16xf32>,
        %gather3A_187 = tpu.vector_load_idx %arg9[%add3A_168, %and3A_185] : memref<160x128xf32, #tpu.memory_space<vmem>>[vector<16xi32>, vector<16xi32>], vector<16xf32>,
        %mul3A_188 = arith.mulf %gather3A_186, %gather3A_187 : vector<16xf32>
        %add3A_189 = arith.addf %add3A_179, %mul3A_188 : vector<16xf32>
        %add3A_190 = arith.constant 1 : i32
        %add3A_191 = vector.broadcast %add3A_190 : i32 to vector<16xi32>
        %add3A_192 = arith.addi %and3A_185, %add3A_191 : vector<16xi32>
        %and3A_193 = arith.constant 127 : i32
        %and3A_194 = vector.broadcast %and3A_193 : i32 to vector<16xi32>
        %and3A_195 = arith.andi %add3A_192, %and3A_194 : vector<16xi32>
        %gather3A_196 = tpu.vector_load_idx %arg8[%add3A_168, %and3A_195] : memref<160x128xf32, #tpu.memory_space<vmem>>[vector<16xi32>, vector<16xi32>], vector<16xf32>,
        %gather3A_197 = tpu.vector_load_idx %arg9[%add3A_168, %and3A_195] : memref<160x128xf32, #tpu.memory_space<vmem>>[vector<16xi32>, vector<16xi32>], vector<16xf32>,
        %mul3A_198 = arith.mulf %gather3A_196, %gather3A_197 : vector<16xf32>
        %add3A_199 = arith.addf %add3A_189, %mul3A_198 : vector<16xf32>
        %add3A_200 = arith.constant 1 : i32
        %add3A_201 = vector.broadcast %add3A_200 : i32 to vector<16xi32>
        %add3A_202 = arith.addi %and3A_195, %add3A_201 : vector<16xi32>
        %and3A_203 = arith.constant 127 : i32
        %and3A_204 = vector.broadcast %and3A_203 : i32 to vector<16xi32>
        %and3A_205 = arith.andi %add3A_202, %and3A_204 : vector<16xi32>
        %gather3A_206 = tpu.vector_load_idx %arg8[%add3A_168, %and3A_205] : memref<160x128xf32, #tpu.memory_space<vmem>>[vector<16xi32>, vector<16xi32>], vector<16xf32>,
        %gather3A_207 = tpu.vector_load_idx %arg9[%add3A_168, %and3A_205] : memref<160x128xf32, #tpu.memory_space<vmem>>[vector<16xi32>, vector<16xi32>], vector<16xf32>,
        %mul3A_208 = arith.mulf %gather3A_206, %gather3A_207 : vector<16xf32>
        %add3A_209 = arith.addf %add3A_199, %mul3A_208 : vector<16xf32>
        %add3A_210 = arith.constant 1 : i32
        %add3A_211 = vector.broadcast %add3A_210 : i32 to vector<16xi32>
        %add3A_212 = arith.addi %and3A_205, %add3A_211 : vector<16xi32>
        %and3A_213 = arith.constant 127 : i32
        %and3A_214 = vector.broadcast %and3A_213 : i32 to vector<16xi32>
        %and3A_215 = arith.andi %add3A_212, %and3A_214 : vector<16xi32>
        %gather3A_216 = tpu.vector_load_idx %arg8[%add3A_168, %and3A_215] : memref<160x128xf32, #tpu.memory_space<vmem>>[vector<16xi32>, vector<16xi32>], vector<16xf32>,
        %gather3A_217 = tpu.vector_load_idx %arg9[%add3A_168, %and3A_215] : memref<160x128xf32, #tpu.memory_space<vmem>>[vector<16xi32>, vector<16xi32>], vector<16xf32>,
        %mul3A_218 = arith.mulf %gather3A_216, %gather3A_217 : vector<16xf32>
        %add3A_219 = arith.addf %add3A_209, %mul3A_218 : vector<16xf32>
        %add3A_220 = arith.constant 1 : i32
        %add3A_221 = vector.broadcast %add3A_220 : i32 to vector<16xi32>
        %add3A_222 = arith.addi %and3A_215, %add3A_221 : vector<16xi32>
        %and3A_223 = arith.constant 127 : i32
        %and3A_224 = vector.broadcast %and3A_223 : i32 to vector<16xi32>
        %and3A_225 = arith.andi %add3A_222, %and3A_224 : vector<16xi32>
        %gather3A_226 = tpu.vector_load_idx %arg8[%add3A_168, %and3A_225] : memref<160x128xf32, #tpu.memory_space<vmem>>[vector<16xi32>, vector<16xi32>], vector<16xf32>,
        %gather3A_227 = tpu.vector_load_idx %arg9[%add3A_168, %and3A_225] : memref<160x128xf32, #tpu.memory_space<vmem>>[vector<16xi32>, vector<16xi32>], vector<16xf32>,
        %mul3A_228 = arith.mulf %gather3A_226, %gather3A_227 : vector<16xf32>
        %add3A_229 = arith.addf %add3A_219, %mul3A_228 : vector<16xf32>
        %add3A_230 = arith.constant 1 : i32
        %add3A_231 = vector.broadcast %add3A_230 : i32 to vector<16xi32>
        %add3A_232 = arith.addi %and3A_225, %add3A_231 : vector<16xi32>
        %and3A_233 = arith.constant 127 : i32
        %and3A_234 = vector.broadcast %and3A_233 : i32 to vector<16xi32>
        %and3A_235 = arith.andi %add3A_232, %and3A_234 : vector<16xi32>
        %gather3A_236 = tpu.vector_load_idx %arg8[%add3A_168, %and3A_235] : memref<160x128xf32, #tpu.memory_space<vmem>>[vector<16xi32>, vector<16xi32>], vector<16xf32>,
        %gather3A_237 = tpu.vector_load_idx %arg9[%add3A_168, %and3A_235] : memref<160x128xf32, #tpu.memory_space<vmem>>[vector<16xi32>, vector<16xi32>], vector<16xf32>,
        %mul3A_238 = arith.mulf %gather3A_236, %gather3A_237 : vector<16xf32>
        %add3A_239 = arith.addf %add3A_229, %mul3A_238 : vector<16xf32>
        %add3A_240 = arith.constant 1 : i32
        %add3A_241 = vector.broadcast %add3A_240 : i32 to vector<16xi32>
        %add3A_242 = arith.addi %and3A_235, %add3A_241 : vector<16xi32>
        %and3A_243 = arith.constant 127 : i32
        %and3A_244 = vector.broadcast %and3A_243 : i32 to vector<16xi32>
        %and3A_245 = arith.andi %add3A_242, %and3A_244 : vector<16xi32>
        %gather3A_246 = tpu.vector_load_idx %arg8[%add3A_168, %and3A_245] : memref<160x128xf32, #tpu.memory_space<vmem>>[vector<16xi32>, vector<16xi32>], vector<16xf32>,
        %gather3A_247 = tpu.vector_load_idx %arg9[%add3A_168, %and3A_245] : memref<160x128xf32, #tpu.memory_space<vmem>>[vector<16xi32>, vector<16xi32>], vector<16xf32>,
        %mul3A_248 = arith.mulf %gather3A_246, %gather3A_247 : vector<16xf32>
        %add3A_249 = arith.addf %add3A_239, %mul3A_248 : vector<16xf32>
        %add3A_250 = arith.constant 1 : i32
        %add3A_251 = vector.broadcast %add3A_250 : i32 to vector<16xi32>
        %add3A_252 = arith.addi %and3A_245, %add3A_251 : vector<16xi32>
        %and3A_253 = arith.constant 127 : i32
        %and3A_254 = vector.broadcast %and3A_253 : i32 to vector<16xi32>
        %and3A_255 = arith.andi %add3A_252, %and3A_254 : vector<16xi32>
        %gather3A_256 = tpu.vector_load_idx %arg8[%add3A_168, %and3A_255] : memref<160x128xf32, #tpu.memory_space<vmem>>[vector<16xi32>, vector<16xi32>], vector<16xf32>,
        %gather3A_257 = tpu.vector_load_idx %arg9[%add3A_168, %and3A_255] : memref<160x128xf32, #tpu.memory_space<vmem>>[vector<16xi32>, vector<16xi32>], vector<16xf32>,
        %mul3A_258 = arith.mulf %gather3A_256, %gather3A_257 : vector<16xf32>
        %add3A_259 = arith.addf %add3A_249, %mul3A_258 : vector<16xf32>
        %add3A_260 = arith.constant 1 : i32
        %add3A_261 = vector.broadcast %add3A_260 : i32 to vector<16xi32>
        %add3A_262 = arith.addi %and3A_255, %add3A_261 : vector<16xi32>
        %and3A_263 = arith.constant 127 : i32
        %and3A_264 = vector.broadcast %and3A_263 : i32 to vector<16xi32>
        %and3A_265 = arith.andi %add3A_262, %and3A_264 : vector<16xi32>
        %gather3A_266 = tpu.vector_load_idx %arg8[%add3A_168, %and3A_265] : memref<160x128xf32, #tpu.memory_space<vmem>>[vector<16xi32>, vector<16xi32>], vector<16xf32>,
        %gather3A_267 = tpu.vector_load_idx %arg9[%add3A_168, %and3A_265] : memref<160x128xf32, #tpu.memory_space<vmem>>[vector<16xi32>, vector<16xi32>], vector<16xf32>,
        %mul3A_268 = arith.mulf %gather3A_266, %gather3A_267 : vector<16xf32>
        %add3A_269 = arith.addf %add3A_259, %mul3A_268 : vector<16xf32>
        %add3A_270 = arith.constant 1 : i32
        %add3A_271 = vector.broadcast %add3A_270 : i32 to vector<16xi32>
        %add3A_272 = arith.addi %and3A_265, %add3A_271 : vector<16xi32>
        %and3A_273 = arith.constant 127 : i32
        %and3A_274 = vector.broadcast %and3A_273 : i32 to vector<16xi32>
        %and3A_275 = arith.andi %add3A_272, %and3A_274 : vector<16xi32>
        %gather3A_276 = tpu.vector_load_idx %arg8[%add3A_168, %and3A_275] : memref<160x128xf32, #tpu.memory_space<vmem>>[vector<16xi32>, vector<16xi32>], vector<16xf32>,
        %gather3A_277 = tpu.vector_load_idx %arg9[%add3A_168, %and3A_275] : memref<160x128xf32, #tpu.memory_space<vmem>>[vector<16xi32>, vector<16xi32>], vector<16xf32>,
        %mul3A_278 = arith.mulf %gather3A_276, %gather3A_277 : vector<16xf32>
        %add3A_279 = arith.addf %add3A_269, %mul3A_278 : vector<16xf32>
        %add3A_280 = arith.constant 1 : i32
        %add3A_281 = vector.broadcast %add3A_280 : i32 to vector<16xi32>
        %add3A_282 = arith.addi %and3A_275, %add3A_281 : vector<16xi32>
        %and3A_283 = arith.constant 127 : i32
        %and3A_284 = vector.broadcast %and3A_283 : i32 to vector<16xi32>
        %and3A_285 = arith.andi %add3A_282, %and3A_284 : vector<16xi32>
        %gather3A_286 = tpu.vector_load_idx %arg8[%add3A_168, %and3A_285] : memref<160x128xf32, #tpu.memory_space<vmem>>[vector<16xi32>, vector<16xi32>], vector<16xf32>,
        %gather3A_287 = tpu.vector_load_idx %arg9[%add3A_168, %and3A_285] : memref<160x128xf32, #tpu.memory_space<vmem>>[vector<16xi32>, vector<16xi32>], vector<16xf32>,
        %mul3A_288 = arith.mulf %gather3A_286, %gather3A_287 : vector<16xf32>
        %add3A_289 = arith.addf %add3A_279, %mul3A_288 : vector<16xf32>
        %add3A_290 = arith.constant 1 : i32
        %add3A_291 = vector.broadcast %add3A_290 : i32 to vector<16xi32>
        %add3A_292 = arith.addi %and3A_285, %add3A_291 : vector<16xi32>
        %and3A_293 = arith.constant 127 : i32
        %and3A_294 = vector.broadcast %and3A_293 : i32 to vector<16xi32>
        %and3A_295 = arith.andi %add3A_292, %and3A_294 : vector<16xi32>
        %gather3A_296 = tpu.vector_load_idx %arg8[%add3A_168, %and3A_295] : memref<160x128xf32, #tpu.memory_space<vmem>>[vector<16xi32>, vector<16xi32>], vector<16xf32>,
        %gather3A_297 = tpu.vector_load_idx %arg9[%add3A_168, %and3A_295] : memref<160x128xf32, #tpu.memory_space<vmem>>[vector<16xi32>, vector<16xi32>], vector<16xf32>,
        %mul3A_298 = arith.mulf %gather3A_296, %gather3A_297 : vector<16xf32>
        %add3A_299 = arith.addf %add3A_289, %mul3A_298 : vector<16xf32>
        %add3A_300 = arith.constant 1 : i32
        %add3A_301 = vector.broadcast %add3A_300 : i32 to vector<16xi32>
        %add3A_302 = arith.addi %and3A_295, %add3A_301 : vector<16xi32>
        %and3A_303 = arith.constant 127 : i32
        %and3A_304 = vector.broadcast %and3A_303 : i32 to vector<16xi32>
        %and3A_305 = arith.andi %add3A_302, %and3A_304 : vector<16xi32>
        %gather3A_306 = tpu.vector_load_idx %arg8[%add3A_168, %and3A_305] : memref<160x128xf32, #tpu.memory_space<vmem>>[vector<16xi32>, vector<16xi32>], vector<16xf32>,
        %gather3A_307 = tpu.vector_load_idx %arg9[%add3A_168, %and3A_305] : memref<160x128xf32, #tpu.memory_space<vmem>>[vector<16xi32>, vector<16xi32>], vector<16xf32>,
        %mul3A_308 = arith.mulf %gather3A_306, %gather3A_307 : vector<16xf32>
        %add3A_309 = arith.addf %add3A_299, %mul3A_308 : vector<16xf32>
        %add3A_310 = arith.constant 1 : i32
        %add3A_311 = vector.broadcast %add3A_310 : i32 to vector<16xi32>
        %add3A_312 = arith.addi %and3A_305, %add3A_311 : vector<16xi32>
        %and3A_313 = arith.constant 127 : i32
        %and3A_314 = vector.broadcast %and3A_313 : i32 to vector<16xi32>
        %and3A_315 = arith.andi %add3A_312, %and3A_314 : vector<16xi32>
        %gather3A_316 = tpu.vector_load_idx %arg8[%add3A_168, %and3A_315] : memref<160x128xf32, #tpu.memory_space<vmem>>[vector<16xi32>, vector<16xi32>], vector<16xf32>,
        %gather3A_317 = tpu.vector_load_idx %arg9[%add3A_168, %and3A_315] : memref<160x128xf32, #tpu.memory_space<vmem>>[vector<16xi32>, vector<16xi32>], vector<16xf32>,
        %mul3A_318 = arith.mulf %gather3A_316, %gather3A_317 : vector<16xf32>
        %add3A_319 = arith.addf %add3A_309, %mul3A_318 : vector<16xf32>
        %add3A_320 = arith.constant 1 : i32
        %add3A_321 = vector.broadcast %add3A_320 : i32 to vector<16xi32>
        %add3A_322 = arith.addi %and3A_315, %add3A_321 : vector<16xi32>
        %and3A_323 = arith.constant 127 : i32
        %and3A_324 = vector.broadcast %and3A_323 : i32 to vector<16xi32>
        %and3A_325 = arith.andi %add3A_322, %and3A_324 : vector<16xi32>
        %gather3A_326 = tpu.vector_load_idx %arg8[%add3A_168, %and3A_325] : memref<160x128xf32, #tpu.memory_space<vmem>>[vector<16xi32>, vector<16xi32>], vector<16xf32>,
        %gather3A_327 = tpu.vector_load_idx %arg9[%add3A_168, %and3A_325] : memref<160x128xf32, #tpu.memory_space<vmem>>[vector<16xi32>, vector<16xi32>], vector<16xf32>,
        %mul3A_328 = arith.mulf %gather3A_326, %gather3A_327 : vector<16xf32>
        %add3A_329 = arith.addf %add3A_319, %mul3A_328 : vector<16xf32>
        %add3A_330 = arith.constant 1 : i32
        %add3A_331 = vector.broadcast %add3A_330 : i32 to vector<16xi32>
        %add3A_332 = arith.addi %and3A_325, %add3A_331 : vector<16xi32>
        %and3A_333 = arith.constant 127 : i32
        %and3A_334 = vector.broadcast %and3A_333 : i32 to vector<16xi32>
        %and3A_335 = arith.andi %add3A_332, %and3A_334 : vector<16xi32>
        %gather3A_336 = tpu.vector_load_idx %arg8[%add3A_168, %and3A_335] : memref<160x128xf32, #tpu.memory_space<vmem>>[vector<16xi32>, vector<16xi32>], vector<16xf32>,
        %gather3A_337 = tpu.vector_load_idx %arg9[%add3A_168, %and3A_335] : memref<160x128xf32, #tpu.memory_space<vmem>>[vector<16xi32>, vector<16xi32>], vector<16xf32>,
        %mul3A_338 = arith.mulf %gather3A_336, %gather3A_337 : vector<16xf32>
        %add3A_339 = arith.addf %add3A_329, %mul3A_338 : vector<16xf32>
        %add3A_340 = arith.constant 1 : i32
        %add3A_341 = vector.broadcast %add3A_340 : i32 to vector<16xi32>
        %add3A_342 = arith.addi %and3A_335, %add3A_341 : vector<16xi32>
        %and3A_343 = arith.constant 127 : i32
        %and3A_344 = vector.broadcast %and3A_343 : i32 to vector<16xi32>
        %and3A_345 = arith.andi %add3A_342, %and3A_344 : vector<16xi32>
        %gather3A_346 = tpu.vector_load_idx %arg8[%add3A_168, %and3A_345] : memref<160x128xf32, #tpu.memory_space<vmem>>[vector<16xi32>, vector<16xi32>], vector<16xf32>,
        %gather3A_347 = tpu.vector_load_idx %arg9[%add3A_168, %and3A_345] : memref<160x128xf32, #tpu.memory_space<vmem>>[vector<16xi32>, vector<16xi32>], vector<16xf32>,
        %mul3A_348 = arith.mulf %gather3A_346, %gather3A_347 : vector<16xf32>
        %add3A_349 = arith.addf %add3A_339, %mul3A_348 : vector<16xf32>
        %add3A_350 = arith.constant 1 : i32
        %add3A_351 = vector.broadcast %add3A_350 : i32 to vector<16xi32>
        %add3A_352 = arith.addi %and3A_345, %add3A_351 : vector<16xi32>
        %and3A_353 = arith.constant 127 : i32
        %and3A_354 = vector.broadcast %and3A_353 : i32 to vector<16xi32>
        %and3A_355 = arith.andi %add3A_352, %and3A_354 : vector<16xi32>
        %gather3A_356 = tpu.vector_load_idx %arg8[%add3A_168, %and3A_355] : memref<160x128xf32, #tpu.memory_space<vmem>>[vector<16xi32>, vector<16xi32>], vector<16xf32>,
        %gather3A_357 = tpu.vector_load_idx %arg9[%add3A_168, %and3A_355] : memref<160x128xf32, #tpu.memory_space<vmem>>[vector<16xi32>, vector<16xi32>], vector<16xf32>,
        %mul3A_358 = arith.mulf %gather3A_356, %gather3A_357 : vector<16xf32>
        %add3A_359 = arith.addf %add3A_349, %mul3A_358 : vector<16xf32>
        %add3A_360 = arith.constant 1 : i32
        %add3A_361 = vector.broadcast %add3A_360 : i32 to vector<16xi32>
        %add3A_362 = arith.addi %and3A_355, %add3A_361 : vector<16xi32>
        %and3A_363 = arith.constant 127 : i32
        %and3A_364 = vector.broadcast %and3A_363 : i32 to vector<16xi32>
        %and3A_365 = arith.andi %add3A_362, %and3A_364 : vector<16xi32>
        %gather3A_366 = tpu.vector_load_idx %arg8[%add3A_168, %and3A_365] : memref<160x128xf32, #tpu.memory_space<vmem>>[vector<16xi32>, vector<16xi32>], vector<16xf32>,
        %gather3A_367 = tpu.vector_load_idx %arg9[%add3A_168, %and3A_365] : memref<160x128xf32, #tpu.memory_space<vmem>>[vector<16xi32>, vector<16xi32>], vector<16xf32>,
        %mul3A_368 = arith.mulf %gather3A_366, %gather3A_367 : vector<16xf32>
        %add3A_369 = arith.addf %add3A_359, %mul3A_368 : vector<16xf32>
        %add3A_370 = arith.constant 1 : i32
        %add3A_371 = vector.broadcast %add3A_370 : i32 to vector<16xi32>
        %add3A_372 = arith.addi %and3A_365, %add3A_371 : vector<16xi32>
        %and3A_373 = arith.constant 127 : i32
        %and3A_374 = vector.broadcast %and3A_373 : i32 to vector<16xi32>
        %and3A_375 = arith.andi %add3A_372, %and3A_374 : vector<16xi32>
        %gather3A_376 = tpu.vector_load_idx %arg8[%add3A_168, %and3A_375] : memref<160x128xf32, #tpu.memory_space<vmem>>[vector<16xi32>, vector<16xi32>], vector<16xf32>,
        %gather3A_377 = tpu.vector_load_idx %arg9[%add3A_168, %and3A_375] : memref<160x128xf32, #tpu.memory_space<vmem>>[vector<16xi32>, vector<16xi32>], vector<16xf32>,
        %mul3A_378 = arith.mulf %gather3A_376, %gather3A_377 : vector<16xf32>
        %add3A_379 = arith.addf %add3A_369, %mul3A_378 : vector<16xf32>
        %add3A_380 = arith.constant 1 : i32
        %add3A_381 = vector.broadcast %add3A_380 : i32 to vector<16xi32>
        %add3A_382 = arith.addi %and3A_375, %add3A_381 : vector<16xi32>
        %and3A_383 = arith.constant 127 : i32
        %and3A_384 = vector.broadcast %and3A_383 : i32 to vector<16xi32>
        %and3A_385 = arith.andi %add3A_382, %and3A_384 : vector<16xi32>
        %gather3A_386 = tpu.vector_load_idx %arg8[%add3A_168, %and3A_385] : memref<160x128xf32, #tpu.memory_space<vmem>>[vector<16xi32>, vector<16xi32>], vector<16xf32>,
        %gather3A_387 = tpu.vector_load_idx %arg9[%add3A_168, %and3A_385] : memref<160x128xf32, #tpu.memory_space<vmem>>[vector<16xi32>, vector<16xi32>], vector<16xf32>,
        %mul3A_388 = arith.mulf %gather3A_386, %gather3A_387 : vector<16xf32>
        %add3A_389 = arith.addf %add3A_379, %mul3A_388 : vector<16xf32>
        %add3A_390 = arith.constant 1 : i32
        %add3A_391 = vector.broadcast %add3A_390 : i32 to vector<16xi32>
        %add3A_392 = arith.addi %and3A_385, %add3A_391 : vector<16xi32>
        %and3A_393 = arith.constant 127 : i32
        %and3A_394 = vector.broadcast %and3A_393 : i32 to vector<16xi32>
        %and3A_395 = arith.andi %add3A_392, %and3A_394 : vector<16xi32>
        %gather3A_396 = tpu.vector_load_idx %arg8[%add3A_168, %and3A_395] : memref<160x128xf32, #tpu.memory_space<vmem>>[vector<16xi32>, vector<16xi32>], vector<16xf32>,
        %gather3A_397 = tpu.vector_load_idx %arg9[%add3A_168, %and3A_395] : memref<160x128xf32, #tpu.memory_space<vmem>>[vector<16xi32>, vector<16xi32>], vector<16xf32>,
        %mul3A_398 = arith.mulf %gather3A_396, %gather3A_397 : vector<16xf32>
        %add3A_399 = arith.addf %add3A_389, %mul3A_398 : vector<16xf32>
        %add3A_400 = arith.constant 1 : i32
        %add3A_401 = vector.broadcast %add3A_400 : i32 to vector<16xi32>
        %add3A_402 = arith.addi %and3A_395, %add3A_401 : vector<16xi32>
        %and3A_403 = arith.constant 127 : i32
        %and3A_404 = vector.broadcast %and3A_403 : i32 to vector<16xi32>
        %and3A_405 = arith.andi %add3A_402, %and3A_404 : vector<16xi32>
        %gather3A_406 = tpu.vector_load_idx %arg8[%add3A_168, %and3A_405] : memref<160x128xf32, #tpu.memory_space<vmem>>[vector<16xi32>, vector<16xi32>], vector<16xf32>,
        %gather3A_407 = tpu.vector_load_idx %arg9[%add3A_168, %and3A_405] : memref<160x128xf32, #tpu.memory_space<vmem>>[vector<16xi32>, vector<16xi32>], vector<16xf32>,
        %mul3A_408 = arith.mulf %gather3A_406, %gather3A_407 : vector<16xf32>
        %add3A_409 = arith.addf %add3A_399, %mul3A_408 : vector<16xf32>
        %add3A_410 = arith.constant 1 : i32
        %add3A_411 = vector.broadcast %add3A_410 : i32 to vector<16xi32>
        %add3A_412 = arith.addi %and3A_405, %add3A_411 : vector<16xi32>
        %and3A_413 = arith.constant 127 : i32
        %and3A_414 = vector.broadcast %and3A_413 : i32 to vector<16xi32>
        %and3A_415 = arith.andi %add3A_412, %and3A_414 : vector<16xi32>
        %gather3A_416 = tpu.vector_load_idx %arg8[%add3A_168, %and3A_415] : memref<160x128xf32, #tpu.memory_space<vmem>>[vector<16xi32>, vector<16xi32>], vector<16xf32>,
        %gather3A_417 = tpu.vector_load_idx %arg9[%add3A_168, %and3A_415] : memref<160x128xf32, #tpu.memory_space<vmem>>[vector<16xi32>, vector<16xi32>], vector<16xf32>,
        %mul3A_418 = arith.mulf %gather3A_416, %gather3A_417 : vector<16xf32>
        %add3A_419 = arith.addf %add3A_409, %mul3A_418 : vector<16xf32>
        %add3A_420 = arith.constant 1 : i32
        %add3A_421 = vector.broadcast %add3A_420 : i32 to vector<16xi32>
        %add3A_422 = arith.addi %and3A_415, %add3A_421 : vector<16xi32>
        %and3A_423 = arith.constant 127 : i32
        %and3A_424 = vector.broadcast %and3A_423 : i32 to vector<16xi32>
        %and3A_425 = arith.andi %add3A_422, %and3A_424 : vector<16xi32>
        %gather3A_426 = tpu.vector_load_idx %arg8[%add3A_168, %and3A_425] : memref<160x128xf32, #tpu.memory_space<vmem>>[vector<16xi32>, vector<16xi32>], vector<16xf32>,
        %gather3A_427 = tpu.vector_load_idx %arg9[%add3A_168, %and3A_425] : memref<160x128xf32, #tpu.memory_space<vmem>>[vector<16xi32>, vector<16xi32>], vector<16xf32>,
        %mul3A_428 = arith.mulf %gather3A_426, %gather3A_427 : vector<16xf32>
        %add3A_429 = arith.addf %add3A_419, %mul3A_428 : vector<16xf32>
        %add3A_430 = arith.constant 1 : i32
        %add3A_431 = vector.broadcast %add3A_430 : i32 to vector<16xi32>
        %add3A_432 = arith.addi %and3A_425, %add3A_431 : vector<16xi32>
        %and3A_433 = arith.constant 127 : i32
        %and3A_434 = vector.broadcast %and3A_433 : i32 to vector<16xi32>
        %and3A_435 = arith.andi %add3A_432, %and3A_434 : vector<16xi32>
        %gather3A_436 = tpu.vector_load_idx %arg8[%add3A_168, %and3A_435] : memref<160x128xf32, #tpu.memory_space<vmem>>[vector<16xi32>, vector<16xi32>], vector<16xf32>,
        %gather3A_437 = tpu.vector_load_idx %arg9[%add3A_168, %and3A_435] : memref<160x128xf32, #tpu.memory_space<vmem>>[vector<16xi32>, vector<16xi32>], vector<16xf32>,
        %mul3A_438 = arith.mulf %gather3A_436, %gather3A_437 : vector<16xf32>
        %add3A_439 = arith.addf %add3A_429, %mul3A_438 : vector<16xf32>
        %add3A_440 = arith.constant 1 : i32
        %add3A_441 = vector.broadcast %add3A_440 : i32 to vector<16xi32>
        %add3A_442 = arith.addi %and3A_435, %add3A_441 : vector<16xi32>
        %and3A_443 = arith.constant 127 : i32
        %and3A_444 = vector.broadcast %and3A_443 : i32 to vector<16xi32>
        %and3A_445 = arith.andi %add3A_442, %and3A_444 : vector<16xi32>
        %gather3A_446 = tpu.vector_load_idx %arg8[%add3A_168, %and3A_445] : memref<160x128xf32, #tpu.memory_space<vmem>>[vector<16xi32>, vector<16xi32>], vector<16xf32>,
        %gather3A_447 = tpu.vector_load_idx %arg9[%add3A_168, %and3A_445] : memref<160x128xf32, #tpu.memory_space<vmem>>[vector<16xi32>, vector<16xi32>], vector<16xf32>,
        %mul3A_448 = arith.mulf %gather3A_446, %gather3A_447 : vector<16xf32>
        %add3A_449 = arith.addf %add3A_439, %mul3A_448 : vector<16xf32>
        %add3A_450 = arith.constant 1 : i32
        %add3A_451 = vector.broadcast %add3A_450 : i32 to vector<16xi32>
        %add3A_452 = arith.addi %and3A_445, %add3A_451 : vector<16xi32>
        %and3A_453 = arith.constant 127 : i32
        %and3A_454 = vector.broadcast %and3A_453 : i32 to vector<16xi32>
        %and3A_455 = arith.andi %add3A_452, %and3A_454 : vector<16xi32>
        %gather3A_456 = tpu.vector_load_idx %arg8[%add3A_168, %and3A_455] : memref<160x128xf32, #tpu.memory_space<vmem>>[vector<16xi32>, vector<16xi32>], vector<16xf32>,
        %gather3A_457 = tpu.vector_load_idx %arg9[%add3A_168, %and3A_455] : memref<160x128xf32, #tpu.memory_space<vmem>>[vector<16xi32>, vector<16xi32>], vector<16xf32>,
        %mul3A_458 = arith.mulf %gather3A_456, %gather3A_457 : vector<16xf32>
        %add3A_459 = arith.addf %add3A_449, %mul3A_458 : vector<16xf32>
        %add3A_460 = arith.constant 1 : i32
        %add3A_461 = vector.broadcast %add3A_460 : i32 to vector<16xi32>
        %add3A_462 = arith.addi %and3A_455, %add3A_461 : vector<16xi32>
        %and3A_463 = arith.constant 127 : i32
        %and3A_464 = vector.broadcast %and3A_463 : i32 to vector<16xi32>
        %and3A_465 = arith.andi %add3A_462, %and3A_464 : vector<16xi32>
        %gather3A_466 = tpu.vector_load_idx %arg8[%add3A_168, %and3A_465] : memref<160x128xf32, #tpu.memory_space<vmem>>[vector<16xi32>, vector<16xi32>], vector<16xf32>,
        %gather3A_467 = tpu.vector_load_idx %arg9[%add3A_168, %and3A_465] : memref<160x128xf32, #tpu.memory_space<vmem>>[vector<16xi32>, vector<16xi32>], vector<16xf32>,
        %mul3A_468 = arith.mulf %gather3A_466, %gather3A_467 : vector<16xf32>
        %add3A_469 = arith.addf %add3A_459, %mul3A_468 : vector<16xf32>
        %add3A_470 = arith.constant 1 : i32
        %add3A_471 = vector.broadcast %add3A_470 : i32 to vector<16xi32>
        %add3A_472 = arith.addi %and3A_465, %add3A_471 : vector<16xi32>
        %and3A_473 = arith.constant 127 : i32
        %and3A_474 = vector.broadcast %and3A_473 : i32 to vector<16xi32>
        %and3A_475 = arith.andi %add3A_472, %and3A_474 : vector<16xi32>
        %gather3A_476 = tpu.vector_load_idx %arg8[%add3A_168, %and3A_475] : memref<160x128xf32, #tpu.memory_space<vmem>>[vector<16xi32>, vector<16xi32>], vector<16xf32>,
        %gather3A_477 = tpu.vector_load_idx %arg9[%add3A_168, %and3A_475] : memref<160x128xf32, #tpu.memory_space<vmem>>[vector<16xi32>, vector<16xi32>], vector<16xf32>,
        %mul3A_478 = arith.mulf %gather3A_476, %gather3A_477 : vector<16xf32>
        %add3A_479 = arith.addf %add3A_469, %mul3A_478 : vector<16xf32>
        %add3A_480 = arith.constant 1 : i32
        %add3A_481 = vector.broadcast %add3A_480 : i32 to vector<16xi32>
        %add3A_482 = arith.addi %and3A_475, %add3A_481 : vector<16xi32>
        %and3A_483 = arith.constant 127 : i32
        %and3A_484 = vector.broadcast %and3A_483 : i32 to vector<16xi32>
        %and3A_485 = arith.andi %add3A_482, %and3A_484 : vector<16xi32>
        %gather3A_486 = tpu.vector_load_idx %arg8[%add3A_168, %and3A_485] : memref<160x128xf32, #tpu.memory_space<vmem>>[vector<16xi32>, vector<16xi32>], vector<16xf32>,
        %gather3A_487 = tpu.vector_load_idx %arg9[%add3A_168, %and3A_485] : memref<160x128xf32, #tpu.memory_space<vmem>>[vector<16xi32>, vector<16xi32>], vector<16xf32>,
        %mul3A_488 = arith.mulf %gather3A_486, %gather3A_487 : vector<16xf32>
        %add3A_489 = arith.addf %add3A_479, %mul3A_488 : vector<16xf32>
        %add3A_490 = arith.constant 1 : i32
        %add3A_491 = vector.broadcast %add3A_490 : i32 to vector<16xi32>
        %add3A_492 = arith.addi %and3A_485, %add3A_491 : vector<16xi32>
        %and3A_493 = arith.constant 127 : i32
        %and3A_494 = vector.broadcast %and3A_493 : i32 to vector<16xi32>
        %and3A_495 = arith.andi %add3A_492, %and3A_494 : vector<16xi32>
        %gather3A_496 = tpu.vector_load_idx %arg8[%add3A_168, %and3A_495] : memref<160x128xf32, #tpu.memory_space<vmem>>[vector<16xi32>, vector<16xi32>], vector<16xf32>,
        %gather3A_497 = tpu.vector_load_idx %arg9[%add3A_168, %and3A_495] : memref<160x128xf32, #tpu.memory_space<vmem>>[vector<16xi32>, vector<16xi32>], vector<16xf32>,
        %mul3A_498 = arith.mulf %gather3A_496, %gather3A_497 : vector<16xf32>
        %add3A_499 = arith.addf %add3A_489, %mul3A_498 : vector<16xf32>
        %add3A_500 = arith.constant 1 : i32
        %add3A_501 = vector.broadcast %add3A_500 : i32 to vector<16xi32>
        %add3A_502 = arith.addi %and3A_495, %add3A_501 : vector<16xi32>
        %and3A_503 = arith.constant 127 : i32
        %and3A_504 = vector.broadcast %and3A_503 : i32 to vector<16xi32>
        %and3A_505 = arith.andi %add3A_502, %and3A_504 : vector<16xi32>
        %gather3A_506 = tpu.vector_load_idx %arg8[%add3A_168, %and3A_505] : memref<160x128xf32, #tpu.memory_space<vmem>>[vector<16xi32>, vector<16xi32>], vector<16xf32>,
        %gather3A_507 = tpu.vector_load_idx %arg9[%add3A_168, %and3A_505] : memref<160x128xf32, #tpu.memory_space<vmem>>[vector<16xi32>, vector<16xi32>], vector<16xf32>,
        %mul3A_508 = arith.mulf %gather3A_506, %gather3A_507 : vector<16xf32>
        %add3A_509 = arith.addf %add3A_499, %mul3A_508 : vector<16xf32>
        %add3A_510 = arith.constant 1 : i32
        %add3A_511 = vector.broadcast %add3A_510 : i32 to vector<16xi32>
        %add3A_512 = arith.addi %and3A_505, %add3A_511 : vector<16xi32>
        %and3A_513 = arith.constant 127 : i32
        %and3A_514 = vector.broadcast %and3A_513 : i32 to vector<16xi32>
        %and3A_515 = arith.andi %add3A_512, %and3A_514 : vector<16xi32>
        %gather3A_516 = tpu.vector_load_idx %arg8[%add3A_168, %and3A_515] : memref<160x128xf32, #tpu.memory_space<vmem>>[vector<16xi32>, vector<16xi32>], vector<16xf32>,
        %gather3A_517 = tpu.vector_load_idx %arg9[%add3A_168, %and3A_515] : memref<160x128xf32, #tpu.memory_space<vmem>>[vector<16xi32>, vector<16xi32>], vector<16xf32>,
        %mul3A_518 = arith.mulf %gather3A_516, %gather3A_517 : vector<16xf32>
        %add3A_519 = arith.addf %add3A_509, %mul3A_518 : vector<16xf32>
        %add3A_520 = arith.constant 1 : i32
        %add3A_521 = vector.broadcast %add3A_520 : i32 to vector<16xi32>
        %add3A_522 = arith.addi %and3A_515, %add3A_521 : vector<16xi32>
        %and3A_523 = arith.constant 127 : i32
        %and3A_524 = vector.broadcast %and3A_523 : i32 to vector<16xi32>
        %and3A_525 = arith.andi %add3A_522, %and3A_524 : vector<16xi32>
        %gather3A_526 = tpu.vector_load_idx %arg8[%add3A_168, %and3A_525] : memref<160x128xf32, #tpu.memory_space<vmem>>[vector<16xi32>, vector<16xi32>], vector<16xf32>,
        %gather3A_527 = tpu.vector_load_idx %arg9[%add3A_168, %and3A_525] : memref<160x128xf32, #tpu.memory_space<vmem>>[vector<16xi32>, vector<16xi32>], vector<16xf32>,
        %mul3A_528 = arith.mulf %gather3A_526, %gather3A_527 : vector<16xf32>
        %add3A_529 = arith.addf %add3A_519, %mul3A_528 : vector<16xf32>
        %add3A_530 = arith.constant 1 : i32
        %add3A_531 = vector.broadcast %add3A_530 : i32 to vector<16xi32>
        %add3A_532 = arith.addi %and3A_525, %add3A_531 : vector<16xi32>
        %and3A_533 = arith.constant 127 : i32
        %and3A_534 = vector.broadcast %and3A_533 : i32 to vector<16xi32>
        %and3A_535 = arith.andi %add3A_532, %and3A_534 : vector<16xi32>
        %gather3A_536 = tpu.vector_load_idx %arg8[%add3A_168, %and3A_535] : memref<160x128xf32, #tpu.memory_space<vmem>>[vector<16xi32>, vector<16xi32>], vector<16xf32>,
        %gather3A_537 = tpu.vector_load_idx %arg9[%add3A_168, %and3A_535] : memref<160x128xf32, #tpu.memory_space<vmem>>[vector<16xi32>, vector<16xi32>], vector<16xf32>,
        %mul3A_538 = arith.mulf %gather3A_536, %gather3A_537 : vector<16xf32>
        %add3A_539 = arith.addf %add3A_529, %mul3A_538 : vector<16xf32>
        %add3A_540 = arith.constant 1 : i32
        %add3A_541 = vector.broadcast %add3A_540 : i32 to vector<16xi32>
        %add3A_542 = arith.addi %and3A_535, %add3A_541 : vector<16xi32>
        %and3A_543 = arith.constant 127 : i32
        %and3A_544 = vector.broadcast %and3A_543 : i32 to vector<16xi32>
        %and3A_545 = arith.andi %add3A_542, %and3A_544 : vector<16xi32>
        %gather3A_546 = tpu.vector_load_idx %arg8[%add3A_168, %and3A_545] : memref<160x128xf32, #tpu.memory_space<vmem>>[vector<16xi32>, vector<16xi32>], vector<16xf32>,
        %gather3A_547 = tpu.vector_load_idx %arg9[%add3A_168, %and3A_545] : memref<160x128xf32, #tpu.memory_space<vmem>>[vector<16xi32>, vector<16xi32>], vector<16xf32>,
        %mul3A_548 = arith.mulf %gather3A_546, %gather3A_547 : vector<16xf32>
        %add3A_549 = arith.addf %add3A_539, %mul3A_548 : vector<16xf32>
        %add3A_550 = arith.constant 1 : i32
        %add3A_551 = vector.broadcast %add3A_550 : i32 to vector<16xi32>
        %add3A_552 = arith.addi %and3A_545, %add3A_551 : vector<16xi32>
        %and3A_553 = arith.constant 127 : i32
        %and3A_554 = vector.broadcast %and3A_553 : i32 to vector<16xi32>
        %and3A_555 = arith.andi %add3A_552, %and3A_554 : vector<16xi32>
        %gather3A_556 = tpu.vector_load_idx %arg8[%add3A_168, %and3A_555] : memref<160x128xf32, #tpu.memory_space<vmem>>[vector<16xi32>, vector<16xi32>], vector<16xf32>,
        %gather3A_557 = tpu.vector_load_idx %arg9[%add3A_168, %and3A_555] : memref<160x128xf32, #tpu.memory_space<vmem>>[vector<16xi32>, vector<16xi32>], vector<16xf32>,
        %mul3A_558 = arith.mulf %gather3A_556, %gather3A_557 : vector<16xf32>
        %add3A_559 = arith.addf %add3A_549, %mul3A_558 : vector<16xf32>
        %add3A_560 = arith.constant 1 : i32
        %add3A_561 = vector.broadcast %add3A_560 : i32 to vector<16xi32>
        %add3A_562 = arith.addi %and3A_555, %add3A_561 : vector<16xi32>
        %and3A_563 = arith.constant 127 : i32
        %and3A_564 = vector.broadcast %and3A_563 : i32 to vector<16xi32>
        %and3A_565 = arith.andi %add3A_562, %and3A_564 : vector<16xi32>
        %gather3A_566 = tpu.vector_load_idx %arg8[%add3A_168, %and3A_565] : memref<160x128xf32, #tpu.memory_space<vmem>>[vector<16xi32>, vector<16xi32>], vector<16xf32>,
        %gather3A_567 = tpu.vector_load_idx %arg9[%add3A_168, %and3A_565] : memref<160x128xf32, #tpu.memory_space<vmem>>[vector<16xi32>, vector<16xi32>], vector<16xf32>,
        %mul3A_568 = arith.mulf %gather3A_566, %gather3A_567 : vector<16xf32>
        %add3A_569 = arith.addf %add3A_559, %mul3A_568 : vector<16xf32>
        %add3A_570 = arith.constant 1 : i32
        %add3A_571 = vector.broadcast %add3A_570 : i32 to vector<16xi32>
        %add3A_572 = arith.addi %and3A_565, %add3A_571 : vector<16xi32>
        %and3A_573 = arith.constant 127 : i32
        %and3A_574 = vector.broadcast %and3A_573 : i32 to vector<16xi32>
        %and3A_575 = arith.andi %add3A_572, %and3A_574 : vector<16xi32>
        %gather3A_576 = tpu.vector_load_idx %arg8[%add3A_168, %and3A_575] : memref<160x128xf32, #tpu.memory_space<vmem>>[vector<16xi32>, vector<16xi32>], vector<16xf32>,
        %gather3A_577 = tpu.vector_load_idx %arg9[%add3A_168, %and3A_575] : memref<160x128xf32, #tpu.memory_space<vmem>>[vector<16xi32>, vector<16xi32>], vector<16xf32>,
        %mul3A_578 = arith.mulf %gather3A_576, %gather3A_577 : vector<16xf32>
        %add3A_579 = arith.addf %add3A_569, %mul3A_578 : vector<16xf32>
        %add3A_580 = arith.constant 1 : i32
        %add3A_581 = vector.broadcast %add3A_580 : i32 to vector<16xi32>
        %add3A_582 = arith.addi %and3A_575, %add3A_581 : vector<16xi32>
        %and3A_583 = arith.constant 127 : i32
        %and3A_584 = vector.broadcast %and3A_583 : i32 to vector<16xi32>
        %and3A_585 = arith.andi %add3A_582, %and3A_584 : vector<16xi32>
        %gather3A_586 = tpu.vector_load_idx %arg8[%add3A_168, %and3A_585] : memref<160x128xf32, #tpu.memory_space<vmem>>[vector<16xi32>, vector<16xi32>], vector<16xf32>,
        %gather3A_587 = tpu.vector_load_idx %arg9[%add3A_168, %and3A_585] : memref<160x128xf32, #tpu.memory_space<vmem>>[vector<16xi32>, vector<16xi32>], vector<16xf32>,
        %mul3A_588 = arith.mulf %gather3A_586, %gather3A_587 : vector<16xf32>
        %add3A_589 = arith.addf %add3A_579, %mul3A_588 : vector<16xf32>
        %add3A_590 = arith.constant 1 : i32
        %add3A_591 = vector.broadcast %add3A_590 : i32 to vector<16xi32>
        %add3A_592 = arith.addi %and3A_585, %add3A_591 : vector<16xi32>
        %and3A_593 = arith.constant 127 : i32
        %and3A_594 = vector.broadcast %and3A_593 : i32 to vector<16xi32>
        %and3A_595 = arith.andi %add3A_592, %and3A_594 : vector<16xi32>
        %gather3A_596 = tpu.vector_load_idx %arg8[%add3A_168, %and3A_595] : memref<160x128xf32, #tpu.memory_space<vmem>>[vector<16xi32>, vector<16xi32>], vector<16xf32>,
        %gather3A_597 = tpu.vector_load_idx %arg9[%add3A_168, %and3A_595] : memref<160x128xf32, #tpu.memory_space<vmem>>[vector<16xi32>, vector<16xi32>], vector<16xf32>,
        %mul3A_598 = arith.mulf %gather3A_596, %gather3A_597 : vector<16xf32>
        %add3A_599 = arith.addf %add3A_589, %mul3A_598 : vector<16xf32>
        %add3A_600 = arith.constant 1 : i32
        %add3A_601 = vector.broadcast %add3A_600 : i32 to vector<16xi32>
        %add3A_602 = arith.addi %and3A_595, %add3A_601 : vector<16xi32>
        %and3A_603 = arith.constant 127 : i32
        %and3A_604 = vector.broadcast %and3A_603 : i32 to vector<16xi32>
        %and3A_605 = arith.andi %add3A_602, %and3A_604 : vector<16xi32>
        %gather3A_606 = tpu.vector_load_idx %arg8[%add3A_168, %and3A_605] : memref<160x128xf32, #tpu.memory_space<vmem>>[vector<16xi32>, vector<16xi32>], vector<16xf32>,
        %gather3A_607 = tpu.vector_load_idx %arg9[%add3A_168, %and3A_605] : memref<160x128xf32, #tpu.memory_space<vmem>>[vector<16xi32>, vector<16xi32>], vector<16xf32>,
        %mul3A_608 = arith.mulf %gather3A_606, %gather3A_607 : vector<16xf32>
        %add3A_609 = arith.addf %add3A_599, %mul3A_608 : vector<16xf32>
        %add3A_610 = arith.constant 1 : i32
        %add3A_611 = vector.broadcast %add3A_610 : i32 to vector<16xi32>
        %add3A_612 = arith.addi %and3A_605, %add3A_611 : vector<16xi32>
        %and3A_613 = arith.constant 127 : i32
        %and3A_614 = vector.broadcast %and3A_613 : i32 to vector<16xi32>
        %and3A_615 = arith.andi %add3A_612, %and3A_614 : vector<16xi32>
        %gather3A_616 = tpu.vector_load_idx %arg8[%add3A_168, %and3A_615] : memref<160x128xf32, #tpu.memory_space<vmem>>[vector<16xi32>, vector<16xi32>], vector<16xf32>,
        %gather3A_617 = tpu.vector_load_idx %arg9[%add3A_168, %and3A_615] : memref<160x128xf32, #tpu.memory_space<vmem>>[vector<16xi32>, vector<16xi32>], vector<16xf32>,
        %mul3A_618 = arith.mulf %gather3A_616, %gather3A_617 : vector<16xf32>
        %add3A_619 = arith.addf %add3A_609, %mul3A_618 : vector<16xf32>
        %add3A_620 = arith.constant 1 : i32
        %add3A_621 = vector.broadcast %add3A_620 : i32 to vector<16xi32>
        %add3A_622 = arith.addi %and3A_615, %add3A_621 : vector<16xi32>
        %and3A_623 = arith.constant 127 : i32
        %and3A_624 = vector.broadcast %and3A_623 : i32 to vector<16xi32>
        %and3A_625 = arith.andi %add3A_622, %and3A_624 : vector<16xi32>
        %gather3A_626 = tpu.vector_load_idx %arg8[%add3A_168, %and3A_625] : memref<160x128xf32, #tpu.memory_space<vmem>>[vector<16xi32>, vector<16xi32>], vector<16xf32>,
        %gather3A_627 = tpu.vector_load_idx %arg9[%add3A_168, %and3A_625] : memref<160x128xf32, #tpu.memory_space<vmem>>[vector<16xi32>, vector<16xi32>], vector<16xf32>,
        %mul3A_628 = arith.mulf %gather3A_626, %gather3A_627 : vector<16xf32>
        %add3A_629 = arith.addf %add3A_619, %mul3A_628 : vector<16xf32>
        %add3A_630 = arith.constant 1 : i32
        %add3A_631 = vector.broadcast %add3A_630 : i32 to vector<16xi32>
        %add3A_632 = arith.addi %and3A_625, %add3A_631 : vector<16xi32>
        %and3A_633 = arith.constant 127 : i32
        %and3A_634 = vector.broadcast %and3A_633 : i32 to vector<16xi32>
        %and3A_635 = arith.andi %add3A_632, %and3A_634 : vector<16xi32>
        %gather3A_636 = tpu.vector_load_idx %arg8[%add3A_168, %and3A_635] : memref<160x128xf32, #tpu.memory_space<vmem>>[vector<16xi32>, vector<16xi32>], vector<16xf32>,
        %gather3A_637 = tpu.vector_load_idx %arg9[%add3A_168, %and3A_635] : memref<160x128xf32, #tpu.memory_space<vmem>>[vector<16xi32>, vector<16xi32>], vector<16xf32>,
        %mul3A_638 = arith.mulf %gather3A_636, %gather3A_637 : vector<16xf32>
        %add3A_639 = arith.addf %add3A_629, %mul3A_638 : vector<16xf32>
        %add3A_640 = arith.constant 1 : i32
        %add3A_641 = vector.broadcast %add3A_640 : i32 to vector<16xi32>
        %add3A_642 = arith.addi %and3A_635, %add3A_641 : vector<16xi32>
        %and3A_643 = arith.constant 127 : i32
        %and3A_644 = vector.broadcast %and3A_643 : i32 to vector<16xi32>
        %and3A_645 = arith.andi %add3A_642, %and3A_644 : vector<16xi32>
        %gather3A_646 = tpu.vector_load_idx %arg8[%add3A_168, %and3A_645] : memref<160x128xf32, #tpu.memory_space<vmem>>[vector<16xi32>, vector<16xi32>], vector<16xf32>,
        %gather3A_647 = tpu.vector_load_idx %arg9[%add3A_168, %and3A_645] : memref<160x128xf32, #tpu.memory_space<vmem>>[vector<16xi32>, vector<16xi32>], vector<16xf32>,
        %mul3A_648 = arith.mulf %gather3A_646, %gather3A_647 : vector<16xf32>
        %add3A_649 = arith.addf %add3A_639, %mul3A_648 : vector<16xf32>
        %add3A_650 = arith.constant 1 : i32
        %add3A_651 = vector.broadcast %add3A_650 : i32 to vector<16xi32>
        %add3A_652 = arith.addi %and3A_645, %add3A_651 : vector<16xi32>
        %and3A_653 = arith.constant 127 : i32
        %and3A_654 = vector.broadcast %and3A_653 : i32 to vector<16xi32>
        %and3A_655 = arith.andi %add3A_652, %and3A_654 : vector<16xi32>
        %gather3A_656 = tpu.vector_load_idx %arg8[%add3A_168, %and3A_655] : memref<160x128xf32, #tpu.memory_space<vmem>>[vector<16xi32>, vector<16xi32>], vector<16xf32>,
        %gather3A_657 = tpu.vector_load_idx %arg9[%add3A_168, %and3A_655] : memref<160x128xf32, #tpu.memory_space<vmem>>[vector<16xi32>, vector<16xi32>], vector<16xf32>,
        %mul3A_658 = arith.mulf %gather3A_656, %gather3A_657 : vector<16xf32>
        %add3A_659 = arith.addf %add3A_649, %mul3A_658 : vector<16xf32>
        %add3A_660 = arith.constant 1 : i32
        %add3A_661 = vector.broadcast %add3A_660 : i32 to vector<16xi32>
        %add3A_662 = arith.addi %and3A_655, %add3A_661 : vector<16xi32>
        %and3A_663 = arith.constant 127 : i32
        %and3A_664 = vector.broadcast %and3A_663 : i32 to vector<16xi32>
        %and3A_665 = arith.andi %add3A_662, %and3A_664 : vector<16xi32>
        %gather3A_666 = tpu.vector_load_idx %arg8[%add3A_168, %and3A_665] : memref<160x128xf32, #tpu.memory_space<vmem>>[vector<16xi32>, vector<16xi32>], vector<16xf32>,
        %gather3A_667 = tpu.vector_load_idx %arg9[%add3A_168, %and3A_665] : memref<160x128xf32, #tpu.memory_space<vmem>>[vector<16xi32>, vector<16xi32>], vector<16xf32>,
        %mul3A_668 = arith.mulf %gather3A_666, %gather3A_667 : vector<16xf32>
        %add3A_669 = arith.addf %add3A_659, %mul3A_668 : vector<16xf32>
        %add3A_670 = arith.constant 1 : i32
        %add3A_671 = vector.broadcast %add3A_670 : i32 to vector<16xi32>
        %add3A_672 = arith.addi %and3A_665, %add3A_671 : vector<16xi32>
        %and3A_673 = arith.constant 127 : i32
        %and3A_674 = vector.broadcast %and3A_673 : i32 to vector<16xi32>
        %and3A_675 = arith.andi %add3A_672, %and3A_674 : vector<16xi32>
        %gather3A_676 = tpu.vector_load_idx %arg8[%add3A_168, %and3A_675] : memref<160x128xf32, #tpu.memory_space<vmem>>[vector<16xi32>, vector<16xi32>], vector<16xf32>,
        %gather3A_677 = tpu.vector_load_idx %arg9[%add3A_168, %and3A_675] : memref<160x128xf32, #tpu.memory_space<vmem>>[vector<16xi32>, vector<16xi32>], vector<16xf32>,
        %mul3A_678 = arith.mulf %gather3A_676, %gather3A_677 : vector<16xf32>
        %add3A_679 = arith.addf %add3A_669, %mul3A_678 : vector<16xf32>
        %add3A_680 = arith.constant 1 : i32
        %add3A_681 = vector.broadcast %add3A_680 : i32 to vector<16xi32>
        %add3A_682 = arith.addi %and3A_675, %add3A_681 : vector<16xi32>
        %and3A_683 = arith.constant 127 : i32
        %and3A_684 = vector.broadcast %and3A_683 : i32 to vector<16xi32>
        %and3A_685 = arith.andi %add3A_682, %and3A_684 : vector<16xi32>
        %gather3A_686 = tpu.vector_load_idx %arg8[%add3A_168, %and3A_685] : memref<160x128xf32, #tpu.memory_space<vmem>>[vector<16xi32>, vector<16xi32>], vector<16xf32>,
        %gather3A_687 = tpu.vector_load_idx %arg9[%add3A_168, %and3A_685] : memref<160x128xf32, #tpu.memory_space<vmem>>[vector<16xi32>, vector<16xi32>], vector<16xf32>,
        %mul3A_688 = arith.mulf %gather3A_686, %gather3A_687 : vector<16xf32>
        %add3A_689 = arith.addf %add3A_679, %mul3A_688 : vector<16xf32>
        %add3A_690 = arith.constant 1 : i32
        %add3A_691 = vector.broadcast %add3A_690 : i32 to vector<16xi32>
        %add3A_692 = arith.addi %and3A_685, %add3A_691 : vector<16xi32>
        %and3A_693 = arith.constant 127 : i32
        %and3A_694 = vector.broadcast %and3A_693 : i32 to vector<16xi32>
        %and3A_695 = arith.andi %add3A_692, %and3A_694 : vector<16xi32>
        %gather3A_696 = tpu.vector_load_idx %arg8[%add3A_168, %and3A_695] : memref<160x128xf32, #tpu.memory_space<vmem>>[vector<16xi32>, vector<16xi32>], vector<16xf32>,
        %gather3A_697 = tpu.vector_load_idx %arg9[%add3A_168, %and3A_695] : memref<160x128xf32, #tpu.memory_space<vmem>>[vector<16xi32>, vector<16xi32>], vector<16xf32>,
        %mul3A_698 = arith.mulf %gather3A_696, %gather3A_697 : vector<16xf32>
        %add3A_699 = arith.addf %add3A_689, %mul3A_698 : vector<16xf32>
        %add3A_700 = arith.constant 1 : i32
        %add3A_701 = vector.broadcast %add3A_700 : i32 to vector<16xi32>
        %add3A_702 = arith.addi %and3A_695, %add3A_701 : vector<16xi32>
        %and3A_703 = arith.constant 127 : i32
        %and3A_704 = vector.broadcast %and3A_703 : i32 to vector<16xi32>
        %and3A_705 = arith.andi %add3A_702, %and3A_704 : vector<16xi32>
        %gather3A_706 = tpu.vector_load_idx %arg8[%add3A_168, %and3A_705] : memref<160x128xf32, #tpu.memory_space<vmem>>[vector<16xi32>, vector<16xi32>], vector<16xf32>,
        %gather3A_707 = tpu.vector_load_idx %arg9[%add3A_168, %and3A_705] : memref<160x128xf32, #tpu.memory_space<vmem>>[vector<16xi32>, vector<16xi32>], vector<16xf32>,
        %mul3A_708 = arith.mulf %gather3A_706, %gather3A_707 : vector<16xf32>
        %add3A_709 = arith.addf %add3A_699, %mul3A_708 : vector<16xf32>
        %add3A_710 = arith.constant 1 : i32
        %add3A_711 = vector.broadcast %add3A_710 : i32 to vector<16xi32>
        %add3A_712 = arith.addi %and3A_705, %add3A_711 : vector<16xi32>
        %and3A_713 = arith.constant 127 : i32
        %and3A_714 = vector.broadcast %and3A_713 : i32 to vector<16xi32>
        %and3A_715 = arith.andi %add3A_712, %and3A_714 : vector<16xi32>
        %gather3A_716 = tpu.vector_load_idx %arg8[%add3A_168, %and3A_715] : memref<160x128xf32, #tpu.memory_space<vmem>>[vector<16xi32>, vector<16xi32>], vector<16xf32>,
        %gather3A_717 = tpu.vector_load_idx %arg9[%add3A_168, %and3A_715] : memref<160x128xf32, #tpu.memory_space<vmem>>[vector<16xi32>, vector<16xi32>], vector<16xf32>,
        %mul3A_718 = arith.mulf %gather3A_716, %gather3A_717 : vector<16xf32>
        %add3A_719 = arith.addf %add3A_709, %mul3A_718 : vector<16xf32>
        %add3A_720 = arith.constant 1 : i32
        %add3A_721 = vector.broadcast %add3A_720 : i32 to vector<16xi32>
        %add3A_722 = arith.addi %and3A_715, %add3A_721 : vector<16xi32>
        %and3A_723 = arith.constant 127 : i32
        %and3A_724 = vector.broadcast %and3A_723 : i32 to vector<16xi32>
        %and3A_725 = arith.andi %add3A_722, %and3A_724 : vector<16xi32>
        %gather3A_726 = tpu.vector_load_idx %arg8[%add3A_168, %and3A_725] : memref<160x128xf32, #tpu.memory_space<vmem>>[vector<16xi32>, vector<16xi32>], vector<16xf32>,
        %gather3A_727 = tpu.vector_load_idx %arg9[%add3A_168, %and3A_725] : memref<160x128xf32, #tpu.memory_space<vmem>>[vector<16xi32>, vector<16xi32>], vector<16xf32>,
        %mul3A_728 = arith.mulf %gather3A_726, %gather3A_727 : vector<16xf32>
        %add3A_729 = arith.addf %add3A_719, %mul3A_728 : vector<16xf32>
        %add3A_730 = arith.constant 1 : i32
        %add3A_731 = vector.broadcast %add3A_730 : i32 to vector<16xi32>
        %add3A_732 = arith.addi %and3A_725, %add3A_731 : vector<16xi32>
        %and3A_733 = arith.constant 127 : i32
        %and3A_734 = vector.broadcast %and3A_733 : i32 to vector<16xi32>
        %and3A_735 = arith.andi %add3A_732, %and3A_734 : vector<16xi32>
        %gather3A_736 = tpu.vector_load_idx %arg8[%add3A_168, %and3A_735] : memref<160x128xf32, #tpu.memory_space<vmem>>[vector<16xi32>, vector<16xi32>], vector<16xf32>,
        %gather3A_737 = tpu.vector_load_idx %arg9[%add3A_168, %and3A_735] : memref<160x128xf32, #tpu.memory_space<vmem>>[vector<16xi32>, vector<16xi32>], vector<16xf32>,
        %mul3A_738 = arith.mulf %gather3A_736, %gather3A_737 : vector<16xf32>
        %add3A_739 = arith.addf %add3A_729, %mul3A_738 : vector<16xf32>
        %add3A_740 = arith.constant 1 : i32
        %add3A_741 = vector.broadcast %add3A_740 : i32 to vector<16xi32>
        %add3A_742 = arith.addi %and3A_735, %add3A_741 : vector<16xi32>
        %and3A_743 = arith.constant 127 : i32
        %and3A_744 = vector.broadcast %and3A_743 : i32 to vector<16xi32>
        %and3A_745 = arith.andi %add3A_742, %and3A_744 : vector<16xi32>
        %gather3A_746 = tpu.vector_load_idx %arg8[%add3A_168, %and3A_745] : memref<160x128xf32, #tpu.memory_space<vmem>>[vector<16xi32>, vector<16xi32>], vector<16xf32>,
        %gather3A_747 = tpu.vector_load_idx %arg9[%add3A_168, %and3A_745] : memref<160x128xf32, #tpu.memory_space<vmem>>[vector<16xi32>, vector<16xi32>], vector<16xf32>,
        %mul3A_748 = arith.mulf %gather3A_746, %gather3A_747 : vector<16xf32>
        %add3A_749 = arith.addf %add3A_739, %mul3A_748 : vector<16xf32>
        %add3A_750 = arith.constant 1 : i32
        %add3A_751 = vector.broadcast %add3A_750 : i32 to vector<16xi32>
        %add3A_752 = arith.addi %and3A_745, %add3A_751 : vector<16xi32>
        %and3A_753 = arith.constant 127 : i32
        %and3A_754 = vector.broadcast %and3A_753 : i32 to vector<16xi32>
        %and3A_755 = arith.andi %add3A_752, %and3A_754 : vector<16xi32>
        %gather3A_756 = tpu.vector_load_idx %arg8[%add3A_168, %and3A_755] : memref<160x128xf32, #tpu.memory_space<vmem>>[vector<16xi32>, vector<16xi32>], vector<16xf32>,
        %gather3A_757 = tpu.vector_load_idx %arg9[%add3A_168, %and3A_755] : memref<160x128xf32, #tpu.memory_space<vmem>>[vector<16xi32>, vector<16xi32>], vector<16xf32>,
        %mul3A_758 = arith.mulf %gather3A_756, %gather3A_757 : vector<16xf32>
        %add3A_759 = arith.addf %add3A_749, %mul3A_758 : vector<16xf32>
        %add3A_760 = arith.constant 1 : i32
        %add3A_761 = vector.broadcast %add3A_760 : i32 to vector<16xi32>
        %add3A_762 = arith.addi %and3A_755, %add3A_761 : vector<16xi32>
        %and3A_763 = arith.constant 127 : i32
        %and3A_764 = vector.broadcast %and3A_763 : i32 to vector<16xi32>
        %and3A_765 = arith.andi %add3A_762, %and3A_764 : vector<16xi32>
        %gather3A_766 = tpu.vector_load_idx %arg8[%add3A_168, %and3A_765] : memref<160x128xf32, #tpu.memory_space<vmem>>[vector<16xi32>, vector<16xi32>], vector<16xf32>,
        %gather3A_767 = tpu.vector_load_idx %arg9[%add3A_168, %and3A_765] : memref<160x128xf32, #tpu.memory_space<vmem>>[vector<16xi32>, vector<16xi32>], vector<16xf32>,
        %mul3A_768 = arith.mulf %gather3A_766, %gather3A_767 : vector<16xf32>
        %add3A_769 = arith.addf %add3A_759, %mul3A_768 : vector<16xf32>
        %add3A_770 = arith.constant 1 : i32
        %add3A_771 = vector.broadcast %add3A_770 : i32 to vector<16xi32>
        %add3A_772 = arith.addi %and3A_765, %add3A_771 : vector<16xi32>
        %and3A_773 = arith.constant 127 : i32
        %and3A_774 = vector.broadcast %and3A_773 : i32 to vector<16xi32>
        %and3A_775 = arith.andi %add3A_772, %and3A_774 : vector<16xi32>
        %gather3A_776 = tpu.vector_load_idx %arg8[%add3A_168, %and3A_775] : memref<160x128xf32, #tpu.memory_space<vmem>>[vector<16xi32>, vector<16xi32>], vector<16xf32>,
        %gather3A_777 = tpu.vector_load_idx %arg9[%add3A_168, %and3A_775] : memref<160x128xf32, #tpu.memory_space<vmem>>[vector<16xi32>, vector<16xi32>], vector<16xf32>,
        %mul3A_778 = arith.mulf %gather3A_776, %gather3A_777 : vector<16xf32>
        %add3A_779 = arith.addf %add3A_769, %mul3A_778 : vector<16xf32>
        %add3A_780 = arith.constant 1 : i32
        %add3A_781 = vector.broadcast %add3A_780 : i32 to vector<16xi32>
        %add3A_782 = arith.addi %and3A_775, %add3A_781 : vector<16xi32>
        %and3A_783 = arith.constant 127 : i32
        %and3A_784 = vector.broadcast %and3A_783 : i32 to vector<16xi32>
        %and3A_785 = arith.andi %add3A_782, %and3A_784 : vector<16xi32>
        %gather3A_786 = tpu.vector_load_idx %arg8[%add3A_168, %and3A_785] : memref<160x128xf32, #tpu.memory_space<vmem>>[vector<16xi32>, vector<16xi32>], vector<16xf32>,
        %gather3A_787 = tpu.vector_load_idx %arg9[%add3A_168, %and3A_785] : memref<160x128xf32, #tpu.memory_space<vmem>>[vector<16xi32>, vector<16xi32>], vector<16xf32>,
        %mul3A_788 = arith.mulf %gather3A_786, %gather3A_787 : vector<16xf32>
        %add3A_789 = arith.addf %add3A_779, %mul3A_788 : vector<16xf32>
        %add3A_790 = arith.constant 1 : i32
        %add3A_791 = vector.broadcast %add3A_790 : i32 to vector<16xi32>
        %add3A_792 = arith.addi %and3A_785, %add3A_791 : vector<16xi32>
        %and3A_793 = arith.constant 127 : i32
        %and3A_794 = vector.broadcast %and3A_793 : i32 to vector<16xi32>
        %and3A_795 = arith.andi %add3A_792, %and3A_794 : vector<16xi32>
        %gather3A_796 = tpu.vector_load_idx %arg8[%add3A_168, %and3A_795] : memref<160x128xf32, #tpu.memory_space<vmem>>[vector<16xi32>, vector<16xi32>], vector<16xf32>,
        %gather3A_797 = tpu.vector_load_idx %arg9[%add3A_168, %and3A_795] : memref<160x128xf32, #tpu.memory_space<vmem>>[vector<16xi32>, vector<16xi32>], vector<16xf32>,
        %mul3A_798 = arith.mulf %gather3A_796, %gather3A_797 : vector<16xf32>
        %add3A_799 = arith.addf %add3A_789, %mul3A_798 : vector<16xf32>
        %add3A_800 = arith.constant 1 : i32
        %add3A_801 = vector.broadcast %add3A_800 : i32 to vector<16xi32>
        %add3A_802 = arith.addi %and3A_795, %add3A_801 : vector<16xi32>
        %and3A_803 = arith.constant 127 : i32
        %and3A_804 = vector.broadcast %and3A_803 : i32 to vector<16xi32>
        %and3A_805 = arith.andi %add3A_802, %and3A_804 : vector<16xi32>
        %gather3A_806 = tpu.vector_load_idx %arg8[%add3A_168, %and3A_805] : memref<160x128xf32, #tpu.memory_space<vmem>>[vector<16xi32>, vector<16xi32>], vector<16xf32>,
        %gather3A_807 = tpu.vector_load_idx %arg9[%add3A_168, %and3A_805] : memref<160x128xf32, #tpu.memory_space<vmem>>[vector<16xi32>, vector<16xi32>], vector<16xf32>,
        %mul3A_808 = arith.mulf %gather3A_806, %gather3A_807 : vector<16xf32>
        %add3A_809 = arith.addf %add3A_799, %mul3A_808 : vector<16xf32>
        %add3A_810 = arith.constant 1 : i32
        %add3A_811 = vector.broadcast %add3A_810 : i32 to vector<16xi32>
        %add3A_812 = arith.addi %and3A_805, %add3A_811 : vector<16xi32>
        %and3A_813 = arith.constant 127 : i32
        %and3A_814 = vector.broadcast %and3A_813 : i32 to vector<16xi32>
        %and3A_815 = arith.andi %add3A_812, %and3A_814 : vector<16xi32>
        %gather3A_816 = tpu.vector_load_idx %arg8[%add3A_168, %and3A_815] : memref<160x128xf32, #tpu.memory_space<vmem>>[vector<16xi32>, vector<16xi32>], vector<16xf32>,
        %gather3A_817 = tpu.vector_load_idx %arg9[%add3A_168, %and3A_815] : memref<160x128xf32, #tpu.memory_space<vmem>>[vector<16xi32>, vector<16xi32>], vector<16xf32>,
        %mul3A_818 = arith.mulf %gather3A_816, %gather3A_817 : vector<16xf32>
        %add3A_819 = arith.addf %add3A_809, %mul3A_818 : vector<16xf32>
        %add3A_820 = arith.constant 1 : i32
        %add3A_821 = vector.broadcast %add3A_820 : i32 to vector<16xi32>
        %add3A_822 = arith.addi %and3A_815, %add3A_821 : vector<16xi32>
        %and3A_823 = arith.constant 127 : i32
        %and3A_824 = vector.broadcast %and3A_823 : i32 to vector<16xi32>
        %and3A_825 = arith.andi %add3A_822, %and3A_824 : vector<16xi32>
        %gather3A_826 = tpu.vector_load_idx %arg8[%add3A_168, %and3A_825] : memref<160x128xf32, #tpu.memory_space<vmem>>[vector<16xi32>, vector<16xi32>], vector<16xf32>,
        %gather3A_827 = tpu.vector_load_idx %arg9[%add3A_168, %and3A_825] : memref<160x128xf32, #tpu.memory_space<vmem>>[vector<16xi32>, vector<16xi32>], vector<16xf32>,
        %mul3A_828 = arith.mulf %gather3A_826, %gather3A_827 : vector<16xf32>
        %add3A_829 = arith.addf %add3A_819, %mul3A_828 : vector<16xf32>
        %add3A_830 = arith.constant 1 : i32
        %add3A_831 = vector.broadcast %add3A_830 : i32 to vector<16xi32>
        %add3A_832 = arith.addi %and3A_825, %add3A_831 : vector<16xi32>
        %and3A_833 = arith.constant 127 : i32
        %and3A_834 = vector.broadcast %and3A_833 : i32 to vector<16xi32>
        %and3A_835 = arith.andi %add3A_832, %and3A_834 : vector<16xi32>
        %gather3A_836 = tpu.vector_load_idx %arg8[%add3A_168, %and3A_835] : memref<160x128xf32, #tpu.memory_space<vmem>>[vector<16xi32>, vector<16xi32>], vector<16xf32>,
        %gather3A_837 = tpu.vector_load_idx %arg9[%add3A_168, %and3A_835] : memref<160x128xf32, #tpu.memory_space<vmem>>[vector<16xi32>, vector<16xi32>], vector<16xf32>,
        %mul3A_838 = arith.mulf %gather3A_836, %gather3A_837 : vector<16xf32>
        %add3A_839 = arith.addf %add3A_829, %mul3A_838 : vector<16xf32>
        %add3A_840 = arith.constant 1 : i32
        %add3A_841 = vector.broadcast %add3A_840 : i32 to vector<16xi32>
        %add3A_842 = arith.addi %and3A_835, %add3A_841 : vector<16xi32>
        %and3A_843 = arith.constant 127 : i32
        %and3A_844 = vector.broadcast %and3A_843 : i32 to vector<16xi32>
        %and3A_845 = arith.andi %add3A_842, %and3A_844 : vector<16xi32>
        %gather3A_846 = tpu.vector_load_idx %arg8[%add3A_168, %and3A_845] : memref<160x128xf32, #tpu.memory_space<vmem>>[vector<16xi32>, vector<16xi32>], vector<16xf32>,
        %gather3A_847 = tpu.vector_load_idx %arg9[%add3A_168, %and3A_845] : memref<160x128xf32, #tpu.memory_space<vmem>>[vector<16xi32>, vector<16xi32>], vector<16xf32>,
        %mul3A_848 = arith.mulf %gather3A_846, %gather3A_847 : vector<16xf32>
        %add3A_849 = arith.addf %add3A_839, %mul3A_848 : vector<16xf32>
        %add3A_850 = arith.constant 1 : i32
        %add3A_851 = vector.broadcast %add3A_850 : i32 to vector<16xi32>
        %add3A_852 = arith.addi %and3A_845, %add3A_851 : vector<16xi32>
        %and3A_853 = arith.constant 127 : i32
        %and3A_854 = vector.broadcast %and3A_853 : i32 to vector<16xi32>
        %and3A_855 = arith.andi %add3A_852, %and3A_854 : vector<16xi32>
        %gather3A_856 = tpu.vector_load_idx %arg8[%add3A_168, %and3A_855] : memref<160x128xf32, #tpu.memory_space<vmem>>[vector<16xi32>, vector<16xi32>], vector<16xf32>,
        %gather3A_857 = tpu.vector_load_idx %arg9[%add3A_168, %and3A_855] : memref<160x128xf32, #tpu.memory_space<vmem>>[vector<16xi32>, vector<16xi32>], vector<16xf32>,
        %mul3A_858 = arith.mulf %gather3A_856, %gather3A_857 : vector<16xf32>
        %add3A_859 = arith.addf %add3A_849, %mul3A_858 : vector<16xf32>
        %add3A_860 = arith.constant 1 : i32
        %add3A_861 = vector.broadcast %add3A_860 : i32 to vector<16xi32>
        %add3A_862 = arith.addi %and3A_855, %add3A_861 : vector<16xi32>
        %and3A_863 = arith.constant 127 : i32
        %and3A_864 = vector.broadcast %and3A_863 : i32 to vector<16xi32>
        %and3A_865 = arith.andi %add3A_862, %and3A_864 : vector<16xi32>
        %gather3A_866 = tpu.vector_load_idx %arg8[%add3A_168, %and3A_865] : memref<160x128xf32, #tpu.memory_space<vmem>>[vector<16xi32>, vector<16xi32>], vector<16xf32>,
        %gather3A_867 = tpu.vector_load_idx %arg9[%add3A_168, %and3A_865] : memref<160x128xf32, #tpu.memory_space<vmem>>[vector<16xi32>, vector<16xi32>], vector<16xf32>,
        %mul3A_868 = arith.mulf %gather3A_866, %gather3A_867 : vector<16xf32>
        %add3A_869 = arith.addf %add3A_859, %mul3A_868 : vector<16xf32>
        %add3A_870 = arith.constant 1 : i32
        %add3A_871 = vector.broadcast %add3A_870 : i32 to vector<16xi32>
        %add3A_872 = arith.addi %and3A_865, %add3A_871 : vector<16xi32>
        %and3A_873 = arith.constant 127 : i32
        %and3A_874 = vector.broadcast %and3A_873 : i32 to vector<16xi32>
        %and3A_875 = arith.andi %add3A_872, %and3A_874 : vector<16xi32>
        %gather3A_876 = tpu.vector_load_idx %arg8[%add3A_168, %and3A_875] : memref<160x128xf32, #tpu.memory_space<vmem>>[vector<16xi32>, vector<16xi32>], vector<16xf32>,
        %gather3A_877 = tpu.vector_load_idx %arg9[%add3A_168, %and3A_875] : memref<160x128xf32, #tpu.memory_space<vmem>>[vector<16xi32>, vector<16xi32>], vector<16xf32>,
        %mul3A_878 = arith.mulf %gather3A_876, %gather3A_877 : vector<16xf32>
        %add3A_879 = arith.addf %add3A_869, %mul3A_878 : vector<16xf32>
        %add3A_880 = arith.constant 1 : i32
        %add3A_881 = vector.broadcast %add3A_880 : i32 to vector<16xi32>
        %add3A_882 = arith.addi %and3A_875, %add3A_881 : vector<16xi32>
        %and3A_883 = arith.constant 127 : i32
        %and3A_884 = vector.broadcast %and3A_883 : i32 to vector<16xi32>
        %and3A_885 = arith.andi %add3A_882, %and3A_884 : vector<16xi32>
        %gather3A_886 = tpu.vector_load_idx %arg8[%add3A_168, %and3A_885] : memref<160x128xf32, #tpu.memory_space<vmem>>[vector<16xi32>, vector<16xi32>], vector<16xf32>,
        %gather3A_887 = tpu.vector_load_idx %arg9[%add3A_168, %and3A_885] : memref<160x128xf32, #tpu.memory_space<vmem>>[vector<16xi32>, vector<16xi32>], vector<16xf32>,
        %mul3A_888 = arith.mulf %gather3A_886, %gather3A_887 : vector<16xf32>
        %add3A_889 = arith.addf %add3A_879, %mul3A_888 : vector<16xf32>
        %add3A_890 = arith.constant 1 : i32
        %add3A_891 = vector.broadcast %add3A_890 : i32 to vector<16xi32>
        %add3A_892 = arith.addi %and3A_885, %add3A_891 : vector<16xi32>
        %and3A_893 = arith.constant 127 : i32
        %and3A_894 = vector.broadcast %and3A_893 : i32 to vector<16xi32>
        %and3A_895 = arith.andi %add3A_892, %and3A_894 : vector<16xi32>
        %gather3A_896 = tpu.vector_load_idx %arg8[%add3A_168, %and3A_895] : memref<160x128xf32, #tpu.memory_space<vmem>>[vector<16xi32>, vector<16xi32>], vector<16xf32>,
        %gather3A_897 = tpu.vector_load_idx %arg9[%add3A_168, %and3A_895] : memref<160x128xf32, #tpu.memory_space<vmem>>[vector<16xi32>, vector<16xi32>], vector<16xf32>,
        %mul3A_898 = arith.mulf %gather3A_896, %gather3A_897 : vector<16xf32>
        %add3A_899 = arith.addf %add3A_889, %mul3A_898 : vector<16xf32>
        %add3A_900 = arith.constant 1 : i32
        %add3A_901 = vector.broadcast %add3A_900 : i32 to vector<16xi32>
        %add3A_902 = arith.addi %and3A_895, %add3A_901 : vector<16xi32>
        %and3A_903 = arith.constant 127 : i32
        %and3A_904 = vector.broadcast %and3A_903 : i32 to vector<16xi32>
        %and3A_905 = arith.andi %add3A_902, %and3A_904 : vector<16xi32>
        %gather3A_906 = tpu.vector_load_idx %arg8[%add3A_168, %and3A_905] : memref<160x128xf32, #tpu.memory_space<vmem>>[vector<16xi32>, vector<16xi32>], vector<16xf32>,
        %gather3A_907 = tpu.vector_load_idx %arg9[%add3A_168, %and3A_905] : memref<160x128xf32, #tpu.memory_space<vmem>>[vector<16xi32>, vector<16xi32>], vector<16xf32>,
        %mul3A_908 = arith.mulf %gather3A_906, %gather3A_907 : vector<16xf32>
        %add3A_909 = arith.addf %add3A_899, %mul3A_908 : vector<16xf32>
        %add3A_910 = arith.constant 1 : i32
        %add3A_911 = vector.broadcast %add3A_910 : i32 to vector<16xi32>
        %add3A_912 = arith.addi %and3A_905, %add3A_911 : vector<16xi32>
        %and3A_913 = arith.constant 127 : i32
        %and3A_914 = vector.broadcast %and3A_913 : i32 to vector<16xi32>
        %and3A_915 = arith.andi %add3A_912, %and3A_914 : vector<16xi32>
        %gather3A_916 = tpu.vector_load_idx %arg8[%add3A_168, %and3A_915] : memref<160x128xf32, #tpu.memory_space<vmem>>[vector<16xi32>, vector<16xi32>], vector<16xf32>,
        %gather3A_917 = tpu.vector_load_idx %arg9[%add3A_168, %and3A_915] : memref<160x128xf32, #tpu.memory_space<vmem>>[vector<16xi32>, vector<16xi32>], vector<16xf32>,
        %mul3A_918 = arith.mulf %gather3A_916, %gather3A_917 : vector<16xf32>
        %add3A_919 = arith.addf %add3A_909, %mul3A_918 : vector<16xf32>
        %add3A_920 = arith.constant 1 : i32
        %add3A_921 = vector.broadcast %add3A_920 : i32 to vector<16xi32>
        %add3A_922 = arith.addi %and3A_915, %add3A_921 : vector<16xi32>
        %and3A_923 = arith.constant 127 : i32
        %and3A_924 = vector.broadcast %and3A_923 : i32 to vector<16xi32>
        %and3A_925 = arith.andi %add3A_922, %and3A_924 : vector<16xi32>
        %gather3A_926 = tpu.vector_load_idx %arg8[%add3A_168, %and3A_925] : memref<160x128xf32, #tpu.memory_space<vmem>>[vector<16xi32>, vector<16xi32>], vector<16xf32>,
        %gather3A_927 = tpu.vector_load_idx %arg9[%add3A_168, %and3A_925] : memref<160x128xf32, #tpu.memory_space<vmem>>[vector<16xi32>, vector<16xi32>], vector<16xf32>,
        %mul3A_928 = arith.mulf %gather3A_926, %gather3A_927 : vector<16xf32>
        %add3A_929 = arith.addf %add3A_919, %mul3A_928 : vector<16xf32>
        %add3A_930 = arith.constant 1 : i32
        %add3A_931 = vector.broadcast %add3A_930 : i32 to vector<16xi32>
        %add3A_932 = arith.addi %and3A_925, %add3A_931 : vector<16xi32>
        %and3A_933 = arith.constant 127 : i32
        %and3A_934 = vector.broadcast %and3A_933 : i32 to vector<16xi32>
        %and3A_935 = arith.andi %add3A_932, %and3A_934 : vector<16xi32>
        %gather3A_936 = tpu.vector_load_idx %arg8[%add3A_168, %and3A_935] : memref<160x128xf32, #tpu.memory_space<vmem>>[vector<16xi32>, vector<16xi32>], vector<16xf32>,
        %gather3A_937 = tpu.vector_load_idx %arg9[%add3A_168, %and3A_935] : memref<160x128xf32, #tpu.memory_space<vmem>>[vector<16xi32>, vector<16xi32>], vector<16xf32>,
        %mul3A_938 = arith.mulf %gather3A_936, %gather3A_937 : vector<16xf32>
        %add3A_939 = arith.addf %add3A_929, %mul3A_938 : vector<16xf32>
        %add3A_940 = arith.constant 1 : i32
        %add3A_941 = vector.broadcast %add3A_940 : i32 to vector<16xi32>
        %add3A_942 = arith.addi %and3A_935, %add3A_941 : vector<16xi32>
        %and3A_943 = arith.constant 127 : i32
        %and3A_944 = vector.broadcast %and3A_943 : i32 to vector<16xi32>
        %and3A_945 = arith.andi %add3A_942, %and3A_944 : vector<16xi32>
        %gather3A_946 = tpu.vector_load_idx %arg8[%add3A_168, %and3A_945] : memref<160x128xf32, #tpu.memory_space<vmem>>[vector<16xi32>, vector<16xi32>], vector<16xf32>,
        %gather3A_947 = tpu.vector_load_idx %arg9[%add3A_168, %and3A_945] : memref<160x128xf32, #tpu.memory_space<vmem>>[vector<16xi32>, vector<16xi32>], vector<16xf32>,
        %mul3A_948 = arith.mulf %gather3A_946, %gather3A_947 : vector<16xf32>
        %add3A_949 = arith.addf %add3A_939, %mul3A_948 : vector<16xf32>
        %add3A_950 = arith.constant 1 : i32
        %add3A_951 = vector.broadcast %add3A_950 : i32 to vector<16xi32>
        %add3A_952 = arith.addi %and3A_945, %add3A_951 : vector<16xi32>
        %and3A_953 = arith.constant 127 : i32
        %and3A_954 = vector.broadcast %and3A_953 : i32 to vector<16xi32>
        %and3A_955 = arith.andi %add3A_952, %and3A_954 : vector<16xi32>
        %gather3A_956 = tpu.vector_load_idx %arg8[%add3A_168, %and3A_955] : memref<160x128xf32, #tpu.memory_space<vmem>>[vector<16xi32>, vector<16xi32>], vector<16xf32>,
        %gather3A_957 = tpu.vector_load_idx %arg9[%add3A_168, %and3A_955] : memref<160x128xf32, #tpu.memory_space<vmem>>[vector<16xi32>, vector<16xi32>], vector<16xf32>,
        %mul3A_958 = arith.mulf %gather3A_956, %gather3A_957 : vector<16xf32>
        %add3A_959 = arith.addf %add3A_949, %mul3A_958 : vector<16xf32>
        %add3A_960 = arith.constant 1 : i32
        %add3A_961 = vector.broadcast %add3A_960 : i32 to vector<16xi32>
        %add3A_962 = arith.addi %and3A_955, %add3A_961 : vector<16xi32>
        %and3A_963 = arith.constant 127 : i32
        %and3A_964 = vector.broadcast %and3A_963 : i32 to vector<16xi32>
        %and3A_965 = arith.andi %add3A_962, %and3A_964 : vector<16xi32>
        %gather3A_966 = tpu.vector_load_idx %arg8[%add3A_168, %and3A_965] : memref<160x128xf32, #tpu.memory_space<vmem>>[vector<16xi32>, vector<16xi32>], vector<16xf32>,
        %gather3A_967 = tpu.vector_load_idx %arg9[%add3A_168, %and3A_965] : memref<160x128xf32, #tpu.memory_space<vmem>>[vector<16xi32>, vector<16xi32>], vector<16xf32>,
        %mul3A_968 = arith.mulf %gather3A_966, %gather3A_967 : vector<16xf32>
        %add3A_969 = arith.addf %add3A_959, %mul3A_968 : vector<16xf32>
        %add3A_970 = arith.constant 1 : i32
        %add3A_971 = vector.broadcast %add3A_970 : i32 to vector<16xi32>
        %add3A_972 = arith.addi %and3A_965, %add3A_971 : vector<16xi32>
        %and3A_973 = arith.constant 127 : i32
        %and3A_974 = vector.broadcast %and3A_973 : i32 to vector<16xi32>
        %and3A_975 = arith.andi %add3A_972, %and3A_974 : vector<16xi32>
        %gather3A_976 = tpu.vector_load_idx %arg8[%add3A_168, %and3A_975] : memref<160x128xf32, #tpu.memory_space<vmem>>[vector<16xi32>, vector<16xi32>], vector<16xf32>,
        %gather3A_977 = tpu.vector_load_idx %arg9[%add3A_168, %and3A_975] : memref<160x128xf32, #tpu.memory_space<vmem>>[vector<16xi32>, vector<16xi32>], vector<16xf32>,
        %mul3A_978 = arith.mulf %gather3A_976, %gather3A_977 : vector<16xf32>
        %add3A_979 = arith.addf %add3A_969, %mul3A_978 : vector<16xf32>
        %add3A_980 = arith.constant 1 : i32
        %add3A_981 = vector.broadcast %add3A_980 : i32 to vector<16xi32>
        %add3A_982 = arith.addi %and3A_975, %add3A_981 : vector<16xi32>
        %and3A_983 = arith.constant 127 : i32
        %and3A_984 = vector.broadcast %and3A_983 : i32 to vector<16xi32>
        %and3A_985 = arith.andi %add3A_982, %and3A_984 : vector<16xi32>
        %gather3A_986 = tpu.vector_load_idx %arg8[%add3A_168, %and3A_985] : memref<160x128xf32, #tpu.memory_space<vmem>>[vector<16xi32>, vector<16xi32>], vector<16xf32>,
        %gather3A_987 = tpu.vector_load_idx %arg9[%add3A_168, %and3A_985] : memref<160x128xf32, #tpu.memory_space<vmem>>[vector<16xi32>, vector<16xi32>], vector<16xf32>,
        %mul3A_988 = arith.mulf %gather3A_986, %gather3A_987 : vector<16xf32>
        %add3A_989 = arith.addf %add3A_979, %mul3A_988 : vector<16xf32>
        %add3A_990 = arith.constant 1 : i32
        %add3A_991 = vector.broadcast %add3A_990 : i32 to vector<16xi32>
        %add3A_992 = arith.addi %and3A_985, %add3A_991 : vector<16xi32>
        %and3A_993 = arith.constant 127 : i32
        %and3A_994 = vector.broadcast %and3A_993 : i32 to vector<16xi32>
        %and3A_995 = arith.andi %add3A_992, %and3A_994 : vector<16xi32>
        %gather3A_996 = tpu.vector_load_idx %arg8[%add3A_168, %and3A_995] : memref<160x128xf32, #tpu.memory_space<vmem>>[vector<16xi32>, vector<16xi32>], vector<16xf32>,
        %gather3A_997 = tpu.vector_load_idx %arg9[%add3A_168, %and3A_995] : memref<160x128xf32, #tpu.memory_space<vmem>>[vector<16xi32>, vector<16xi32>], vector<16xf32>,
        %mul3A_998 = arith.mulf %gather3A_996, %gather3A_997 : vector<16xf32>
        %add3A_999 = arith.addf %add3A_989, %mul3A_998 : vector<16xf32>
        %add3A_1000 = arith.constant 1 : i32
        %add3A_1001 = vector.broadcast %add3A_1000 : i32 to vector<16xi32>
        %add3A_1002 = arith.addi %and3A_995, %add3A_1001 : vector<16xi32>
        %and3A_1003 = arith.constant 127 : i32
        %and3A_1004 = vector.broadcast %and3A_1003 : i32 to vector<16xi32>
        %and3A_1005 = arith.andi %add3A_1002, %and3A_1004 : vector<16xi32>
        %gather3A_1006 = tpu.vector_load_idx %arg8[%add3A_168, %and3A_1005] : memref<160x128xf32, #tpu.memory_space<vmem>>[vector<16xi32>, vector<16xi32>], vector<16xf32>,
        %gather3A_1007 = tpu.vector_load_idx %arg9[%add3A_168, %and3A_1005] : memref<160x128xf32, #tpu.memory_space<vmem>>[vector<16xi32>, vector<16xi32>], vector<16xf32>,
        %mul3A_1008 = arith.mulf %gather3A_1006, %gather3A_1007 : vector<16xf32>
        %add3A_1009 = arith.addf %add3A_999, %mul3A_1008 : vector<16xf32>
        %add3A_1010 = arith.constant 1 : i32
        %add3A_1011 = vector.broadcast %add3A_1010 : i32 to vector<16xi32>
        %add3A_1012 = arith.addi %and3A_1005, %add3A_1011 : vector<16xi32>
        %and3A_1013 = arith.constant 127 : i32
        %and3A_1014 = vector.broadcast %and3A_1013 : i32 to vector<16xi32>
        %and3A_1015 = arith.andi %add3A_1012, %and3A_1014 : vector<16xi32>
        %gather3A_1016 = tpu.vector_load_idx %arg8[%add3A_168, %and3A_1015] : memref<160x128xf32, #tpu.memory_space<vmem>>[vector<16xi32>, vector<16xi32>], vector<16xf32>,
        %gather3A_1017 = tpu.vector_load_idx %arg9[%add3A_168, %and3A_1015] : memref<160x128xf32, #tpu.memory_space<vmem>>[vector<16xi32>, vector<16xi32>], vector<16xf32>,
        %mul3A_1018 = arith.mulf %gather3A_1016, %gather3A_1017 : vector<16xf32>
        %add3A_1019 = arith.addf %add3A_1009, %mul3A_1018 : vector<16xf32>
        %add3A_1020 = arith.constant 1 : i32
        %add3A_1021 = vector.broadcast %add3A_1020 : i32 to vector<16xi32>
        %add3A_1022 = arith.addi %and3A_1015, %add3A_1021 : vector<16xi32>
        %and3A_1023 = arith.constant 127 : i32
        %and3A_1024 = vector.broadcast %and3A_1023 : i32 to vector<16xi32>
        %and3A_1025 = arith.andi %add3A_1022, %and3A_1024 : vector<16xi32>
        %gather3A_1026 = tpu.vector_load_idx %arg8[%add3A_168, %and3A_1025] : memref<160x128xf32, #tpu.memory_space<vmem>>[vector<16xi32>, vector<16xi32>], vector<16xf32>,
        %gather3A_1027 = tpu.vector_load_idx %arg9[%add3A_168, %and3A_1025] : memref<160x128xf32, #tpu.memory_space<vmem>>[vector<16xi32>, vector<16xi32>], vector<16xf32>,
        %mul3A_1028 = arith.mulf %gather3A_1026, %gather3A_1027 : vector<16xf32>
        %add3A_1029 = arith.addf %add3A_1019, %mul3A_1028 : vector<16xf32>
        %add3A_1030 = arith.constant 1 : i32
        %add3A_1031 = vector.broadcast %add3A_1030 : i32 to vector<16xi32>
        %add3A_1032 = arith.addi %and3A_1025, %add3A_1031 : vector<16xi32>
        %and3A_1033 = arith.constant 127 : i32
        %and3A_1034 = vector.broadcast %and3A_1033 : i32 to vector<16xi32>
        %and3A_1035 = arith.andi %add3A_1032, %and3A_1034 : vector<16xi32>
        %gather3A_1036 = tpu.vector_load_idx %arg8[%add3A_168, %and3A_1035] : memref<160x128xf32, #tpu.memory_space<vmem>>[vector<16xi32>, vector<16xi32>], vector<16xf32>,
        %gather3A_1037 = tpu.vector_load_idx %arg9[%add3A_168, %and3A_1035] : memref<160x128xf32, #tpu.memory_space<vmem>>[vector<16xi32>, vector<16xi32>], vector<16xf32>,
        %mul3A_1038 = arith.mulf %gather3A_1036, %gather3A_1037 : vector<16xf32>
        %add3A_1039 = arith.addf %add3A_1029, %mul3A_1038 : vector<16xf32>
        %add3A_1040 = arith.constant 1 : i32
        %add3A_1041 = vector.broadcast %add3A_1040 : i32 to vector<16xi32>
        %add3A_1042 = arith.addi %and3A_1035, %add3A_1041 : vector<16xi32>
        %and3A_1043 = arith.constant 127 : i32
        %and3A_1044 = vector.broadcast %and3A_1043 : i32 to vector<16xi32>
        %and3A_1045 = arith.andi %add3A_1042, %and3A_1044 : vector<16xi32>
        %gather3A_1046 = tpu.vector_load_idx %arg8[%add3A_168, %and3A_1045] : memref<160x128xf32, #tpu.memory_space<vmem>>[vector<16xi32>, vector<16xi32>], vector<16xf32>,
        %gather3A_1047 = tpu.vector_load_idx %arg9[%add3A_168, %and3A_1045] : memref<160x128xf32, #tpu.memory_space<vmem>>[vector<16xi32>, vector<16xi32>], vector<16xf32>,
        %mul3A_1048 = arith.mulf %gather3A_1046, %gather3A_1047 : vector<16xf32>
        %add3A_1049 = arith.addf %add3A_1039, %mul3A_1048 : vector<16xf32>
        %add3A_1050 = arith.constant 1 : i32
        %add3A_1051 = vector.broadcast %add3A_1050 : i32 to vector<16xi32>
        %add3A_1052 = arith.addi %and3A_1045, %add3A_1051 : vector<16xi32>
        %and3A_1053 = arith.constant 127 : i32
        %and3A_1054 = vector.broadcast %and3A_1053 : i32 to vector<16xi32>
        %and3A_1055 = arith.andi %add3A_1052, %and3A_1054 : vector<16xi32>
        %gather3A_1056 = tpu.vector_load_idx %arg8[%add3A_168, %and3A_1055] : memref<160x128xf32, #tpu.memory_space<vmem>>[vector<16xi32>, vector<16xi32>], vector<16xf32>,
        %gather3A_1057 = tpu.vector_load_idx %arg9[%add3A_168, %and3A_1055] : memref<160x128xf32, #tpu.memory_space<vmem>>[vector<16xi32>, vector<16xi32>], vector<16xf32>,
        %mul3A_1058 = arith.mulf %gather3A_1056, %gather3A_1057 : vector<16xf32>
        %add3A_1059 = arith.addf %add3A_1049, %mul3A_1058 : vector<16xf32>
        %add3A_1060 = arith.constant 1 : i32
        %add3A_1061 = vector.broadcast %add3A_1060 : i32 to vector<16xi32>
        %add3A_1062 = arith.addi %and3A_1055, %add3A_1061 : vector<16xi32>
        %and3A_1063 = arith.constant 127 : i32
        %and3A_1064 = vector.broadcast %and3A_1063 : i32 to vector<16xi32>
        %and3A_1065 = arith.andi %add3A_1062, %and3A_1064 : vector<16xi32>
        %gather3A_1066 = tpu.vector_load_idx %arg8[%add3A_168, %and3A_1065] : memref<160x128xf32, #tpu.memory_space<vmem>>[vector<16xi32>, vector<16xi32>], vector<16xf32>,
        %gather3A_1067 = tpu.vector_load_idx %arg9[%add3A_168, %and3A_1065] : memref<160x128xf32, #tpu.memory_space<vmem>>[vector<16xi32>, vector<16xi32>], vector<16xf32>,
        %mul3A_1068 = arith.mulf %gather3A_1066, %gather3A_1067 : vector<16xf32>
        %add3A_1069 = arith.addf %add3A_1059, %mul3A_1068 : vector<16xf32>
        %add3A_1070 = arith.constant 1 : i32
        %add3A_1071 = vector.broadcast %add3A_1070 : i32 to vector<16xi32>
        %add3A_1072 = arith.addi %and3A_1065, %add3A_1071 : vector<16xi32>
        %and3A_1073 = arith.constant 127 : i32
        %and3A_1074 = vector.broadcast %and3A_1073 : i32 to vector<16xi32>
        %and3A_1075 = arith.andi %add3A_1072, %and3A_1074 : vector<16xi32>
        %gather3A_1076 = tpu.vector_load_idx %arg8[%add3A_168, %and3A_1075] : memref<160x128xf32, #tpu.memory_space<vmem>>[vector<16xi32>, vector<16xi32>], vector<16xf32>,
        %gather3A_1077 = tpu.vector_load_idx %arg9[%add3A_168, %and3A_1075] : memref<160x128xf32, #tpu.memory_space<vmem>>[vector<16xi32>, vector<16xi32>], vector<16xf32>,
        %mul3A_1078 = arith.mulf %gather3A_1076, %gather3A_1077 : vector<16xf32>
        %add3A_1079 = arith.addf %add3A_1069, %mul3A_1078 : vector<16xf32>
        %add3A_1080 = arith.constant 1 : i32
        %add3A_1081 = vector.broadcast %add3A_1080 : i32 to vector<16xi32>
        %add3A_1082 = arith.addi %and3A_1075, %add3A_1081 : vector<16xi32>
        %and3A_1083 = arith.constant 127 : i32
        %and3A_1084 = vector.broadcast %and3A_1083 : i32 to vector<16xi32>
        %and3A_1085 = arith.andi %add3A_1082, %and3A_1084 : vector<16xi32>
        %gather3A_1086 = tpu.vector_load_idx %arg8[%add3A_168, %and3A_1085] : memref<160x128xf32, #tpu.memory_space<vmem>>[vector<16xi32>, vector<16xi32>], vector<16xf32>,
        %gather3A_1087 = tpu.vector_load_idx %arg9[%add3A_168, %and3A_1085] : memref<160x128xf32, #tpu.memory_space<vmem>>[vector<16xi32>, vector<16xi32>], vector<16xf32>,
        %mul3A_1088 = arith.mulf %gather3A_1086, %gather3A_1087 : vector<16xf32>
        %add3A_1089 = arith.addf %add3A_1079, %mul3A_1088 : vector<16xf32>
        %add3A_1090 = arith.constant 1 : i32
        %add3A_1091 = vector.broadcast %add3A_1090 : i32 to vector<16xi32>
        %add3A_1092 = arith.addi %and3A_1085, %add3A_1091 : vector<16xi32>
        %and3A_1093 = arith.constant 127 : i32
        %and3A_1094 = vector.broadcast %and3A_1093 : i32 to vector<16xi32>
        %and3A_1095 = arith.andi %add3A_1092, %and3A_1094 : vector<16xi32>
        %gather3A_1096 = tpu.vector_load_idx %arg8[%add3A_168, %and3A_1095] : memref<160x128xf32, #tpu.memory_space<vmem>>[vector<16xi32>, vector<16xi32>], vector<16xf32>,
        %gather3A_1097 = tpu.vector_load_idx %arg9[%add3A_168, %and3A_1095] : memref<160x128xf32, #tpu.memory_space<vmem>>[vector<16xi32>, vector<16xi32>], vector<16xf32>,
        %mul3A_1098 = arith.mulf %gather3A_1096, %gather3A_1097 : vector<16xf32>
        %add3A_1099 = arith.addf %add3A_1089, %mul3A_1098 : vector<16xf32>
        %add3A_1100 = arith.constant 1 : i32
        %add3A_1101 = vector.broadcast %add3A_1100 : i32 to vector<16xi32>
        %add3A_1102 = arith.addi %and3A_1095, %add3A_1101 : vector<16xi32>
        %and3A_1103 = arith.constant 127 : i32
        %and3A_1104 = vector.broadcast %and3A_1103 : i32 to vector<16xi32>
        %and3A_1105 = arith.andi %add3A_1102, %and3A_1104 : vector<16xi32>
        %gather3A_1106 = tpu.vector_load_idx %arg8[%add3A_168, %and3A_1105] : memref<160x128xf32, #tpu.memory_space<vmem>>[vector<16xi32>, vector<16xi32>], vector<16xf32>,
        %gather3A_1107 = tpu.vector_load_idx %arg9[%add3A_168, %and3A_1105] : memref<160x128xf32, #tpu.memory_space<vmem>>[vector<16xi32>, vector<16xi32>], vector<16xf32>,
        %mul3A_1108 = arith.mulf %gather3A_1106, %gather3A_1107 : vector<16xf32>
        %add3A_1109 = arith.addf %add3A_1099, %mul3A_1108 : vector<16xf32>
        %add3A_1110 = arith.constant 1 : i32
        %add3A_1111 = vector.broadcast %add3A_1110 : i32 to vector<16xi32>
        %add3A_1112 = arith.addi %and3A_1105, %add3A_1111 : vector<16xi32>
        %and3A_1113 = arith.constant 127 : i32
        %and3A_1114 = vector.broadcast %and3A_1113 : i32 to vector<16xi32>
        %and3A_1115 = arith.andi %add3A_1112, %and3A_1114 : vector<16xi32>
        %gather3A_1116 = tpu.vector_load_idx %arg8[%add3A_168, %and3A_1115] : memref<160x128xf32, #tpu.memory_space<vmem>>[vector<16xi32>, vector<16xi32>], vector<16xf32>,
        %gather3A_1117 = tpu.vector_load_idx %arg9[%add3A_168, %and3A_1115] : memref<160x128xf32, #tpu.memory_space<vmem>>[vector<16xi32>, vector<16xi32>], vector<16xf32>,
        %mul3A_1118 = arith.mulf %gather3A_1116, %gather3A_1117 : vector<16xf32>
        %add3A_1119 = arith.addf %add3A_1109, %mul3A_1118 : vector<16xf32>
        %add3A_1120 = arith.constant 1 : i32
        %add3A_1121 = vector.broadcast %add3A_1120 : i32 to vector<16xi32>
        %add3A_1122 = arith.addi %and3A_1115, %add3A_1121 : vector<16xi32>
        %and3A_1123 = arith.constant 127 : i32
        %and3A_1124 = vector.broadcast %and3A_1123 : i32 to vector<16xi32>
        %and3A_1125 = arith.andi %add3A_1122, %and3A_1124 : vector<16xi32>
        %gather3A_1126 = tpu.vector_load_idx %arg8[%add3A_168, %and3A_1125] : memref<160x128xf32, #tpu.memory_space<vmem>>[vector<16xi32>, vector<16xi32>], vector<16xf32>,
        %gather3A_1127 = tpu.vector_load_idx %arg9[%add3A_168, %and3A_1125] : memref<160x128xf32, #tpu.memory_space<vmem>>[vector<16xi32>, vector<16xi32>], vector<16xf32>,
        %mul3A_1128 = arith.mulf %gather3A_1126, %gather3A_1127 : vector<16xf32>
        %add3A_1129 = arith.addf %add3A_1119, %mul3A_1128 : vector<16xf32>
        %add3A_1130 = arith.constant 1 : i32
        %add3A_1131 = vector.broadcast %add3A_1130 : i32 to vector<16xi32>
        %add3A_1132 = arith.addi %and3A_1125, %add3A_1131 : vector<16xi32>
        %and3A_1133 = arith.constant 127 : i32
        %and3A_1134 = vector.broadcast %and3A_1133 : i32 to vector<16xi32>
        %and3A_1135 = arith.andi %add3A_1132, %and3A_1134 : vector<16xi32>
        %gather3A_1136 = tpu.vector_load_idx %arg8[%add3A_168, %and3A_1135] : memref<160x128xf32, #tpu.memory_space<vmem>>[vector<16xi32>, vector<16xi32>], vector<16xf32>,
        %gather3A_1137 = tpu.vector_load_idx %arg9[%add3A_168, %and3A_1135] : memref<160x128xf32, #tpu.memory_space<vmem>>[vector<16xi32>, vector<16xi32>], vector<16xf32>,
        %mul3A_1138 = arith.mulf %gather3A_1136, %gather3A_1137 : vector<16xf32>
        %add3A_1139 = arith.addf %add3A_1129, %mul3A_1138 : vector<16xf32>
        %add3A_1140 = arith.constant 1 : i32
        %add3A_1141 = vector.broadcast %add3A_1140 : i32 to vector<16xi32>
        %add3A_1142 = arith.addi %and3A_1135, %add3A_1141 : vector<16xi32>
        %and3A_1143 = arith.constant 127 : i32
        %and3A_1144 = vector.broadcast %and3A_1143 : i32 to vector<16xi32>
        %and3A_1145 = arith.andi %add3A_1142, %and3A_1144 : vector<16xi32>
        %gather3A_1146 = tpu.vector_load_idx %arg8[%add3A_168, %and3A_1145] : memref<160x128xf32, #tpu.memory_space<vmem>>[vector<16xi32>, vector<16xi32>], vector<16xf32>,
        %gather3A_1147 = tpu.vector_load_idx %arg9[%add3A_168, %and3A_1145] : memref<160x128xf32, #tpu.memory_space<vmem>>[vector<16xi32>, vector<16xi32>], vector<16xf32>,
        %mul3A_1148 = arith.mulf %gather3A_1146, %gather3A_1147 : vector<16xf32>
        %add3A_1149 = arith.addf %add3A_1139, %mul3A_1148 : vector<16xf32>
        %add3A_1150 = arith.constant 1 : i32
        %add3A_1151 = vector.broadcast %add3A_1150 : i32 to vector<16xi32>
        %add3A_1152 = arith.addi %and3A_1145, %add3A_1151 : vector<16xi32>
        %and3A_1153 = arith.constant 127 : i32
        %and3A_1154 = vector.broadcast %and3A_1153 : i32 to vector<16xi32>
        %and3A_1155 = arith.andi %add3A_1152, %and3A_1154 : vector<16xi32>
        %gather3A_1156 = tpu.vector_load_idx %arg8[%add3A_168, %and3A_1155] : memref<160x128xf32, #tpu.memory_space<vmem>>[vector<16xi32>, vector<16xi32>], vector<16xf32>,
        %gather3A_1157 = tpu.vector_load_idx %arg9[%add3A_168, %and3A_1155] : memref<160x128xf32, #tpu.memory_space<vmem>>[vector<16xi32>, vector<16xi32>], vector<16xf32>,
        %mul3A_1158 = arith.mulf %gather3A_1156, %gather3A_1157 : vector<16xf32>
        %add3A_1159 = arith.addf %add3A_1149, %mul3A_1158 : vector<16xf32>
        %add3A_1160 = arith.constant 1 : i32
        %add3A_1161 = vector.broadcast %add3A_1160 : i32 to vector<16xi32>
        %add3A_1162 = arith.addi %and3A_1155, %add3A_1161 : vector<16xi32>
        %and3A_1163 = arith.constant 127 : i32
        %and3A_1164 = vector.broadcast %and3A_1163 : i32 to vector<16xi32>
        %and3A_1165 = arith.andi %add3A_1162, %and3A_1164 : vector<16xi32>
        %gather3A_1166 = tpu.vector_load_idx %arg8[%add3A_168, %and3A_1165] : memref<160x128xf32, #tpu.memory_space<vmem>>[vector<16xi32>, vector<16xi32>], vector<16xf32>,
        %gather3A_1167 = tpu.vector_load_idx %arg9[%add3A_168, %and3A_1165] : memref<160x128xf32, #tpu.memory_space<vmem>>[vector<16xi32>, vector<16xi32>], vector<16xf32>,
        %mul3A_1168 = arith.mulf %gather3A_1166, %gather3A_1167 : vector<16xf32>
        %add3A_1169 = arith.addf %add3A_1159, %mul3A_1168 : vector<16xf32>
        %add3A_1170 = arith.constant 1 : i32
        %add3A_1171 = vector.broadcast %add3A_1170 : i32 to vector<16xi32>
        %add3A_1172 = arith.addi %and3A_1165, %add3A_1171 : vector<16xi32>
        %and3A_1173 = arith.constant 127 : i32
        %and3A_1174 = vector.broadcast %and3A_1173 : i32 to vector<16xi32>
        %and3A_1175 = arith.andi %add3A_1172, %and3A_1174 : vector<16xi32>
        %gather3A_1176 = tpu.vector_load_idx %arg8[%add3A_168, %and3A_1175] : memref<160x128xf32, #tpu.memory_space<vmem>>[vector<16xi32>, vector<16xi32>], vector<16xf32>,
        %gather3A_1177 = tpu.vector_load_idx %arg9[%add3A_168, %and3A_1175] : memref<160x128xf32, #tpu.memory_space<vmem>>[vector<16xi32>, vector<16xi32>], vector<16xf32>,
        %mul3A_1178 = arith.mulf %gather3A_1176, %gather3A_1177 : vector<16xf32>
        %add3A_1179 = arith.addf %add3A_1169, %mul3A_1178 : vector<16xf32>
        %add3A_1180 = arith.constant 1 : i32
        %add3A_1181 = vector.broadcast %add3A_1180 : i32 to vector<16xi32>
        %add3A_1182 = arith.addi %and3A_1175, %add3A_1181 : vector<16xi32>
        %and3A_1183 = arith.constant 127 : i32
        %and3A_1184 = vector.broadcast %and3A_1183 : i32 to vector<16xi32>
        %and3A_1185 = arith.andi %add3A_1182, %and3A_1184 : vector<16xi32>
        %gather3A_1186 = tpu.vector_load_idx %arg8[%add3A_168, %and3A_1185] : memref<160x128xf32, #tpu.memory_space<vmem>>[vector<16xi32>, vector<16xi32>], vector<16xf32>,
        %gather3A_1187 = tpu.vector_load_idx %arg9[%add3A_168, %and3A_1185] : memref<160x128xf32, #tpu.memory_space<vmem>>[vector<16xi32>, vector<16xi32>], vector<16xf32>,
        %mul3A_1188 = arith.mulf %gather3A_1186, %gather3A_1187 : vector<16xf32>
        %add3A_1189 = arith.addf %add3A_1179, %mul3A_1188 : vector<16xf32>
        %add3A_1190 = arith.constant 1 : i32
        %add3A_1191 = vector.broadcast %add3A_1190 : i32 to vector<16xi32>
        %add3A_1192 = arith.addi %and3A_1185, %add3A_1191 : vector<16xi32>
        %and3A_1193 = arith.constant 127 : i32
        %and3A_1194 = vector.broadcast %and3A_1193 : i32 to vector<16xi32>
        %and3A_1195 = arith.andi %add3A_1192, %and3A_1194 : vector<16xi32>
        %gather3A_1196 = tpu.vector_load_idx %arg8[%add3A_168, %and3A_1195] : memref<160x128xf32, #tpu.memory_space<vmem>>[vector<16xi32>, vector<16xi32>], vector<16xf32>,
        %gather3A_1197 = tpu.vector_load_idx %arg9[%add3A_168, %and3A_1195] : memref<160x128xf32, #tpu.memory_space<vmem>>[vector<16xi32>, vector<16xi32>], vector<16xf32>,
        %mul3A_1198 = arith.mulf %gather3A_1196, %gather3A_1197 : vector<16xf32>
        %add3A_1199 = arith.addf %add3A_1189, %mul3A_1198 : vector<16xf32>
        %add3A_1200 = arith.constant 1 : i32
        %add3A_1201 = vector.broadcast %add3A_1200 : i32 to vector<16xi32>
        %add3A_1202 = arith.addi %and3A_1195, %add3A_1201 : vector<16xi32>
        %and3A_1203 = arith.constant 127 : i32
        %and3A_1204 = vector.broadcast %and3A_1203 : i32 to vector<16xi32>
        %and3A_1205 = arith.andi %add3A_1202, %and3A_1204 : vector<16xi32>
        %gather3A_1206 = tpu.vector_load_idx %arg8[%add3A_168, %and3A_1205] : memref<160x128xf32, #tpu.memory_space<vmem>>[vector<16xi32>, vector<16xi32>], vector<16xf32>,
        %gather3A_1207 = tpu.vector_load_idx %arg9[%add3A_168, %and3A_1205] : memref<160x128xf32, #tpu.memory_space<vmem>>[vector<16xi32>, vector<16xi32>], vector<16xf32>,
        %mul3A_1208 = arith.mulf %gather3A_1206, %gather3A_1207 : vector<16xf32>
        %add3A_1209 = arith.addf %add3A_1199, %mul3A_1208 : vector<16xf32>
        %add3A_1210 = arith.constant 1 : i32
        %add3A_1211 = vector.broadcast %add3A_1210 : i32 to vector<16xi32>
        %add3A_1212 = arith.addi %and3A_1205, %add3A_1211 : vector<16xi32>
        %and3A_1213 = arith.constant 127 : i32
        %and3A_1214 = vector.broadcast %and3A_1213 : i32 to vector<16xi32>
        %and3A_1215 = arith.andi %add3A_1212, %and3A_1214 : vector<16xi32>
        %gather3A_1216 = tpu.vector_load_idx %arg8[%add3A_168, %and3A_1215] : memref<160x128xf32, #tpu.memory_space<vmem>>[vector<16xi32>, vector<16xi32>], vector<16xf32>,
        %gather3A_1217 = tpu.vector_load_idx %arg9[%add3A_168, %and3A_1215] : memref<160x128xf32, #tpu.memory_space<vmem>>[vector<16xi32>, vector<16xi32>], vector<16xf32>,
        %mul3A_1218 = arith.mulf %gather3A_1216, %gather3A_1217 : vector<16xf32>
        %add3A_1219 = arith.addf %add3A_1209, %mul3A_1218 : vector<16xf32>
        %add3A_1220 = arith.constant 1 : i32
        %add3A_1221 = vector.broadcast %add3A_1220 : i32 to vector<16xi32>
        %add3A_1222 = arith.addi %and3A_1215, %add3A_1221 : vector<16xi32>
        %and3A_1223 = arith.constant 127 : i32
        %and3A_1224 = vector.broadcast %and3A_1223 : i32 to vector<16xi32>
        %and3A_1225 = arith.andi %add3A_1222, %and3A_1224 : vector<16xi32>
        %gather3A_1226 = tpu.vector_load_idx %arg8[%add3A_168, %and3A_1225] : memref<160x128xf32, #tpu.memory_space<vmem>>[vector<16xi32>, vector<16xi32>], vector<16xf32>,
        %gather3A_1227 = tpu.vector_load_idx %arg9[%add3A_168, %and3A_1225] : memref<160x128xf32, #tpu.memory_space<vmem>>[vector<16xi32>, vector<16xi32>], vector<16xf32>,
        %mul3A_1228 = arith.mulf %gather3A_1226, %gather3A_1227 : vector<16xf32>
        %add3A_1229 = arith.addf %add3A_1219, %mul3A_1228 : vector<16xf32>
        %add3A_1230 = arith.constant 1 : i32
        %add3A_1231 = vector.broadcast %add3A_1230 : i32 to vector<16xi32>
        %add3A_1232 = arith.addi %and3A_1225, %add3A_1231 : vector<16xi32>
        %and3A_1233 = arith.constant 127 : i32
        %and3A_1234 = vector.broadcast %and3A_1233 : i32 to vector<16xi32>
        %and3A_1235 = arith.andi %add3A_1232, %and3A_1234 : vector<16xi32>
        %gather3A_1236 = tpu.vector_load_idx %arg8[%add3A_168, %and3A_1235] : memref<160x128xf32, #tpu.memory_space<vmem>>[vector<16xi32>, vector<16xi32>], vector<16xf32>,
        %gather3A_1237 = tpu.vector_load_idx %arg9[%add3A_168, %and3A_1235] : memref<160x128xf32, #tpu.memory_space<vmem>>[vector<16xi32>, vector<16xi32>], vector<16xf32>,
        %mul3A_1238 = arith.mulf %gather3A_1236, %gather3A_1237 : vector<16xf32>
        %add3A_1239 = arith.addf %add3A_1229, %mul3A_1238 : vector<16xf32>
        %add3A_1240 = arith.constant 1 : i32
        %add3A_1241 = vector.broadcast %add3A_1240 : i32 to vector<16xi32>
        %add3A_1242 = arith.addi %and3A_1235, %add3A_1241 : vector<16xi32>
        %and3A_1243 = arith.constant 127 : i32
        %and3A_1244 = vector.broadcast %and3A_1243 : i32 to vector<16xi32>
        %and3A_1245 = arith.andi %add3A_1242, %and3A_1244 : vector<16xi32>
        %gather3A_1246 = tpu.vector_load_idx %arg8[%add3A_168, %and3A_1245] : memref<160x128xf32, #tpu.memory_space<vmem>>[vector<16xi32>, vector<16xi32>], vector<16xf32>,
        %gather3A_1247 = tpu.vector_load_idx %arg9[%add3A_168, %and3A_1245] : memref<160x128xf32, #tpu.memory_space<vmem>>[vector<16xi32>, vector<16xi32>], vector<16xf32>,
        %mul3A_1248 = arith.mulf %gather3A_1246, %gather3A_1247 : vector<16xf32>
        %add3A_1249 = arith.addf %add3A_1239, %mul3A_1248 : vector<16xf32>
        %add3A_1250 = arith.constant 1 : i32
        %add3A_1251 = vector.broadcast %add3A_1250 : i32 to vector<16xi32>
        %add3A_1252 = arith.addi %and3A_1245, %add3A_1251 : vector<16xi32>
        %and3A_1253 = arith.constant 127 : i32
        %and3A_1254 = vector.broadcast %and3A_1253 : i32 to vector<16xi32>
        %and3A_1255 = arith.andi %add3A_1252, %and3A_1254 : vector<16xi32>
        %gather3A_1256 = tpu.vector_load_idx %arg8[%add3A_168, %and3A_1255] : memref<160x128xf32, #tpu.memory_space<vmem>>[vector<16xi32>, vector<16xi32>], vector<16xf32>,
        %gather3A_1257 = tpu.vector_load_idx %arg9[%add3A_168, %and3A_1255] : memref<160x128xf32, #tpu.memory_space<vmem>>[vector<16xi32>, vector<16xi32>], vector<16xf32>,
        %mul3A_1258 = arith.mulf %gather3A_1256, %gather3A_1257 : vector<16xf32>
        %add3A_1259 = arith.addf %add3A_1249, %mul3A_1258 : vector<16xf32>
        %add3A_1260 = arith.constant 1 : i32
        %add3A_1261 = vector.broadcast %add3A_1260 : i32 to vector<16xi32>
        %add3A_1262 = arith.addi %and3A_1255, %add3A_1261 : vector<16xi32>
        %and3A_1263 = arith.constant 127 : i32
        %and3A_1264 = vector.broadcast %and3A_1263 : i32 to vector<16xi32>
        %and3A_1265 = arith.andi %add3A_1262, %and3A_1264 : vector<16xi32>
        %gather3A_1266 = tpu.vector_load_idx %arg8[%add3A_168, %and3A_1265] : memref<160x128xf32, #tpu.memory_space<vmem>>[vector<16xi32>, vector<16xi32>], vector<16xf32>,
        %gather3A_1267 = tpu.vector_load_idx %arg9[%add3A_168, %and3A_1265] : memref<160x128xf32, #tpu.memory_space<vmem>>[vector<16xi32>, vector<16xi32>], vector<16xf32>,
        %mul3A_1268 = arith.mulf %gather3A_1266, %gather3A_1267 : vector<16xf32>
        %add3A_1269 = arith.addf %add3A_1259, %mul3A_1268 : vector<16xf32>
        %add3A_1270 = arith.constant 1 : i32
        %add3A_1271 = vector.broadcast %add3A_1270 : i32 to vector<16xi32>
        %add3A_1272 = arith.addi %and3A_1265, %add3A_1271 : vector<16xi32>
        %and3A_1273 = arith.constant 127 : i32
        %and3A_1274 = vector.broadcast %and3A_1273 : i32 to vector<16xi32>
        %and3A_1275 = arith.andi %add3A_1272, %and3A_1274 : vector<16xi32>
        %gather3A_1276 = tpu.vector_load_idx %arg8[%add3A_168, %and3A_1275] : memref<160x128xf32, #tpu.memory_space<vmem>>[vector<16xi32>, vector<16xi32>], vector<16xf32>,
        %gather3A_1277 = tpu.vector_load_idx %arg9[%add3A_168, %and3A_1275] : memref<160x128xf32, #tpu.memory_space<vmem>>[vector<16xi32>, vector<16xi32>], vector<16xf32>,
        %mul3A_1278 = arith.mulf %gather3A_1276, %gather3A_1277 : vector<16xf32>
        %add3A_1279 = arith.addf %add3A_1269, %mul3A_1278 : vector<16xf32>
        %add3A_1280 = arith.constant 1 : i32
        %add3A_1281 = vector.broadcast %add3A_1280 : i32 to vector<16xi32>
        %add3A_1282 = arith.addi %and3A_1275, %add3A_1281 : vector<16xi32>
        %and3A_1283 = arith.constant 127 : i32
        %and3A_1284 = vector.broadcast %and3A_1283 : i32 to vector<16xi32>
        %and3A_1285 = arith.andi %add3A_1282, %and3A_1284 : vector<16xi32>
        %gather3A_1286 = tpu.vector_load_idx %arg8[%add3A_168, %and3A_1285] : memref<160x128xf32, #tpu.memory_space<vmem>>[vector<16xi32>, vector<16xi32>], vector<16xf32>,
        %gather3A_1287 = tpu.vector_load_idx %arg9[%add3A_168, %and3A_1285] : memref<160x128xf32, #tpu.memory_space<vmem>>[vector<16xi32>, vector<16xi32>], vector<16xf32>,
        %mul3A_1288 = arith.mulf %gather3A_1286, %gather3A_1287 : vector<16xf32>
        %add3A_1289 = arith.addf %add3A_1279, %mul3A_1288 : vector<16xf32>
        %add3A_1290 = arith.constant 1 : i32
        %add3A_1291 = vector.broadcast %add3A_1290 : i32 to vector<16xi32>
        %add3A_1292 = arith.addi %and3A_1285, %add3A_1291 : vector<16xi32>
        %and3A_1293 = arith.constant 127 : i32
        %and3A_1294 = vector.broadcast %and3A_1293 : i32 to vector<16xi32>
        %and3A_1295 = arith.andi %add3A_1292, %and3A_1294 : vector<16xi32>
        %gather3A_1296 = tpu.vector_load_idx %arg8[%add3A_168, %and3A_1295] : memref<160x128xf32, #tpu.memory_space<vmem>>[vector<16xi32>, vector<16xi32>], vector<16xf32>,
        %gather3A_1297 = tpu.vector_load_idx %arg9[%add3A_168, %and3A_1295] : memref<160x128xf32, #tpu.memory_space<vmem>>[vector<16xi32>, vector<16xi32>], vector<16xf32>,
        %mul3A_1298 = arith.mulf %gather3A_1296, %gather3A_1297 : vector<16xf32>
        %add3A_1299 = arith.addf %add3A_1289, %mul3A_1298 : vector<16xf32>
        %add3A_1300 = arith.constant 1 : i32
        %add3A_1301 = vector.broadcast %add3A_1300 : i32 to vector<16xi32>
        %add3A_1302 = arith.addi %and3A_1295, %add3A_1301 : vector<16xi32>
        %and3A_1303 = arith.constant 127 : i32
        %and3A_1304 = vector.broadcast %and3A_1303 : i32 to vector<16xi32>
        %and3A_1305 = arith.andi %add3A_1302, %and3A_1304 : vector<16xi32>
        %gather3A_1306 = tpu.vector_load_idx %arg8[%add3A_168, %and3A_1305] : memref<160x128xf32, #tpu.memory_space<vmem>>[vector<16xi32>, vector<16xi32>], vector<16xf32>,
        %gather3A_1307 = tpu.vector_load_idx %arg9[%add3A_168, %and3A_1305] : memref<160x128xf32, #tpu.memory_space<vmem>>[vector<16xi32>, vector<16xi32>], vector<16xf32>,
        %mul3A_1308 = arith.mulf %gather3A_1306, %gather3A_1307 : vector<16xf32>
        %add3A_1309 = arith.addf %add3A_1299, %mul3A_1308 : vector<16xf32>
        %add3A_1310 = arith.constant 1 : i32
        %add3A_1311 = vector.broadcast %add3A_1310 : i32 to vector<16xi32>
        %add3A_1312 = arith.addi %and3A_1305, %add3A_1311 : vector<16xi32>
        %and3A_1313 = arith.constant 127 : i32
        %and3A_1314 = vector.broadcast %and3A_1313 : i32 to vector<16xi32>
        %and3A_1315 = arith.andi %add3A_1312, %and3A_1314 : vector<16xi32>
        %gather3A_1316 = tpu.vector_load_idx %arg8[%add3A_168, %and3A_1315] : memref<160x128xf32, #tpu.memory_space<vmem>>[vector<16xi32>, vector<16xi32>], vector<16xf32>,
        %gather3A_1317 = tpu.vector_load_idx %arg9[%add3A_168, %and3A_1315] : memref<160x128xf32, #tpu.memory_space<vmem>>[vector<16xi32>, vector<16xi32>], vector<16xf32>,
        %mul3A_1318 = arith.mulf %gather3A_1316, %gather3A_1317 : vector<16xf32>
        %add3A_1319 = arith.addf %add3A_1309, %mul3A_1318 : vector<16xf32>
        %add3A_1320 = arith.constant 1 : i32
        %add3A_1321 = vector.broadcast %add3A_1320 : i32 to vector<16xi32>
        %add3A_1322 = arith.addi %and3A_1315, %add3A_1321 : vector<16xi32>
        %and3A_1323 = arith.constant 127 : i32
        %and3A_1324 = vector.broadcast %and3A_1323 : i32 to vector<16xi32>
        %and3A_1325 = arith.andi %add3A_1322, %and3A_1324 : vector<16xi32>
        %gather3A_1326 = tpu.vector_load_idx %arg8[%add3A_168, %and3A_1325] : memref<160x128xf32, #tpu.memory_space<vmem>>[vector<16xi32>, vector<16xi32>], vector<16xf32>,
        %gather3A_1327 = tpu.vector_load_idx %arg9[%add3A_168, %and3A_1325] : memref<160x128xf32, #tpu.memory_space<vmem>>[vector<16xi32>, vector<16xi32>], vector<16xf32>,
        %mul3A_1328 = arith.mulf %gather3A_1326, %gather3A_1327 : vector<16xf32>
        %add3A_1329 = arith.addf %add3A_1319, %mul3A_1328 : vector<16xf32>
        %add3A_1330 = arith.constant 1 : i32
        %add3A_1331 = vector.broadcast %add3A_1330 : i32 to vector<16xi32>
        %add3A_1332 = arith.addi %and3A_1325, %add3A_1331 : vector<16xi32>
        %and3A_1333 = arith.constant 127 : i32
        %and3A_1334 = vector.broadcast %and3A_1333 : i32 to vector<16xi32>
        %and3A_1335 = arith.andi %add3A_1332, %and3A_1334 : vector<16xi32>
        %gather3A_1336 = tpu.vector_load_idx %arg8[%add3A_168, %and3A_1335] : memref<160x128xf32, #tpu.memory_space<vmem>>[vector<16xi32>, vector<16xi32>], vector<16xf32>,
        %gather3A_1337 = tpu.vector_load_idx %arg9[%add3A_168, %and3A_1335] : memref<160x128xf32, #tpu.memory_space<vmem>>[vector<16xi32>, vector<16xi32>], vector<16xf32>,
        %mul3A_1338 = arith.mulf %gather3A_1336, %gather3A_1337 : vector<16xf32>
        %add3A_1339 = arith.addf %add3A_1329, %mul3A_1338 : vector<16xf32>
        %add3A_1340 = arith.constant 1 : i32
        %add3A_1341 = vector.broadcast %add3A_1340 : i32 to vector<16xi32>
        %add3A_1342 = arith.addi %and3A_1335, %add3A_1341 : vector<16xi32>
        %and3A_1343 = arith.constant 127 : i32
        %and3A_1344 = vector.broadcast %and3A_1343 : i32 to vector<16xi32>
        %and3A_1345 = arith.andi %add3A_1342, %and3A_1344 : vector<16xi32>
        %gather3A_1346 = tpu.vector_load_idx %arg8[%add3A_168, %and3A_1345] : memref<160x128xf32, #tpu.memory_space<vmem>>[vector<16xi32>, vector<16xi32>], vector<16xf32>,
        %gather3A_1347 = tpu.vector_load_idx %arg9[%add3A_168, %and3A_1345] : memref<160x128xf32, #tpu.memory_space<vmem>>[vector<16xi32>, vector<16xi32>], vector<16xf32>,
        %mul3A_1348 = arith.mulf %gather3A_1346, %gather3A_1347 : vector<16xf32>
        %add3A_1349 = arith.addf %add3A_1339, %mul3A_1348 : vector<16xf32>
        %add3A_1350 = arith.constant 1 : i32
        %add3A_1351 = vector.broadcast %add3A_1350 : i32 to vector<16xi32>
        %add3A_1352 = arith.addi %and3A_1345, %add3A_1351 : vector<16xi32>
        %and3A_1353 = arith.constant 127 : i32
        %and3A_1354 = vector.broadcast %and3A_1353 : i32 to vector<16xi32>
        %and3A_1355 = arith.andi %add3A_1352, %and3A_1354 : vector<16xi32>
        %gather3A_1356 = tpu.vector_load_idx %arg8[%add3A_168, %and3A_1355] : memref<160x128xf32, #tpu.memory_space<vmem>>[vector<16xi32>, vector<16xi32>], vector<16xf32>,
        %gather3A_1357 = tpu.vector_load_idx %arg9[%add3A_168, %and3A_1355] : memref<160x128xf32, #tpu.memory_space<vmem>>[vector<16xi32>, vector<16xi32>], vector<16xf32>,
        %mul3A_1358 = arith.mulf %gather3A_1356, %gather3A_1357 : vector<16xf32>
        %add3A_1359 = arith.addf %add3A_1349, %mul3A_1358 : vector<16xf32>
        %add3A_1360 = arith.constant 1 : i32
        %add3A_1361 = vector.broadcast %add3A_1360 : i32 to vector<16xi32>
        %add3A_1362 = arith.addi %and3A_1355, %add3A_1361 : vector<16xi32>
        %and3A_1363 = arith.constant 127 : i32
        %and3A_1364 = vector.broadcast %and3A_1363 : i32 to vector<16xi32>
        %and3A_1365 = arith.andi %add3A_1362, %and3A_1364 : vector<16xi32>
        %gather3A_1366 = tpu.vector_load_idx %arg8[%add3A_168, %and3A_1365] : memref<160x128xf32, #tpu.memory_space<vmem>>[vector<16xi32>, vector<16xi32>], vector<16xf32>,
        %gather3A_1367 = tpu.vector_load_idx %arg9[%add3A_168, %and3A_1365] : memref<160x128xf32, #tpu.memory_space<vmem>>[vector<16xi32>, vector<16xi32>], vector<16xf32>,
        %mul3A_1368 = arith.mulf %gather3A_1366, %gather3A_1367 : vector<16xf32>
        %add3A_1369 = arith.addf %add3A_1359, %mul3A_1368 : vector<16xf32>
        %add3A_1370 = arith.constant 1 : i32
        %add3A_1371 = vector.broadcast %add3A_1370 : i32 to vector<16xi32>
        %add3A_1372 = arith.addi %and3A_1365, %add3A_1371 : vector<16xi32>
        %and3A_1373 = arith.constant 127 : i32
        %and3A_1374 = vector.broadcast %and3A_1373 : i32 to vector<16xi32>
        %and3A_1375 = arith.andi %add3A_1372, %and3A_1374 : vector<16xi32>
        %gather3A_1376 = tpu.vector_load_idx %arg8[%add3A_168, %and3A_1375] : memref<160x128xf32, #tpu.memory_space<vmem>>[vector<16xi32>, vector<16xi32>], vector<16xf32>,
        %gather3A_1377 = tpu.vector_load_idx %arg9[%add3A_168, %and3A_1375] : memref<160x128xf32, #tpu.memory_space<vmem>>[vector<16xi32>, vector<16xi32>], vector<16xf32>,
        %mul3A_1378 = arith.mulf %gather3A_1376, %gather3A_1377 : vector<16xf32>
        %add3A_1379 = arith.addf %add3A_1369, %mul3A_1378 : vector<16xf32>
        %add3A_1380 = arith.constant 1 : i32
        %add3A_1381 = vector.broadcast %add3A_1380 : i32 to vector<16xi32>
        %add3A_1382 = arith.addi %and3A_1375, %add3A_1381 : vector<16xi32>
        %and3A_1383 = arith.constant 127 : i32
        %and3A_1384 = vector.broadcast %and3A_1383 : i32 to vector<16xi32>
        %and3A_1385 = arith.andi %add3A_1382, %and3A_1384 : vector<16xi32>
        %gather3A_1386 = tpu.vector_load_idx %arg8[%add3A_168, %and3A_1385] : memref<160x128xf32, #tpu.memory_space<vmem>>[vector<16xi32>, vector<16xi32>], vector<16xf32>,
        %gather3A_1387 = tpu.vector_load_idx %arg9[%add3A_168, %and3A_1385] : memref<160x128xf32, #tpu.memory_space<vmem>>[vector<16xi32>, vector<16xi32>], vector<16xf32>,
        %mul3A_1388 = arith.mulf %gather3A_1386, %gather3A_1387 : vector<16xf32>
        %add3A_1389 = arith.addf %add3A_1379, %mul3A_1388 : vector<16xf32>
        %add3A_1390 = arith.constant 1 : i32
        %add3A_1391 = vector.broadcast %add3A_1390 : i32 to vector<16xi32>
        %add3A_1392 = arith.addi %and3A_1385, %add3A_1391 : vector<16xi32>
        %and3A_1393 = arith.constant 127 : i32
        %and3A_1394 = vector.broadcast %and3A_1393 : i32 to vector<16xi32>
        %and3A_1395 = arith.andi %add3A_1392, %and3A_1394 : vector<16xi32>
        %gather3A_1396 = tpu.vector_load_idx %arg8[%add3A_168, %and3A_1395] : memref<160x128xf32, #tpu.memory_space<vmem>>[vector<16xi32>, vector<16xi32>], vector<16xf32>,
        %gather3A_1397 = tpu.vector_load_idx %arg9[%add3A_168, %and3A_1395] : memref<160x128xf32, #tpu.memory_space<vmem>>[vector<16xi32>, vector<16xi32>], vector<16xf32>,
        %mul3A_1398 = arith.mulf %gather3A_1396, %gather3A_1397 : vector<16xf32>
        %add3A_1399 = arith.addf %add3A_1389, %mul3A_1398 : vector<16xf32>
        %add3A_1400 = arith.constant 1 : i32
        %add3A_1401 = vector.broadcast %add3A_1400 : i32 to vector<16xi32>
        %add3A_1402 = arith.addi %and3A_1395, %add3A_1401 : vector<16xi32>
        %and3A_1403 = arith.constant 127 : i32
        %and3A_1404 = vector.broadcast %and3A_1403 : i32 to vector<16xi32>
        %and3A_1405 = arith.andi %add3A_1402, %and3A_1404 : vector<16xi32>
        %gather3A_1406 = tpu.vector_load_idx %arg8[%add3A_168, %and3A_1405] : memref<160x128xf32, #tpu.memory_space<vmem>>[vector<16xi32>, vector<16xi32>], vector<16xf32>,
        %gather3A_1407 = tpu.vector_load_idx %arg9[%add3A_168, %and3A_1405] : memref<160x128xf32, #tpu.memory_space<vmem>>[vector<16xi32>, vector<16xi32>], vector<16xf32>,
        %mul3A_1408 = arith.mulf %gather3A_1406, %gather3A_1407 : vector<16xf32>
        %add3A_1409 = arith.addf %add3A_1399, %mul3A_1408 : vector<16xf32>
        %add3A_1410 = arith.constant 1 : i32
        %add3A_1411 = vector.broadcast %add3A_1410 : i32 to vector<16xi32>
        %add3A_1412 = arith.addi %and3A_1405, %add3A_1411 : vector<16xi32>
        %and3A_1413 = arith.constant 127 : i32
        %and3A_1414 = vector.broadcast %and3A_1413 : i32 to vector<16xi32>
        %and3A_1415 = arith.andi %add3A_1412, %and3A_1414 : vector<16xi32>
        %gather3A_1416 = tpu.vector_load_idx %arg8[%add3A_168, %and3A_1415] : memref<160x128xf32, #tpu.memory_space<vmem>>[vector<16xi32>, vector<16xi32>], vector<16xf32>,
        %gather3A_1417 = tpu.vector_load_idx %arg9[%add3A_168, %and3A_1415] : memref<160x128xf32, #tpu.memory_space<vmem>>[vector<16xi32>, vector<16xi32>], vector<16xf32>,
        %mul3A_1418 = arith.mulf %gather3A_1416, %gather3A_1417 : vector<16xf32>
        %add3A_1419 = arith.addf %add3A_1409, %mul3A_1418 : vector<16xf32>
        %add3A_1420 = arith.constant 1 : i32
        %add3A_1421 = vector.broadcast %add3A_1420 : i32 to vector<16xi32>
        %add3A_1422 = arith.addi %and3A_1415, %add3A_1421 : vector<16xi32>
        %and3A_1423 = arith.constant 127 : i32
        %and3A_1424 = vector.broadcast %and3A_1423 : i32 to vector<16xi32>
        %and3A_1425 = arith.andi %add3A_1422, %and3A_1424 : vector<16xi32>
        %gather3A_1426 = tpu.vector_load_idx %arg8[%add3A_168, %and3A_1425] : memref<160x128xf32, #tpu.memory_space<vmem>>[vector<16xi32>, vector<16xi32>], vector<16xf32>,
        %gather3A_1427 = tpu.vector_load_idx %arg9[%add3A_168, %and3A_1425] : memref<160x128xf32, #tpu.memory_space<vmem>>[vector<16xi32>, vector<16xi32>], vector<16xf32>,
        %mul3A_1428 = arith.mulf %gather3A_1426, %gather3A_1427 : vector<16xf32>
        %add3A_1429 = arith.addf %add3A_1419, %mul3A_1428 : vector<16xf32>
        %add3A_1430 = arith.constant 1 : i32
        %add3A_1431 = vector.broadcast %add3A_1430 : i32 to vector<16xi32>
        %add3A_1432 = arith.addi %and3A_1425, %add3A_1431 : vector<16xi32>
        %and3A_1433 = arith.constant 127 : i32
        %and3A_1434 = vector.broadcast %and3A_1433 : i32 to vector<16xi32>
        %and3A_1435 = arith.andi %add3A_1432, %and3A_1434 : vector<16xi32>
        %gather3A_1436 = tpu.vector_load_idx %arg8[%add3A_168, %and3A_1435] : memref<160x128xf32, #tpu.memory_space<vmem>>[vector<16xi32>, vector<16xi32>], vector<16xf32>,
        %gather3A_1437 = tpu.vector_load_idx %arg9[%add3A_168, %and3A_1435] : memref<160x128xf32, #tpu.memory_space<vmem>>[vector<16xi32>, vector<16xi32>], vector<16xf32>,
        %mul3A_1438 = arith.mulf %gather3A_1436, %gather3A_1437 : vector<16xf32>
        %add3A_1439 = arith.addf %add3A_1429, %mul3A_1438 : vector<16xf32>
        %mul3A_1440 = arith.constant 16 : i32
        %mul3A_1441 = arith.muli %scan3A_162, %mul3A_1440 : i32
        %add3A_1442 = arith.addi %mul3A_144, %mul3A_1441 : i32
        %swap3A = arith.index_cast %add3A_1442 : i32 to index
        %swap3A_1443 = tpu.vector_load %arg10[%swap3A] {strides = array<i32>} : memref<160xf32, #tpu.memory_space<vmem>>, vector<16xf32>,
        tpu.vector_store %arg10[%swap3A], %add3A_1439 {strides = array<i32>} : memref<160xf32, #tpu.memory_space<vmem>>, vector<16xf32>,
        %scan3A_1444 = arith.constant 0 : i32
        scf.yield %scan3A_1444 : i32
      }
      %scan3A_151 = arith.constant 5 : i32
      %mul3A_152 = arith.constant 80 : i32
      %mul3A_153 = arith.muli %rem3A_103, %mul3A_152 : i32
      %mul3A_154 = arith.constant 80 : i32
      %mul3A_155 = arith.muli %scan3A_100, %mul3A_154 : i32
      %add3A_156 = arith.addi %mul3A_2, %mul3A_155 : i32
      %dma_start3A_157 = tpu.memref_slice %arg10[%mul3A_153] : memref<160xf32, #tpu.memory_space<vmem>> -> memref<80xf32, #tpu.memory_space<vmem>>
      %dma_start3A_158 = tpu.memref_slice %arg5[%add3A_156] : memref<320000xf32, #tpu.memory_space<hbm>> -> memref<80xf32, #tpu.memory_space<hbm>>
      %dma_start3A_159 = tpu.memref_slice %arg5[%add3A_156] : memref<320000xf32, #tpu.memory_space<hbm>> -> memref<80xf32, #tpu.memory_space<hbm>>
      %dma_start3A_160 = tpu.memref_slice %arg10[%mul3A_153] : memref<160xf32, #tpu.memory_space<vmem>> -> memref<80xf32, #tpu.memory_space<vmem>>
      tpu.enqueue_dma source(%dma_start3A_160 : memref<80xf32, #tpu.memory_space<vmem>>) target(%dma_start3A_159 : memref<80xf32, #tpu.memory_space<hbm>>) target_semaphore(%arg15 : memref<!tpu.dma_semaphore, #tpu.memory_space<semaphore_mem>>)
      %scan3A_161 = arith.constant 0 : i32
      scf.yield %scan3A_161 : i32
    }
    %scan3A_78 = arith.constant 125 : i32
    %rem3A = arith.constant 123 : i32
    %rem3A_79 = arith.constant 2 : i32
    %rem3A_80 = arith.remsi %rem3A, %rem3A_79 : i32
    %mul3A_81 = arith.constant 80 : i32
    %mul3A_82 = arith.muli %rem3A_80, %mul3A_81 : i32
    %add3A_83 = arith.constant 9840 : i32
    %add3A_84 = arith.addi %mul3A_2, %add3A_83 : i32
    %dma_wait3A_85 = tpu.memref_slice %arg10[%mul3A_82] : memref<160xf32, #tpu.memory_space<vmem>> -> memref<80xf32, #tpu.memory_space<vmem>>
    %dma_wait3A_86 = tpu.memref_slice %arg5[%add3A_84] : memref<320000xf32, #tpu.memory_space<hbm>> -> memref<80xf32, #tpu.memory_space<hbm>>
    %dma_wait3A_87 = tpu.memref_slice %arg5[%add3A_84] : memref<320000xf32, #tpu.memory_space<hbm>> -> memref<80xf32, #tpu.memory_space<hbm>>
    %dma_wait3A_88 = tpu.memref_slice %arg10[%mul3A_82] : memref<160xf32, #tpu.memory_space<vmem>> -> memref<80xf32, #tpu.memory_space<vmem>>
    tpu.wait_dma2 semaphore(%arg15 : memref<!tpu.dma_semaphore, #tpu.memory_space<semaphore_mem>>) src(%dma_wait3A_88 : memref<80xf32, #tpu.memory_space<vmem>>) dst(%dma_wait3A_87 : memref<80xf32, #tpu.memory_space<hbm>>)
    %rem3A_89 = arith.constant 124 : i32
    %rem3A_90 = arith.constant 2 : i32
    %rem3A_91 = arith.remsi %rem3A_89, %rem3A_90 : i32
    %mul3A_92 = arith.constant 80 : i32
    %mul3A_93 = arith.muli %rem3A_91, %mul3A_92 : i32
    %add3A_94 = arith.constant 9920 : i32
    %add3A_95 = arith.addi %mul3A_2, %add3A_94 : i32
    %dma_wait3A_96 = tpu.memref_slice %arg10[%mul3A_93] : memref<160xf32, #tpu.memory_space<vmem>> -> memref<80xf32, #tpu.memory_space<vmem>>
    %dma_wait3A_97 = tpu.memref_slice %arg5[%add3A_95] : memref<320000xf32, #tpu.memory_space<hbm>> -> memref<80xf32, #tpu.memory_space<hbm>>
    %dma_wait3A_98 = tpu.memref_slice %arg5[%add3A_95] : memref<320000xf32, #tpu.memory_space<hbm>> -> memref<80xf32, #tpu.memory_space<hbm>>
    %dma_wait3A_99 = tpu.memref_slice %arg10[%mul3A_93] : memref<160xf32, #tpu.memory_space<vmem>> -> memref<80xf32, #tpu.memory_space<vmem>>
    tpu.wait_dma2 semaphore(%arg15 : memref<!tpu.dma_semaphore, #tpu.memory_space<semaphore_mem>>) src(%dma_wait3A_99 : memref<80xf32, #tpu.memory_space<vmem>>) dst(%dma_wait3A_98 : memref<80xf32, #tpu.memory_space<hbm>>)
    return
  }
}

</mosaic_0001>

<sc_bundles>
// kernel: kernel.3.cloned.1.call-start
scs
__scs_entry_jumppad:
0x0: {  	(pc) =	sbr.rel $0x88, $3  }
0x1: {  	(tag) =	ssettag $0x0;
	lr =	simm.s32 $0x1  }
0x2: {  	[smem:$0x3F9F] =	sst lr;
	_ =	strace $0xD0000000  }
0x3: {  	_ = 	snop  }
0x4: {  	_ = 	snop  }
0x5: {  	_ = 	snop  }
0x6: {  	_ = 	snop  }
0x7: {  	_ = 	snop  }
__scs_overlays_trampoline_lowered:
0x8: {  	[smem:$0x3FAE] =	sst s0  }
0x9: {  	[smem:$0x3FAF] =	sst s1  }
0xa: {  	[smem:$0x3FB0] =	sst s2  }
0xb: {  	[smem:$0x3FB1] =	sst s3  }
0xc: {  	[smem:$0x3FB2] =	sst s4  }
0xd: {  	[smem:$0x3FB3] =	sst s5  }
0xe: {  	[smem:$0x3FB4] =	sst s6  }
0xf: {  	[smem:$0x3FB5] =	sst s7  }
0x10: {  	[smem:$0x3FB6] =	sst s8  }
0x11: {  	[smem:$0x3FB7] =	sst s9;
	s0 =	simm.s32 @!p0 $0x0  }
0x12: {  	s1 =	sld [smem:$0x3F9D];
	s0 =	simm.s32 @p0 $0x1  }
0x13: {  	[smem:$0x3FB8] =	sst s0;
	s0 =	simm.s32 @!p1 $0x0  }
0x14: {  	s2 =	sld [smem:$0x3F9C];
	s0 =	simm.s32 @p1 $0x1  }
0x15: {  	[smem:$0x3FB9] =	sst s0;
	s0 =	simm.s32 @!p2 $0x0  }
0x16: {  	s3 =	sld [smem:$0x3FDB];
	s0 =	simm.s32 @p2 $0x1  }
0x17: {  	s4 =	simm.s32 $0x1BF5;
	[smem:$0x3FBB] =	sst s0  }
0x18: {  	s0 =	sld [smem:$0x3F9E];
	_ =	swait.ge [sflag:s4], $0x0  }
0x19: {  	s7 =	sld [smem:$0x3F9F]  }
0x1a: {  	s8 =	sadd.s32 $0xFFFFE003, lr  }
0x1b: {  	s9 =	sadd.s32 $0xFFFFFEF7, lr;
	s5 =	simm.s32 $0xFFFFFFFF;
	p2 =	slt.u32 s8, $0xFFFFF086  }
0x1c: {  	p1 =	slt.u32 s9, $0xF7A;
	s5 =	simm.s32 @!p2 $0x0  }
0x1d: {  	s5 =	simm.s32 @p1 $0x1;
	p0 =	seq.s32 s7, s2  }
0x1e: {  	s7 =	smul.u32 @!p0 $0xF7A, s2;
	p2 =	seq.s32 @!p0 s5, $0x0  }
0x1f: {  	s9 =	smul.u32 $0xF7A, s1;
	s8 =	simm.s32 @!p0 $0x1BF5;
	p2 =	por !p2, p0  }
0x20: {  	[sflag:s8] =	ssyncset.s32 @!p0 $0xFFFFF086;
	s6 =	sadd.s32 @!p0 s3, s7;
	s7 =	simm.s32 @!p0 $0x108  }
0x21: {  	s3 =	sadd.s32 s3, s9;
	s6 =	sadd.s32 @!p0 $0x88, s6;
	s7 =	simm.s32 @p2 $0x1082  }
0x22: {  	[simem:s7], [sflag:s8] =	dma.local @!p0 [hbm:s6], $0xF7A  }
0x23: {  	s9 =	sor.u32 $0xD0000000, s2;
	s6 =	simm.s32 $0x108;
	_ =	swait.ge @!p0 [sflag:s8], $0x0  }
0x24: {  	s3 =	sadd.s32 $0x88, s3;
	s6 =	simm.s32 @!p1 $0x1082;
	[sflag:s4] =	ssyncset.s32 $0xFFFFF086  }
0x25: {  	[simem:s6], [sflag:s4] =	dma.local [hbm:s3], $0xF7A  }
0x26: {  	[smem:$0x3F9F] =	sst s1;
	(tag) =	ssettag s2;
	_ =	strace s9  }
0x27: {  	s1 =	sld [smem:$0x3FAF]  }
0x28: {  	s2 =	sld [smem:$0x3FB0]  }
0x29: {  	s4 =	sld [smem:$0x3FB2]  }
0x2a: {  	p0 =	seq.s32 s5, $0x0;
	s5 =	sld [smem:$0x3FB3]  }
0x2b: {  	s6 =	sld [smem:$0x3FB4]  }
0x2c: {  	s7 =	sld [smem:$0x3FB5]  }
0x2d: {  	s3 =	simm.s32 $0x108;
	s8 =	sld [smem:$0x3FB6]  }
0x2e: {  	s3 =	simm.s32 @!p0 $0x1082;
	s9 =	sld [smem:$0x3FB7]  }
0x2f: {  	lr =	sadd.s32 s0, s3;
	s0 =	sld [smem:$0x3FAE]  }
0x30: {  	s3 =	sld [smem:$0x3FB1]  }
0x31: {  	[smem:$0x3FBA] =	sst s10  }
0x32: {  	s10 =	sld [smem:$0x3FB8];
	_ =	sdelay $0x3  }
0x33: {  	p0 =	seq.s32 s10, $0x1;
	s10 =	sld [smem:$0x3FBA];
	_ =	sdelay $0x3  }
0x34: {  	[smem:$0x3FBA] =	sst s10  }
0x35: {  	s10 =	sld [smem:$0x3FB9];
	_ =	sdelay $0x3  }
0x36: {  	p1 =	seq.s32 s10, $0x1;
	s10 =	sld [smem:$0x3FBA];
	_ =	sdelay $0x3  }
0x37: {  	[smem:$0x3FBA] =	sst s10  }
0x38: {  	s10 =	sld [smem:$0x3FBB]  }
0x39: {  	_ = 	snop;
	(pc) =	sbr.ind lr, $3  }
0x3a: {  	_ = 	snop  }
0x3b: {  	_ = 	snop  }
0x3c: {  	p2 =	seq.s32 s10, $0x1;
	s10 =	sld [smem:$0x3FBA]  }
0x3d: {  	_ =	shalt  }
0x3e: {  	_ =	shalt  }
0x3f: {  	_ =	shalt  }
0x40: {  	_ =	shalt  }
0x41: {  	_ =	shalt  }
0x42: {  	_ =	shalt  }
0x43: {  	_ =	shalt  }
0x44: {  	_ =	shalt  }
0x45: {  	_ =	shalt  }
0x46: {  	_ =	shalt  }
0x47: {  	_ =	shalt  }
0x48: {  	_ =	shalt  }
0x49: {  	_ =	shalt  }
0x4a: {  	_ =	shalt  }
0x4b: {  	_ =	shalt  }
0x4c: {  	_ =	shalt  }
0x4d: {  	_ =	shalt  }
0x4e: {  	_ =	shalt  }
0x4f: {  	_ =	shalt  }
0x50: {  	_ =	shalt  }
0x51: {  	_ =	shalt  }
0x52: {  	_ =	shalt  }
0x53: {  	_ =	shalt  }
0x54: {  	_ =	shalt  }
0x55: {  	_ =	shalt  }
0x56: {  	_ =	shalt  }
0x57: {  	_ =	shalt  }
0x58: {  	_ =	shalt  }
0x59: {  	_ =	shalt  }
0x5a: {  	_ =	shalt  }
0x5b: {  	_ =	shalt  }
0x5c: {  	_ =	shalt  }
0x5d: {  	_ =	shalt  }
0x5e: {  	_ =	shalt  }
0x5f: {  	_ =	shalt  }
0x60: {  	_ =	shalt  }
0x61: {  	_ =	shalt  }
0x62: {  	_ =	shalt  }
0x63: {  	_ =	shalt  }
0x64: {  	_ =	shalt  }
0x65: {  	_ =	shalt  }
0x66: {  	_ =	shalt  }
0x67: {  	_ =	shalt  }
0x68: {  	_ =	shalt  }
0x69: {  	_ =	shalt  }
0x6a: {  	_ =	shalt  }
0x6b: {  	_ =	shalt  }
0x6c: {  	_ =	shalt  }
0x6d: {  	_ =	shalt  }
0x6e: {  	_ =	shalt  }
0x6f: {  	_ =	shalt  }
0x70: {  	_ =	shalt  }
0x71: {  	_ =	shalt  }
0x72: {  	_ =	shalt  }
0x73: {  	_ =	shalt  }
0x74: {  	_ =	shalt  }
0x75: {  	_ =	shalt  }
0x76: {  	_ =	shalt  }
0x77: {  	_ =	shalt  }
0x78: {  	_ =	shalt  }
0x79: {  	_ =	shalt  }
0x7a: {  	_ =	shalt  }
0x7b: {  	_ =	shalt  }
0x7c: {  	_ =	shalt  }
0x7d: {  	_ =	shalt  }
0x7e: {  	_ =	shalt  }
0x7f: {  	_ =	shalt  }
0x80: {  	_ =	shalt  }
0x81: {  	_ =	shalt  }
0x82: {  	_ =	shalt  }
0x83: {  	_ =	shalt  }
0x84: {  	_ =	shalt  }
0x85: {  	_ =	shalt  }
0x86: {  	_ =	shalt  }
0x87: {  	_ =	shalt  }
.Lfunc_end0:
.L_simem_size_0:
called_computation_lowered:
.L_overlay_start_0:
0x88: {  	s2 =	sld [smem:$0x3FD9]  }
0x89: {  	s3 =	sld [smem:$0x3FFE];
	_ =	sdelay $0x1  }
0x8a: {  	s1 =	srdreg.scid  }
0x8b: {  	s0 =	sand.u32 $0x1, s1  }
0x8c: {  	s17 =	sshll.u32 s0, $0xA;
	s2 =	sadd.s32 s3, s2  }
0x8d: {  	s2 =	sadd.s32 s2, s17  }
0x8e: {  	[smem:$0x3FC6] =	sst s2  }
0x8f: {  	_ = 	snop  }
0x90: {  	s2 =	sld [smem:$0x3FC9]  }
0x91: {  	s18 =	sld [smem:$0x3FD0];
	(tm) =	ssettm $0x1  }
0x92: {  	s4 =	sld [smem:$0x3FFB];
	_ =	sdelay $0x3  }
0x93: {  	_ =	strace s4  }
0x94: {  	s4 =	sld [smem:$0x3FFC];
	_ =	sdelay $0x3  }
0x95: {  	_ =	strace s4  }
0x96: {  	s4 =	sld [smem:$0x3FFD];
	_ =	sdelay $0x3  }
0x97: {  	_ =	strace s4  }
0x98: {  	_ =	strace $0x8FFFFFFF  }
0x99: {  	s19 =	sld [smem:$0x3FDB];
	_ =	sdelay $0x1  }
0x9a: {  	s5 =	simm.s32 $_scs_section_size  }
0x9b: {  	s6 =	simm.s32 $_size__tile_overlayer_lowered;
	s7 =	simm.s32 $_tile_overlayer_lowered  }
0x9c: {  	s22 =	simm.s32 $0x1BFF;
	s21 =	sshll.u32 s7, $0x1;
	s4 =	sadd.s32 s5, s19  }
0x9d: {  	s8 =	simm.s32 $0x0;
	s20 =	sshll.u32 s6, $0x1;
	s6 =	sadd.s32 s21, s4  }
0x9e: {  	[timem:s8], [sflag:s22] =	dma.local [hbm:s6], s20  }
0x9f: {  	_ =	swait.ge [sflag:s22], s20  }
0xa0: {  	s5 =	ssub.s32 $0x0, s20;
	[sflag:s22] =	ssyncset.done $0x0  }
0xa1: {  	[sflag:s22] =	ssyncadd.s32 s5;
	_ =	sdelay $0x1  }
0xa2: {  	s23 =	simm.s32 $0x1B8B  }
0xa3: {  	_ =	swait.ge [sflag:s23], $0x1  }
0xa4: {  	[sflag:s23] =	ssyncset.done $0x0  }
0xa5: {  	s25 =	simm.s32 $0x1B8E;
	s24 =	sld [smem:$0x3FFE];
	[sflag:s23] =	ssyncadd.s32 $0xFFFFFFFF  }
0xa6: {  	s26 =	simm.s32 $execute0_lowered;
	[smem:$0x3FD2] =	sst s25  }
0xa7: {  	s6 =	sshll.u32 s26, $0x1;
	_ =	strace $0x80000046;
	[dreg:$0x1] =	wrdreg $0xFFFFFFFF  }
0xa8: {  	s28 =	simm.s32 $_size_execute0_lowered;
	s4 =	sadd.s32 s4, s6;
	[dreg:$0x0] =	wrdreg $0x0  }
0xa9: {  	s6 =	sshll.u32 s28, $0x1;
	[dreg:$0x2] =	wrdreg s4  }
0xaa: {  	[dreg:$0x3] =	wrdreg s6  }
0xab: {  	[dreg:$0x4] =	wrdreg $0xC0  }
0xac: {  	_ =	task [dreg:s8], $0x5FFFF  }
0xad: {  	[dreg:$0x1] =	wrdreg $0xFFFFFFFF  }
0xae: {  	[dreg:$0x0] =	wrdreg $0x60  }
0xaf: {  	[dreg:$0x2] =	wrdreg s2  }
0xb0: {  	[dreg:$0x3] =	wrdreg s24  }
0xb1: {  	[dreg:$0x4] =	wrdreg s18  }
0xb2: {  	[dreg:$0x5] =	wrdreg $0xA3000  }
0xb3: {  	[dreg:$0x6] =	wrdreg $0x9  }
0xb4: {  	_ =	task.clear_ibuf [dreg:s8], $0x7FFFF;
	_ =	strace $0x90000046  }
0xb5: {  	s29 =	simm.s32 $0x9;
	_ =	strace $0x80000048  }
0xb6: {  	_ =	swait.ge [sflag:s29], $0x1  }
0xb7: {  	[sflag:s29] =	ssyncadd.s32 $0xFFFFFFFF  }
0xb8: {  	_ =	strace $0x90000048  }
0xb9: {  	_ =	sfence  }
0xba: {  	s30 =	sld [smem:$0x0];
	_ =	sdelay $0x2  }
0xbb: {  	s31 =	sshll.u32 s1, $0xD;
	s1 =	sshrl.u32 s1, $0x2  }
0xbc: {  	s3 =	sand.u32 $0x4000, s31;
	s1 =	sadd.s32 s1, s30  }
0xbd: {  	s0 =	sor.u32 s3, s0;
	s1 =	sshll.u32 s1, $0x11  }
0xbe: {  	s0 =	sor.u32 s1, s0  }
0xbf: {  	s0 =	sadd.s32 $0x8F2B, s0  }
0xc0: {  	[sflag:s0] =	ssyncadd.remote.s32 $0x1  }
0xc1: {  	_ =	sfence.sel $0xFFFF  }
0xc2: {  	[dreg:$0x0] =	wrdreg $0xFFFFFFFF;
	(pc) =	sbr.abs _section_cstart, $3  }
0xc3: {  	[dreg:$0x1] =	wrdreg $0xFFFFFFFF  }
0xc4: {  	_ =	task.clear_ibuf [dreg:s8], $0x2FFFF;
	_ =	strace $0x9FFFFFFF  }
0xc5: {  	(tm) =	ssettm $0x7FFFFFFF  }
tec
execute0_lowered:
.L_overlay_start_1:
0x0: {  	(tag) =	ssettag $0x1  }
0x1: {  	v14 =	vlaneseq.u32  }
0x2: {  	v0 =	vadd.s32 $0x21, v14  }
0x3: {  	v33 =	vimm.s32 $0x74737271;
	v34 =	vimm.s32 $0x78777675;
	v18 =	vadd.s32 $0x22, v14;
	[tilespmem:$0x1FBD0] =	vst v0  }
0x4: {  	v35 =	vimm.s32 $0x75747372;
	v2 =	vimm.s32 $0x79787776;
	v19 =	vadd.s32 $0x23, v14;
	[tilespmem:$0x1FBE0] =	vst v18  }
0x5: {  	vm0 =	vcmask $0x1F10;
	v1 =	vadd.s32 $0x24, v14;
	v3 =	vunpack.c.0.s8.s32 v34;
	[tilespmem:$0x1FBF0] =	vst v19  }
0x6: {  	v43 =	vimm.s32 $0x7C7B7A79;
	v51 =	vimm.s32 $0x7A797877;
	v4 =	vunpack.c.0.s8.s32 v2;
	[tilespmem:$0x1FC00] =	vst v1  }
0x7: {  	v45 =	vimm.s32 $0x7F7E7D;
	v47 =	vimm.s32 $0x7D7C7B7A;
	v2 =	vunpack.c.0.s8.s32 v51;
	[tilespmem:$0x1FC10] =	vst v3  }
0x8: {  	v49 =	vimm.s32 $0x76757473;
	v16 =	vunpack.c.0.s8.s32 v45;
	v0 =	vunpack.c.0.s8.s32 v33;
	[tilespmem:$0x1FC40] =	vst v4  }
0x9: {  	v59 =	vimm.s32 $0x1007F7E;
	v6 =	vimm.s32 $0x7E7D7C7B;
	v1 =	vunpack.c.0.s8.s32 v35;
	[tilespmem:$0x1FC70] =	vst v2  }
0xa: {  	v7 =	vimm.s32 $0x3020100;
	v17 =	vimm.s32 $0x201007F;
	[tilespmem:$0x1FCD0] =	vst v16;
	v0 =	vsel vm0, v3, v0  }
0xb: {  	v33 =	vimm.s32 $0x7B7A7978;
	v46 =	vsel vm0, v4, v1;
	[tilespmem:$0x1FC20] =	vst v0;
	v0 =	vunpack.c.0.s8.s32 v43  }
0xc: {  	v5 =	vimm.s32 $0x43218765;
	vm1 =	vcmask $0x2F10;
	v34 =	vunpack.c.0.s8.s32 v33;
	[tilespmem:$0x1FC50] =	vst v46  }
0xd: {  	v8 =	vimm.s32 $0xC0B0A09;
	v1 =	vunpack.c.0.s8.s32 v49;
	[tilespmem:$0x1FC30] =	vst v0;
	v0 =	vunpack.c.0.s8.s32 v47  }
0xe: {  	v5 =	vunpack.c.l.s4.s8 v5;
	v8 =	vunpack.c.0.s8.s32 v8;
	v35 =	vimm.s32 $0x4030201;
	[tilespmem:$0x1FCA0] =	vst v34  }
0xf: {  	v43 =	vunpack.c.0.s8.s32 v35;
	v1 =	vsel vm0, v2, v1;
	[tilespmem:$0x1FC60] =	vst v0;
	v0 =	vunpack.c.0.s8.s32 v6  }
0x10: {  	s2 =	rddreg [dreg:$0x0];
	v18 =	vimm.s32 $0x7F7E7D7C;
	v19 =	vimm.s32 $0x77767574;
	v5 =	vunpack.c.0.s8.s32 v5;
	[tilespmem:$0x1FC80] =	vst v1  }
0x11: {  	s0 =	rddreg [dreg:$0x1];
	v46 =	vsel vm0, v43, v16;
	[tilespmem:$0x1FC90] =	vst v0;
	v0 =	vunpack.c.0.s8.s32 v7;
	v7 =	vunpack.c.0.s8.s32 v18  }
0x12: {  	s1 =	rddreg [dreg:$0x2];
	s4 =	simm.s32 $0x0;
	v49 =	vunpack.c.0.s8.s32 v59;
	v59 =	vimm.s32 $0x6050403;
	v5 =	vand.u32 $0xF, v5;
	[tilespmem:$0x1FCB0] =	vst v46  }
0x13: {  	[smem:$0x7FF] =	sst s4;
	v2 =	vunpack.c.0.s8.s32 v19;
	v19 =	vunpack.c.0.s8.s32 v17;
	v1 =	vunpack.c.0.s8.s32 v59;
	[tilespmem:$0x1FCC0] =	vst v7  }
0x14: {  	vm2 =	vcmask $0x3F30;
	s3 =	rddreg [dreg:$0x3];
	v33 =	vsel vm1, v5, v16;
	_ =	strace $0x80000047;
	[tilespmem:$0x1FCE0] =	vst v49  }
0x15: {  	v16 =	vsel vm2, v8, v33;
	v33 =	vsel vm0, v1, v19;
	[tilespmem:$0x1FD00] =	vst v19  }
0x16: {  	v20 =	vadd.s32 $0x3E, v14;
	[tilespmem:$0x1FD10] =	vst v33  }
0x17: {  	v9 =	vimm.s32 $0x6543A987;
	[tilespmem:$0x1FD70] =	vst v20  }
0x18: {  	v9 =	vunpack.c.l.s4.s8 v9;
	v1 =	vadd.s32 $0x34, v14;
	[tilespmem:$0x1FDA0] =	vst v16  }
0x19: {  	v8 =	vadd.s32 $0x3B, v14;
	[tilespmem:$0x1FDE0] =	vst v1  }
0x1a: {  	v43 =	vunpack.c.0.s8.s32 v9;
	v9 =	vadd.s32 $0x3C, v14;
	[tilespmem:$0x1FE50] =	vst v8  }
0x1b: {  	v12 =	vadd.s32 $0x3, v14;
	[tilespmem:$0x1FE60] =	vst v9  }
0x1c: {  	v11 =	vadd.s32 $0x2, v14;
	[tilespmem:$0x1FEA0] =	vst v12  }
0x1d: {  	v22 =	vmul.u32 $0x80, v14;
	v10 =	vadd.s32 $0x1, v14;
	[tilespmem:$0x1FEB0] =	vst v11  }
0x1e: {  	[tilespmem:$0x1FEC0] =	vst v10  }
0x1f: {  	v23 =	vadd.s32 $0x2B, v14;
	[tilespmem:$0x1FED0] =	vst v22  }
0x20: {  	v40 =	vadd.s32 $0x4, v14;
	[tilespmem:$0x1FEF0] =	vst v23  }
0x21: {  	v21 =	vadd.s32 $0x26, v14;
	[tilespmem:$0x1FF20] =	vst v40  }
0x22: {  	v27 =	vadd.s32 $0x25, v14;
	[tilespmem:$0x1FF30] =	vst v21  }
0x23: {  	v55 =	vadd.s32 $0xB, v14;
	v45 =	vimm.s32 $0x32107654;
	[tilespmem:$0x1FF40] =	vst v27  }
0x24: {  	v48 =	vadd.s32 $0x15, v14;
	v50 =	vadd.s32 $0x17, v14;
	v3 =	vunpack.c.l.s4.s8 v45;
	[tilespmem:$0x1FF50] =	vst v55  }
0x25: {  	v62 =	vadd.s32 $0x1C, v14;
	v60 =	vadd.s32 $0x1D, v14;
	v17 =	vimm.s32 $0x98765432;
	[tilespmem:$0x1FF60] =	vst v48  }
0x26: {  	v56 =	vor.u32 $0x20, v14;
	v3 =	vunpack.c.0.s8.s32 v3;
	v4 =	vunpack.c.l.s4.s8 v17;
	[tilespmem:$0x1FF70] =	vst v50  }
0x27: {  	v30 =	vadd.s32 $0x2D, v14;
	v45 =	vimm.s32 $0xE0D0C0B;
	v2 =	vsel vm0, v34, v2;
	[tilespmem:$0x1FF80] =	vst v62  }
0x28: {  	v3 =	vand.u32 $0xF, v3;
	v4 =	vunpack.c.0.s8.s32 v4;
	v18 =	vimm.s32 $0x54329876;
	[tilespmem:$0x1FF90] =	vst v60  }
0x29: {  	v0 =	vsel vm0, v0, v7;
	v3 =	vsel vm1, v3, v7;
	v7 =	vunpack.c.l.s4.s8 v18;
	[tilespmem:$0x1FFA0] =	vst v56  }
0x2a: {  	v47 =	vimm.s32 $0x5040302;
	v51 =	vcombine.low v2, v0;
	v33 =	vadd.s32 $0x2E, v14;
	[tilespmem:$0x1FFC0] =	vst v30  }
0x2b: {  	v34 =	vunpack.c.0.s8.s32 v7;
	v7 =	vunpack.c.0.s8.s32 v45;
	v45 =	vand.u32 $0xF, v4;
	[tilespmem:$0x1FFE0] =	vst v33  }
0x2c: {  	v6 =	vimm.s32 $0x87654321;
	v0 =	vunpack.c.0.s8.s32 v47;
	[tilespmem:$0x1FD40] =	vst v45  }
0x2d: {  	v2 =	vunpack.c.l.s4.s8 v6;
	v6 =	vimm.s32 $0xB0A0908;
	v4 =	vadd.s32 $0x37, v14;
	[tilespmem:$0x1FD80] =	vst v51  }
0x2e: {  	v6 =	vunpack.c.0.s8.s32 v6;
	v0 =	vsel vm0, v0, v49;
	[tilespmem:$0x1FE10] =	vst v4  }
0x2f: {  	v2 =	vunpack.c.0.s8.s32 v2;
	v45 =	vadd.s32 $0x32, v14;
	[tilespmem:$0x1FCF0] =	vst v0  }
0x30: {  	v15 =	vsel vm2, v6, v3;
	[tilespmem:$0x1FE90] =	vst v45  }
0x31: {  	v6 =	vand.u32 $0xF, v43;
	v43 =	vand.u32 $0xF, v2;
	[tilespmem:$0x1FD90] =	vst v15  }
0x32: {  	v2 =	vadd.s32 $0x35, v14;
	[tilespmem:$0x1FD30] =	vst v43  }
0x33: {  	v35 =	vimm.s32 $0xD0C0B0A;
	v47 =	vsel vm1, v6, v19;
	v6 =	vadd.s32 $0x39, v14;
	[tilespmem:$0x1FDF0] =	vst v2  }
0x34: {  	v5 =	vand.u32 $0xF, v34;
	v3 =	vunpack.c.0.s8.s32 v35;
	v19 =	vadd.s32 $0x3D, v14;
	[tilespmem:$0x1FE30] =	vst v6  }
0x35: {  	v46 =	vimm.s32 $0xA9876543;
	v5 =	vsel vm1, v5, v49;
	v49 =	vadd.s32 $0x2C, v14;
	[tilespmem:$0x1FE70] =	vst v19  }
0x36: {  	v17 =	vsel vm2, v3, v5;
	v3 =	vunpack.c.l.s4.s8 v46;
	v46 =	vor.u32 $0x30, v14;
	[tilespmem:$0x1FEE0] =	vst v49  }
0x37: {  	[tilespmem:$0x1FD60] =	vst v46  }
0x38: {  	s5 =	srdreg.scid;
	v18 =	vsel vm2, v7, v47;
	[tilespmem:$0x1FDB0] =	vst v17  }
0x39: {  	s17 =	stileid.u32;
	s20 =	simm.s32 $0x3;
	s21 =	simm.s32 $0x50;
	v7 =	vadd.s32 $0x3A, v14;
	[tilespmem:$0x1FDC0] =	vst v18  }
0x3a: {  	s22 =	simm.s32 $0x200;
	s23 =	simm.s32 $0x5200;
	s28 =	simm.s32 $0x4;
	v58 =	vadd.s32 $0x5, v14;
	v52 =	vadd.s32 $0x6, v14;
	v43 =	vadd.s32 $0x29, v14;
	[tilespmem:$0x1FE40] =	vst v7  }
0x3b: {  	s29 =	simm.s32 $0x0;
	v53 =	vadd.s32 $0x7, v14;
	s5 =	sand.u32 $0x1, s5;
	s9 =	smul.u32 $0x4F000, s17;
	v59 =	vimm.s32 $0x76543210;
	v47 =	vadd.s32 $0x28, v14;
	[tilespmem:$0x1FF00] =	vst v43  }
0x3c: {  	v13 =	vadd.s32 $0x8, v14;
	s6 =	sshll.u32 s17, $0x1;
	s30 =	smul.u32 $0x2780, s17;
	s16 =	sadd.s32 $0x128400, s3;
	v5 =	vunpack.c.l.s4.s8 v59;
	v59 =	vadd.s32 $0x2F, v14;
	[tilespmem:$0x1FF10] =	vst v47  }
0x3d: {  	v44 =	vadd.s32 $0x9, v14;
	v54 =	vadd.s32 $0xA, v14;
	p0 =	seq.s32 s17, $0xF;
	s8 =	ssub.s32 $0x2, s5;
	s5 =	sor.u32 s5, s6;
	v46 =	vadd.s32 $0x31, v14;
	[tilespmem:$0x1FFD0] =	vst v59  }
0x3e: {  	v42 =	vadd.s32 $0xC, v14;
	s6 =	sadd.s32 $0x9E00, s0;
	s16 =	sshrl.u32 @p0 s16, $0x3;
	s10 =	sshrl.u32 s8, $0x1;
	v34 =	vunpack.c.0.s8.s32 v3;
	v3 =	vadd.s32 $0x36, v14;
	[tilespmem:$0x1FE80] =	vst v46  }
0x3f: {  	v41 =	vadd.s32 $0xD, v14;
	s7 =	smul.u32 $0x2710, s5;
	s26 =	sshrl.u32 s9, $0x2;
	s9 =	sadd.s32 s2, s30;
	v35 =	vunpack.c.0.s8.s32 v5;
	v5 =	vadd.s32 $0x38, v14;
	[tilespmem:$0x1FE00] =	vst v3  }
0x40: {  	v24 =	vadd.s32 $0xE, v14;
	v25 =	vadd.s32 $0xF, v14;
	v29 =	vor.u32 $0x10, v14;
	s2 =	sadd.s32 $0x25080, s2;
	s25 =	ssub.s32 s8, s10;
	s8 =	sadd.s32 s26, s3;
	[tilespmem:$0x1FE20] =	vst v5  }
0x41: {  	v26 =	vadd.s32 $0x11, v14;
	v28 =	vadd.s32 $0x12, v14;
	s26 =	simm.s32 $0x2;
	s11 =	sshrl.u32 s7, $0x3;
	s14 =	sadd.s32 $0xA0, s7;
	[tilespmem:$0x1FD20] =	vst v35;
	v0 =	vand.u32 $0xF, v34  }
0x42: {  	v63 =	vadd.s32 $0x13, v14;
	v31 =	vadd.s32 $0x14, v14;
	s15 =	smax.u32 s25, $0x1;
	s18 =	sshrl.u32 @!p0 s8, $0x3;
	s25 =	simm.s32 $0x1;
	v35 =	vadd.s32 $0x2A, v14;
	[tilespmem:$0x1FD50] =	vst v0  }
0x43: {  	v32 =	vadd.s32 $0x16, v14;
	v39 =	vadd.s32 $0x18, v14;
	s31 =	sadd.s32 $0xA, s11;
	s10 =	sadd.s32 s6, s11;
	s11 =	sadd.s32 s0, s11;
	v34 =	vadd.s32 $0x27, v14;
	[tilespmem:$0x1FFB0] =	vst v35  }
0x44: {  	v36 =	vadd.s32 $0x19, v14;
	v37 =	vadd.s32 $0x1A, v14;
	s12 =	sadd.s32 s6, s31;
	[dreg:$0x6] =	wrdreg s2;
	s2 =	sshll.u32 @!p0 s17, $0x6;
	v0 =	vadd.s32 $0x33, v14;
	[tilespmem:$0x1FFF0] =	vst v34  }
0x45: {  	v38 =	vadd.s32 $0x1B, v14;
	v61 =	vadd.s32 $0x1E, v14;
	v57 =	vadd.s32 $0x1F, v14;
	s13 =	sadd.s32 s0, s31;
	[dreg:$0x5] =	wrdreg s9;
	s17 =	sor.u32 @!p0 $0x1C05, s2;
	[tilespmem:$0x1FDD0] =	vst v0  }
.LBB2_1:
0x46: {  	s2 =	simm.s32 @p0 $0x1FC5;
	s5 =	rddreg [dreg:$0x6]  }
0x47: {  	[spmem:s16], [sflag:s2] =	dma.local @p0 [hbm:s5], $0x2080  }
0x48: {  	s2 =	simm.s32 @p0 $0x5  }
0x49: {  	_ =	swait.ge @p0 [sflag:s2], $0x2080  }
0x4a: {  	[sflag:s2] =	ssyncset.done @p0 $0x0  }
0x4b: {  	[sflag:s2] =	ssyncadd.s32 @p0 $0xFFFFDF80;
	s2 =	rddreg [dreg:$0x5]  }
0x4c: {  	[spmem:s18], [sflag:s17] =	dma.local @!p0 [hbm:s2], $0x2780  }
0x4d: {  	s2 =	simm.s32 @!p0 $0x5  }
0x4e: {  	_ =	swait.ge @!p0 [sflag:s2], $0x2780  }
0x4f: {  	[sflag:s2] =	ssyncset.done @!p0 $0x0  }
0x50: {  	[sflag:s2] =	ssyncadd.s32 @!p0 $0xFFFFD880  }
0x51: {  	[tilespmem:s4], [sflag:$0x3] =	stream.linear.gather [hbm4b:s10+s4], $0x50, $0x38;
	[tilespmem:$0x1DB80] =	vst v63  }
0x52: {  	s24 =	simm.s32 $0x100  }
0x53: {  	[tilespmem:s24], [sflag:$0x3] =	stream.linear.gather [hbm4b:s11+s4], $0x50, $0x38;
	[tilespmem:$0x1DB80] =	vst v63  }
0x54: {  	_ =	swait.ge [sflag:s20], $0x50  }
0x55: {  	[sflag:s20] =	ssyncset.done $0x0  }
0x56: {  	[sflag:s20] =	ssyncadd.s32 $0xFFFFFFB0  }
0x57: {  	_ =	swait.ge [sflag:s20], $0x50  }
0x58: {  	[sflag:s20] =	ssyncset.done $0x0  }
0x59: {  	[sflag:s20] =	ssyncadd.s32 $0xFFFFFFB0  }
0x5a: {  	[bflag:$0x0] =	sbarrier.arrive $0xFFFF  }
0x5b: {  	[tilespmem:s22], [sflag:$0x1] =	stream.indirect.gather [spmem:s3], $0x80, s4, s21, $0xb8;
	[tilespmem:$0x1DB80] =	vst v63  }
0x5c: {  	_ = 	snop  }
0x5d: {  	[tilespmem:s23], [sflag:$0x2] =	stream.indirect.gather [spmem:s3], $0x80, s24, s21, $0xb8;
	[tilespmem:$0x1DB80] =	vst v63  }
0x5e: {  	_ = 	snop  }
0x5f: {  	[tilespmem:s21], [sflag:$0x3] =	stream.linear.gather [hbm4b:s12+s4], $0x50, $0x38;
	[tilespmem:$0x1DB80] =	vst v63  }
0x60: {  	s31 =	simm.s32 $0x150;
	p1 =	por $0x0, $0x0;
	s30 =	simm.s32 $0x0  }
0x61: {  	[tilespmem:s31], [sflag:$0x3] =	stream.linear.gather [hbm4b:s13+s4], $0x50, $0x38;
	[tilespmem:$0x1DB80] =	vst v63  }
.LBB2_2:
0x62: {  	p2 =	seq.s32 s30, $0x7C  }
0x63: {  	s2 =	simm.s32 @!p2 $0x3  }
0x64: {  	_ =	swait.ge @!p2 [sflag:s2], $0x50  }
0x65: {  	s5 =	sand.u32 $0x1, s30;
	[sflag:s2] =	ssyncset.done @!p2 $0x0  }
0x66: {  	s8 =	sxor.u32 @!p2 $0x1, s5;
	[sflag:s2] =	ssyncadd.s32 @!p2 $0xFFFFFFB0  }
0x67: {  	s19 =	smul.u32 @!p2 $0x2800, s8;
	_ =	swait.ge @!p2 [sflag:s2], $0x50  }
0x68: {  	s8 =	smul.u32 @!p2 $0x50, s8;
	[sflag:s2] =	ssyncset.done @!p2 $0x0  }
0x69: {  	s24 =	simm.s32 @!p2 $0x50;
	[sflag:s2] =	ssyncadd.s32 @!p2 $0xFFFFFFB0;
	s2 =	sor.u32 @!p2 $0x200, s19  }
0x6a: {  	[tilespmem:s2], [sflag:$0x1] =	stream.indirect.gather @!p2 [spmem:s3], $0x80, s8, s24, $0xb8;
	[tilespmem:$0x1DB80] =	vst v63  }
0x6b: {  	s2 =	sor.u32 @!p2 $0x100, s8;
	s8 =	sadd.s32 @!p2 $0x5200, s19  }
0x6c: {  	[tilespmem:s8], [sflag:$0x2] =	stream.indirect.gather @!p2 [spmem:s3], $0x80, s2, s24, $0xb8;
	[tilespmem:$0x1DB80] =	vst v63  }
0x6d: {  	p2 =	sgt.u32 s30, $0x7A;
	_ =	swait.ge [sflag:s25], $0x2800  }
0x6e: {  	s2 =	smul.u32 @!p2 $0x50, s30;
	[sflag:s25] =	ssyncset.done $0x0  }
0x6f: {  	[sflag:s25] =	ssyncadd.s32 $0xFFFFD800  }
0x70: {  	s2 =	sadd.s32 @!p2 s2, s14;
	_ =	swait.ge [sflag:s26], $0x2800  }
0x71: {  	s31 =	smul.u32 $0x50, s5;
	s2 =	sshrl.u32 @!p2 s2, $0x3;
	[sflag:s26] =	ssyncset.done $0x0  }
0x72: {  	s8 =	simm.s32 @!p2 $0x0;
	s5 =	sadd.s32 @!p2 s6, s2;
	[sflag:s26] =	ssyncadd.s32 $0xFFFFD800  }
0x73: {  	[tilespmem:s31], [sflag:$0x3] =	stream.linear.gather @!p2 [hbm4b:s5+s8], $0x50, $0x38;
	[tilespmem:$0x1DB80] =	vst v63  }
0x74: {  	s2 =	sadd.s32 @!p2 s0, s2;
	s5 =	sor.u32 @!p2 $0x100, s31  }
0x75: {  	[tilespmem:s5], [sflag:$0x3] =	stream.linear.gather @!p2 [hbm4b:s2+s8], $0x50, $0x38;
	[tilespmem:$0x1DB80] =	vst v63  }
0x76: {  	s2 =	simm.s32 $0x1  }
0x77: {  	s2 =	simm.s32 @!p1 $0x0  }
0x78: {  	s8 =	smul.u32 $0x50, s2;
	_ =	sdelay $0x1  }
0x79: {  	v0 =	vmov s8  }
0x7a: {  	v0 =	vshll.u32 v0, $0x7  }
0x7b: {  	v21 =	vor.u32 v22, v0  }
0x7c: {  	p3 =	slt.u32 @!p2 s30, $0x2;
	v0 =	vor.u32 v14, v21  }
0x7d: {  	p2 =	por p2, !p3  }
0x7e: {  	_ =	swait.ge @p2 [sflag:s28], $0x50;
	v2 =	vor.u32 v10, v21  }
0x7f: {  	[sflag:s28] =	ssyncset.done @p2 $0x0;
	v20 =	vld [tilespmem:$0x1FBE0]  }
0x80: {  	[sflag:s28] =	ssyncadd.s32 @p2 $0xFFFFFFB0;
	v22 =	vld [tilespmem:$0x1FBF0];
	v3 =	vor.u32 v11, v21  }
0x81: {  	v4 =	vld.idx.msk [tilespmem:v0+s23+$0x0], $0xffff  }
0x82: {  	v5 =	vor.u32 v12, v21;
	v0 =	vld.idx.msk [tilespmem:v0+s22+$0x0], $0xffff  }
0x83: {  	v6 =	vld.idx.msk [tilespmem:v2+s22+$0x0], $0xffff  }
0x84: {  	v7 =	vor.u32 v40, v21;
	v2 =	vld.idx.msk [tilespmem:v2+s23+$0x0], $0xffff  }
0x85: {  	v43 =	vor.u32 v52, v21;
	v8 =	vld.idx.msk [tilespmem:v3+s22+$0x0], $0xffff  }
0x86: {  	v3 =	vld.idx.msk [tilespmem:v3+s23+$0x0], $0xffff  }
0x87: {  	v19 =	vmov v40;
	v9 =	vor.u32 v58, v21;
	v40 =	vld.idx.msk [tilespmem:v5+s22+$0x0], $0xffff  }
0x88: {  	v5 =	vld.idx.msk [tilespmem:v5+s23+$0x0], $0xffff  }
0x89: {  	v16 =	vmov v58;
	v12 =	vld.idx.msk [tilespmem:v7+s22+$0x0], $0xffff  }
0x8a: {  	v58 =	vld.idx.msk [tilespmem:v43+s22+$0x0], $0xffff;
	v0 =	vmul.f32 v4, v0;
	v2 =	vmul.f32 v2, v6;
	v6 =	vor.u32 v53, v21  }
0x8b: {  	v18 =	vmov v53;
	v4 =	vld.idx.msk [tilespmem:v7+s23+$0x0], $0xffff  }
0x8c: {  	v7 =	vld.idx.msk [tilespmem:v9+s22+$0x0], $0xffff;
	v53 =	vor.u32 v13, v21;
	v0 =	vadd.f32 v2, v0;
	v2 =	vmul.f32 v3, v8  }
0x8d: {  	v3 =	vld.idx.msk [tilespmem:v9+s23+$0x0], $0xffff  }
0x8e: {  	v49 =	vor.u32 v44, v21;
	v0 =	vadd.f32 v2, v0;
	v2 =	vmul.f32 v5, v40;
	v5 =	vld.idx.msk [tilespmem:v43+s23+$0x0], $0xffff  }
0x8f: {  	v17 =	vmov v52;
	v52 =	vld.idx.msk [tilespmem:v6+s22+$0x0], $0xffff  }
0x90: {  	v0 =	vadd.f32 v2, v0;
	v2 =	vmul.f32 v4, v12;
	v4 =	vld.idx.msk [tilespmem:v6+s23+$0x0], $0xffff;
	v6 =	vor.u32 v54, v21  }
0x91: {  	v12 =	vld.idx.msk [tilespmem:v53+s22+$0x0], $0xffff  }
0x92: {  	v0 =	vadd.f32 v2, v0;
	v2 =	vmul.f32 v3, v7;
	v3 =	vld.idx.msk [tilespmem:v53+s23+$0x0], $0xffff;
	v7 =	vor.u32 v55, v21  }
0x93: {  	v43 =	vmov v54;
	v53 =	vld.idx.msk [tilespmem:v49+s22+$0x0], $0xffff  }
0x94: {  	v54 =	vor.u32 v42, v21;
	v0 =	vadd.f32 v2, v0;
	v2 =	vmul.f32 v5, v58;
	v5 =	vld.idx.msk [tilespmem:v49+s23+$0x0], $0xffff  }
0x95: {  	v1 =	vmov v55;
	v55 =	vld.idx.msk [tilespmem:v6+s22+$0x0], $0xffff  }
0x96: {  	v0 =	vadd.f32 v2, v0;
	v2 =	vmul.f32 v4, v52;
	v4 =	vld.idx.msk [tilespmem:v6+s23+$0x0], $0xffff;
	v6 =	vor.u32 v41, v21  }
0x97: {  	v47 =	vmov v25;
	v25 =	vmov v24;
	v58 =	vld.idx.msk [tilespmem:v7+s22+$0x0], $0xffff  }
0x98: {  	v0 =	vadd.f32 v2, v0;
	v2 =	vmul.f32 v3, v12;
	v3 =	vld.idx.msk [tilespmem:v7+s23+$0x0], $0xffff;
	v7 =	vor.u32 v25, v21  }
0x99: {  	v12 =	vld.idx.msk [tilespmem:v54+s22+$0x0], $0xffff  }
0x9a: {  	v40 =	vor.u32 v47, v21;
	v0 =	vadd.f32 v2, v0;
	v2 =	vmul.f32 v5, v53;
	v5 =	vld.idx.msk [tilespmem:v54+s23+$0x0], $0xffff  }
0x9b: {  	v27 =	vmov v29;
	v24 =	vmov v41;
	v41 =	vmov v47;
	v47 =	vld.idx.msk [tilespmem:v6+s22+$0x0], $0xffff  }
0x9c: {  	v0 =	vadd.f32 v2, v0;
	v2 =	vmul.f32 v4, v55;
	v4 =	vld.idx.msk [tilespmem:v6+s23+$0x0], $0xffff;
	v6 =	vor.u32 v27, v21  }
0x9d: {  	v49 =	vld.idx.msk [tilespmem:v7+s22+$0x0], $0xffff  }
0x9e: {  	v0 =	vadd.f32 v2, v0;
	v2 =	vmul.f32 v3, v58;
	v3 =	vld.idx.msk [tilespmem:v7+s23+$0x0], $0xffff;
	v7 =	vor.u32 v26, v21  }
0x9f: {  	v29 =	vmov v28;
	v52 =	vld.idx.msk [tilespmem:v40+s22+$0x0], $0xffff  }
0xa0: {  	v53 =	vor.u32 v29, v21;
	v0 =	vadd.f32 v2, v0;
	v2 =	vmul.f32 v5, v12;
	v5 =	vld.idx.msk [tilespmem:v40+s23+$0x0], $0xffff  }
0xa1: {  	v12 =	vld.idx.msk [tilespmem:v6+s22+$0x0], $0xffff  }
0xa2: {  	v0 =	vadd.f32 v2, v0;
	v2 =	vmul.f32 v4, v47;
	v4 =	vld.idx.msk [tilespmem:v6+s23+$0x0], $0xffff;
	v6 =	vor.u32 v63, v21  }
0xa3: {  	v54 =	vld.idx.msk [tilespmem:v7+s22+$0x0], $0xffff  }
0xa4: {  	v0 =	vadd.f32 v2, v0;
	v2 =	vmul.f32 v3, v49;
	v3 =	vld.idx.msk [tilespmem:v7+s23+$0x0], $0xffff;
	v7 =	vor.u32 v31, v21  }
0xa5: {  	v55 =	vld.idx.msk [tilespmem:v53+s22+$0x0], $0xffff  }
0xa6: {  	v58 =	vor.u32 v48, v21;
	v0 =	vadd.f32 v2, v0;
	v2 =	vmul.f32 v5, v52;
	v5 =	vld.idx.msk [tilespmem:v53+s23+$0x0], $0xffff  }
0xa7: {  	v40 =	vld.idx.msk [tilespmem:v6+s22+$0x0], $0xffff  }
0xa8: {  	v0 =	vadd.f32 v2, v0;
	v2 =	vmul.f32 v4, v12;
	v4 =	vld.idx.msk [tilespmem:v6+s23+$0x0], $0xffff;
	v6 =	vor.u32 v32, v21  }
0xa9: {  	v12 =	vld.idx.msk [tilespmem:v7+s22+$0x0], $0xffff  }
0xaa: {  	v0 =	vadd.f32 v2, v0;
	v2 =	vmul.f32 v3, v54;
	v3 =	vld.idx.msk [tilespmem:v7+s23+$0x0], $0xffff;
	v7 =	vor.u32 v50, v21  }
0xab: {  	v47 =	vld.idx.msk [tilespmem:v58+s22+$0x0], $0xffff  }
0xac: {  	v52 =	vor.u32 v39, v21;
	v0 =	vadd.f32 v2, v0;
	v2 =	vmul.f32 v5, v55;
	v5 =	vld.idx.msk [tilespmem:v58+s23+$0x0], $0xffff  }
0xad: {  	v55 =	vor.u32 v38, v21;
	v53 =	vld.idx.msk [tilespmem:v6+s22+$0x0], $0xffff  }
0xae: {  	v0 =	vadd.f32 v2, v0;
	v2 =	vmul.f32 v4, v40;
	v4 =	vld.idx.msk [tilespmem:v6+s23+$0x0], $0xffff  }
0xaf: {  	v49 =	vmov v39;
	v39 =	vor.u32 v61, v21;
	v54 =	vld.idx.msk [tilespmem:v7+s22+$0x0], $0xffff  }
0xb0: {  	v6 =	vor.u32 v36, v21;
	v0 =	vadd.f32 v2, v0;
	v2 =	vmul.f32 v3, v12;
	v3 =	vld.idx.msk [tilespmem:v7+s23+$0x0], $0xffff  }
0xb1: {  	v12 =	vld.idx.msk [tilespmem:v52+s22+$0x0], $0xffff  }
0xb2: {  	v23 =	vmov v32;
	v7 =	vor.u32 v37, v21;
	v32 =	vld.idx.msk [tilespmem:v55+s22+$0x0], $0xffff  }
0xb3: {  	v0 =	vadd.f32 v2, v0;
	v2 =	vmul.f32 v5, v47;
	v5 =	vld.idx.msk [tilespmem:v52+s23+$0x0], $0xffff  }
0xb4: {  	v52 =	vld.idx.msk [tilespmem:v39+s22+$0x0], $0xffff  }
0xb5: {  	v58 =	vld.idx.msk [tilespmem:v6+s22+$0x0], $0xffff  }
0xb6: {  	v0 =	vadd.f32 v2, v0;
	v2 =	vmul.f32 v4, v53;
	v4 =	vld.idx.msk [tilespmem:v6+s23+$0x0], $0xffff;
	v6 =	vor.u32 v62, v21  }
0xb7: {  	v40 =	vmov v62;
	v62 =	vld.idx.msk [tilespmem:v7+s22+$0x0], $0xffff  }
0xb8: {  	v0 =	vadd.f32 v2, v0;
	v2 =	vmul.f32 v3, v54;
	v3 =	vld.idx.msk [tilespmem:v7+s23+$0x0], $0xffff;
	v7 =	vor.u32 v60, v21  }
0xb9: {  	v53 =	vld [tilespmem:$0x1FBD0]  }
0xba: {  	v0 =	vadd.f32 v2, v0;
	v2 =	vmul.f32 v5, v12;
	v5 =	vld.idx.msk [tilespmem:v55+s23+$0x0], $0xffff  }
0xbb: {  	v12 =	vld.idx.msk [tilespmem:v6+s22+$0x0], $0xffff  }
0xbc: {  	v0 =	vadd.f32 v2, v0;
	v2 =	vmul.f32 v4, v58;
	v4 =	vld.idx.msk [tilespmem:v6+s23+$0x0], $0xffff;
	v6 =	vor.u32 v57, v21  }
0xbd: {  	v47 =	vld.idx.msk [tilespmem:v7+s22+$0x0], $0xffff  }
0xbe: {  	v8 =	vor.u32 v53, v21;
	v0 =	vadd.f32 v2, v0;
	v2 =	vmul.f32 v3, v62;
	v3 =	vld.idx.msk [tilespmem:v7+s23+$0x0], $0xffff  }
0xbf: {  	v58 =	vmov v56;
	v7 =	vor.u32 v56, v21;
	v56 =	vld [tilespmem:$0x1FC00]  }
0xc0: {  	v0 =	vadd.f32 v2, v0;
	v2 =	vmul.f32 v5, v32;
	v5 =	vld.idx.msk [tilespmem:v39+s23+$0x0], $0xffff  }
0xc1: {  	v54 =	vld.idx.msk [tilespmem:v6+s22+$0x0], $0xffff  }
0xc2: {  	v0 =	vadd.f32 v2, v0;
	v2 =	vmul.f32 v4, v12;
	v4 =	vld.idx.msk [tilespmem:v6+s23+$0x0], $0xffff;
	v6 =	vor.u32 v20, v21  }
0xc3: {  	v55 =	vld.idx.msk [tilespmem:v8+s22+$0x0], $0xffff  }
0xc4: {  	v12 =	vld.idx.msk [tilespmem:v7+s22+$0x0], $0xffff;
	v0 =	vadd.f32 v2, v0;
	v2 =	vmul.f32 v3, v47  }
0xc5: {  	v3 =	vld.idx.msk [tilespmem:v7+s23+$0x0], $0xffff;
	v7 =	vor.u32 v22, v21  }
0xc6: {  	v0 =	vadd.f32 v2, v0;
	v2 =	vmul.f32 v5, v52;
	v5 =	vld.idx.msk [tilespmem:v8+s23+$0x0], $0xffff  }
0xc7: {  	v62 =	vld.idx.msk [tilespmem:v6+s22+$0x0], $0xffff  }
0xc8: {  	v0 =	vadd.f32 v2, v0;
	v2 =	vmul.f32 v4, v54;
	v4 =	vld.idx.msk [tilespmem:v6+s23+$0x0], $0xffff  }
0xc9: {  	v6 =	vld [tilespmem:$0x1FF40]  }
0xca: {  	v32 =	vld.idx.msk [tilespmem:v7+s22+$0x0], $0xffff  }
0xcb: {  	v8 =	vor.u32 v56, v21;
	v0 =	vadd.f32 v2, v0;
	v2 =	vmul.f32 v3, v12;
	v3 =	vld.idx.msk [tilespmem:v7+s23+$0x0], $0xffff  }
0xcc: {  	v7 =	vld [tilespmem:$0x1FF30];
	_ =	sdelay $0x1  }
0xcd: {  	v6 =	vor.u32 v6, v21  }
0xce: {  	v52 =	vld [tilespmem:$0x1FF10]  }
0xcf: {  	v12 =	vld.idx.msk [tilespmem:v8+s22+$0x0], $0xffff;
	v0 =	vadd.f32 v2, v0;
	v2 =	vmul.f32 v5, v55  }
0xd0: {  	v5 =	vld.idx.msk [tilespmem:v8+s23+$0x0], $0xffff;
	v7 =	vor.u32 v7, v21  }
0xd1: {  	v0 =	vadd.f32 v2, v0;
	v2 =	vmul.f32 v4, v62;
	v62 =	vld [tilespmem:$0x1FF00]  }
0xd2: {  	v39 =	vor.u32 v34, v21;
	v47 =	vld.idx.msk [tilespmem:v6+s22+$0x0], $0xffff  }
0xd3: {  	v4 =	vld.idx.msk [tilespmem:v6+s23+$0x0], $0xffff;
	v6 =	vor.u32 v52, v21;
	_ =	sdelay $0x1  }
0xd4: {  	v0 =	vadd.f32 v2, v0;
	v2 =	vmul.f32 v3, v32;
	v54 =	vld.idx.msk [tilespmem:v7+s22+$0x0], $0xffff  }
0xd5: {  	v3 =	vld.idx.msk [tilespmem:v7+s23+$0x0], $0xffff;
	v7 =	vor.u32 v62, v21  }
0xd6: {  	v55 =	vld.idx.msk [tilespmem:v39+s22+$0x0], $0xffff;
	v0 =	vadd.f32 v2, v0;
	v2 =	vmul.f32 v5, v12  }
0xd7: {  	v12 =	vld.idx.msk [tilespmem:v6+s22+$0x0], $0xffff  }
0xd8: {  	v0 =	vadd.f32 v2, v0;
	v2 =	vmul.f32 v4, v47;
	v4 =	vld.idx.msk [tilespmem:v6+s23+$0x0], $0xffff  }
0xd9: {  	v6 =	vld [tilespmem:$0x1FEF0]  }
0xda: {  	v32 =	vld.idx.msk [tilespmem:v7+s22+$0x0], $0xffff  }
0xdb: {  	v0 =	vadd.f32 v2, v0;
	v2 =	vmul.f32 v3, v54;
	v3 =	vld.idx.msk [tilespmem:v7+s23+$0x0], $0xffff  }
0xdc: {  	v56 =	vor.u32 v35, v21;
	v7 =	vld [tilespmem:$0x1FEE0]  }
0xdd: {  	v5 =	vld.idx.msk [tilespmem:v39+s23+$0x0], $0xffff  }
0xde: {  	v6 =	vor.u32 v6, v21;
	_ =	sdelay $0x1  }
0xdf: {  	v53 =	vld [tilespmem:$0x1FD60];
	v35 =	vor.u32 v30, v21  }
0xe0: {  	v34 =	vld.idx.msk [tilespmem:v56+s22+$0x0], $0xffff;
	v7 =	vor.u32 v7, v21  }
0xe1: {  	v0 =	vadd.f32 v2, v0;
	v2 =	vmul.f32 v5, v55;
	v5 =	vld.idx.msk [tilespmem:v56+s23+$0x0], $0xffff  }
0xe2: {  	v39 =	vld.idx.msk [tilespmem:v6+s22+$0x0], $0xffff  }
0xe3: {  	v0 =	vadd.f32 v2, v0;
	v2 =	vmul.f32 v4, v12;
	v4 =	vld.idx.msk [tilespmem:v6+s23+$0x0], $0xffff;
	v6 =	vor.u32 v33, v21  }
0xe4: {  	v47 =	vld.idx.msk [tilespmem:v35+s22+$0x0], $0xffff  }
0xe5: {  	v0 =	vadd.f32 v2, v0;
	v2 =	vmul.f32 v3, v32;
	v12 =	vld.idx.msk [tilespmem:v7+s22+$0x0], $0xffff  }
0xe6: {  	v3 =	vld.idx.msk [tilespmem:v7+s23+$0x0], $0xffff  }
0xe7: {  	v0 =	vadd.f32 v2, v0;
	v2 =	vmul.f32 v5, v34;
	v5 =	vld.idx.msk [tilespmem:v35+s23+$0x0], $0xffff  }
0xe8: {  	v54 =	vld.idx.msk [tilespmem:v6+s22+$0x0], $0xffff  }
0xe9: {  	v0 =	vadd.f32 v2, v0;
	v2 =	vmul.f32 v4, v39;
	v4 =	vld.idx.msk [tilespmem:v6+s23+$0x0], $0xffff;
	v6 =	vor.u32 v46, v21;
	_ =	sdelay $0x1  }
0xea: {  	v0 =	vadd.f32 v2, v0;
	v2 =	vmul.f32 v3, v12  }
0xeb: {  	v7 =	vor.u32 v59, v21  }
0xec: {  	v0 =	vadd.f32 v2, v0;
	v2 =	vmul.f32 v5, v47  }
0xed: {  	v8 =	vor.u32 v53, v21;
	v59 =	vld.idx.msk [tilespmem:v6+s22+$0x0], $0xffff  }
0xee: {  	v0 =	vadd.f32 v2, v0;
	v2 =	vmul.f32 v4, v54;
	v4 =	vld.idx.msk [tilespmem:v6+s23+$0x0], $0xffff  }
0xef: {  	v6 =	vld [tilespmem:$0x1FDE0]  }
0xf0: {  	v55 =	vld.idx.msk [tilespmem:v7+s22+$0x0], $0xffff  }
0xf1: {  	v3 =	vld.idx.msk [tilespmem:v7+s23+$0x0], $0xffff;
	v7 =	vor.u32 v45, v21  }
0xf2: {  	v12 =	vld.idx.msk [tilespmem:v8+s22+$0x0], $0xffff  }
0xf3: {  	v5 =	vld.idx.msk [tilespmem:v8+s23+$0x0], $0xffff  }
0xf4: {  	v56 =	vld [tilespmem:$0x1FDD0];
	v6 =	vor.u32 v6, v21;
	_ =	sdelay $0x1  }
0xf5: {  	v32 =	vld.idx.msk [tilespmem:v7+s22+$0x0], $0xffff;
	v0 =	vadd.f32 v2, v0;
	v2 =	vmul.f32 v3, v55  }
0xf6: {  	v3 =	vld.idx.msk [tilespmem:v7+s23+$0x0], $0xffff  }
0xf7: {  	v7 =	vld [tilespmem:$0x1FDF0];
	v0 =	vadd.f32 v2, v0;
	v2 =	vmul.f32 v5, v12  }
0xf8: {  	v8 =	vor.u32 v56, v21;
	v12 =	vld.idx.msk [tilespmem:v6+s22+$0x0], $0xffff  }
0xf9: {  	v0 =	vadd.f32 v2, v0;
	v2 =	vmul.f32 v4, v59;
	v4 =	vld.idx.msk [tilespmem:v6+s23+$0x0], $0xffff  }
0xfa: {  	v6 =	vld [tilespmem:$0x1FE10];
	_ =	sdelay $0x1  }
0xfb: {  	v7 =	vor.u32 v7, v21  }
0xfc: {  	v33 =	vld.idx.msk [tilespmem:v8+s22+$0x0], $0xffff  }
0xfd: {  	v5 =	vld.idx.msk [tilespmem:v8+s23+$0x0], $0xffff  }
0xfe: {  	v34 =	vld [tilespmem:$0x1FE00];
	v6 =	vor.u32 v6, v21;
	_ =	sdelay $0x1  }
0xff: {  	v0 =	vadd.f32 v2, v0;
	v2 =	vmul.f32 v3, v32;
	v35 =	vld.idx.msk [tilespmem:v7+s22+$0x0], $0xffff  }
0x100: {  	v3 =	vld.idx.msk [tilespmem:v7+s23+$0x0], $0xffff  }
0x101: {  	v0 =	vadd.f32 v2, v0;
	v2 =	vmul.f32 v5, v33;
	v7 =	vld [tilespmem:$0x1FE20]  }
0x102: {  	v8 =	vor.u32 v34, v21;
	v46 =	vld.idx.msk [tilespmem:v6+s22+$0x0], $0xffff  }
0x103: {  	v0 =	vadd.f32 v2, v0;
	v2 =	vmul.f32 v4, v12;
	v4 =	vld.idx.msk [tilespmem:v6+s23+$0x0], $0xffff  }
0x104: {  	v6 =	vld [tilespmem:$0x1FE40];
	_ =	sdelay $0x1  }
0x105: {  	v7 =	vor.u32 v7, v21  }
0x106: {  	v39 =	vld.idx.msk [tilespmem:v8+s22+$0x0], $0xffff  }
0x107: {  	v5 =	vld.idx.msk [tilespmem:v8+s23+$0x0], $0xffff  }
0x108: {  	v6 =	vor.u32 v6, v21  }
0x109: {  	v45 =	vld [tilespmem:$0x1FE30]  }
0x10a: {  	v0 =	vadd.f32 v2, v0;
	v2 =	vmul.f32 v3, v35;
	v12 =	vld.idx.msk [tilespmem:v7+s22+$0x0], $0xffff  }
0x10b: {  	v3 =	vld.idx.msk [tilespmem:v7+s23+$0x0], $0xffff  }
0x10c: {  	v0 =	vadd.f32 v2, v0;
	v2 =	vmul.f32 v5, v39;
	v7 =	vld [tilespmem:$0x1FE50]  }
0x10d: {  	v54 =	vld.idx.msk [tilespmem:v6+s22+$0x0], $0xffff  }
0x10e: {  	v8 =	vor.u32 v45, v21;
	v0 =	vadd.f32 v2, v0;
	v2 =	vmul.f32 v4, v46;
	v4 =	vld.idx.msk [tilespmem:v6+s23+$0x0], $0xffff  }
0x10f: {  	v6 =	vld [tilespmem:$0x1FE70]  }
0x110: {  	v53 =	vld [tilespmem:$0x1FE60];
	_ =	sdelay $0x2  }
0x111: {  	v47 =	vld.idx.msk [tilespmem:v8+s22+$0x0], $0xffff;
	v7 =	vor.u32 v7, v21  }
0x112: {  	v55 =	vor.u32 v6, v21;
	v6 =	vld [tilespmem:$0x1FD70]  }
0x113: {  	v5 =	vld.idx.msk [tilespmem:v8+s23+$0x0], $0xffff;
	v8 =	vor.u32 v53, v21;
	_ =	sdelay $0x2  }
0x114: {  	v51 =	vmov v13;
	v0 =	vadd.f32 v2, v0;
	v2 =	vmul.f32 v3, v12;
	v13 =	vld.idx.msk [tilespmem:v7+s22+$0x0], $0xffff  }
0x115: {  	v3 =	vld.idx.msk [tilespmem:v7+s23+$0x0], $0xffff;
	v12 =	vor.u32 v6, v21;
	v6 =	vlaneseq.u32  }
0x116: {  	v14 =	vld.idx.msk [tilespmem:v8+s22+$0x0], $0xffff;
	v0 =	vadd.f32 v2, v0;
	v2 =	vmul.f32 v5, v47;
	v7 =	vadd.s32 $0x3F, v6  }
0x117: {  	v5 =	vld.idx.msk [tilespmem:v8+s23+$0x0], $0xffff;
	v56 =	vor.u32 v7, v21  }
0x118: {  	v0 =	vadd.f32 v2, v0;
	v2 =	vmul.f32 v4, v54;
	v15 =	vld.idx.msk [tilespmem:v55+s22+$0x0], $0xffff;
	[tilespmem:$0x1F810] =	vst v7;
	v7 =	vor.u32 $0x40, v6  }
0x119: {  	v4 =	vld.idx.msk [tilespmem:v55+s23+$0x0], $0xffff;
	v59 =	vor.u32 v7, v21  }
0x11a: {  	v0 =	vadd.f32 v2, v0;
	v2 =	vmul.f32 v3, v13;
	[tilespmem:$0x1F820] =	vst v7;
	v7 =	vadd.s32 $0x41, v6;
	v32 =	vld.idx.msk [tilespmem:v12+s22+$0x0], $0xffff  }
0x11b: {  	v3 =	vld.idx.msk [tilespmem:v12+s23+$0x0], $0xffff;
	v12 =	vor.u32 v7, v21  }
0x11c: {  	v0 =	vadd.f32 v2, v0;
	v2 =	vmul.f32 v5, v14;
	[tilespmem:$0x1F830] =	vst v7;
	v7 =	vadd.s32 $0x42, v6;
	v13 =	vld.idx.msk [tilespmem:v56+s22+$0x0], $0xffff  }
0x11d: {  	v14 =	vor.u32 v7, v21;
	v5 =	vld.idx.msk [tilespmem:v56+s23+$0x0], $0xffff  }
0x11e: {  	v53 =	vmov v16;
	v0 =	vadd.f32 v2, v0;
	[tilespmem:$0x1F840] =	vst v7;
	v7 =	vadd.s32 $0x43, v6;
	v16 =	vld.idx.msk [tilespmem:v59+s22+$0x0], $0xffff  }
0x11f: {  	v2 =	vmul.f32 v4, v15;
	[tilespmem:$0x1F850] =	vst v7;
	v15 =	vor.u32 v7, v21;
	v7 =	vadd.s32 $0x44, v6;
	v4 =	vld.idx.msk [tilespmem:v59+s23+$0x0], $0xffff  }
0x120: {  	v54 =	vmov v17;
	v55 =	vmov v18;
	v18 =	vor.u32 v7, v21;
	v17 =	vld.idx.msk [tilespmem:v12+s22+$0x0], $0xffff  }
0x121: {  	v33 =	vadd.s32 $0x45, v6;
	v0 =	vadd.f32 v2, v0;
	v2 =	vmul.f32 v3, v32;
	v3 =	vld.idx.msk [tilespmem:v12+s23+$0x0], $0xffff  }
0x122: {  	v8 =	vor.u32 v33, v21;
	[tilespmem:$0x1F860] =	vst v7;
	v7 =	vld.idx.msk [tilespmem:v14+s22+$0x0], $0xffff  }
0x123: {  	v6 =	vlaneseq.u32;
	v0 =	vadd.f32 v2, v0;
	v2 =	vmul.f32 v5, v13;
	v5 =	vld.idx.msk [tilespmem:v14+s23+$0x0], $0xffff  }
0x124: {  	v35 =	vadd.s32 $0x46, v6;
	v34 =	vld.idx.msk [tilespmem:v15+s22+$0x0], $0xffff  }
0x125: {  	v39 =	vld.idx.msk [tilespmem:v18+s22+$0x0], $0xffff;
	v0 =	vadd.f32 v2, v0;
	v2 =	vmul.f32 v4, v16;
	v16 =	vor.u32 v35, v21  }
0x126: {  	v45 =	vadd.s32 $0x47, v6;
	v4 =	vld.idx.msk [tilespmem:v15+s23+$0x0], $0xffff  }
0x127: {  	v0 =	vadd.f32 v2, v0;
	v2 =	vmul.f32 v3, v17;
	v3 =	vld.idx.msk [tilespmem:v18+s23+$0x0], $0xffff;
	v17 =	vor.u32 v45, v21  }
0x128: {  	v46 =	vadd.s32 $0x48, v6;
	v56 =	vadd.s32 $0x49, v6;
	v18 =	vld.idx.msk [tilespmem:v8+s22+$0x0], $0xffff  }
0x129: {  	v0 =	vadd.f32 v2, v0;
	v2 =	vmul.f32 v5, v7;
	v5 =	vld.idx.msk [tilespmem:v8+s23+$0x0], $0xffff;
	v7 =	vor.u32 v46, v21  }
0x12a: {  	v47 =	vmov v51;
	v59 =	vor.u32 v56, v21;
	v51 =	vld.idx.msk [tilespmem:v16+s22+$0x0], $0xffff  }
0x12b: {  	v12 =	vadd.s32 $0x4A, v6;
	v0 =	vadd.f32 v2, v0;
	v2 =	vmul.f32 v4, v34;
	v4 =	vld.idx.msk [tilespmem:v16+s23+$0x0], $0xffff  }
0x12c: {  	[tilespmem:$0x1F870] =	vst v33;
	v33 =	vor.u32 v12, v21;
	v32 =	vld.idx.msk [tilespmem:v17+s22+$0x0], $0xffff  }
0x12d: {  	[tilespmem:$0x1F8C0] =	vst v12;
	v13 =	vadd.s32 $0x4B, v6;
	v0 =	vadd.f32 v2, v0;
	v2 =	vmul.f32 v3, v39;
	v3 =	vld.idx.msk [tilespmem:v17+s23+$0x0], $0xffff  }
0x12e: {  	[tilespmem:$0x1F8D0] =	vst v13;
	v13 =	vor.u32 v13, v21;
	v12 =	vld.idx.msk [tilespmem:v7+s22+$0x0], $0xffff  }
0x12f: {  	v0 =	vadd.f32 v2, v0;
	v2 =	vmul.f32 v5, v18;
	v5 =	vld.idx.msk [tilespmem:v7+s23+$0x0], $0xffff;
	v7 =	vadd.s32 $0x4C, v6  }
0x130: {  	v14 =	vld.idx.msk [tilespmem:v59+s22+$0x0], $0xffff;
	v15 =	vor.u32 v7, v21  }
0x131: {  	v16 =	vld.idx.msk [tilespmem:v33+s22+$0x0], $0xffff;
	[tilespmem:$0x1F8E0] =	vst v7;
	v7 =	vadd.s32 $0x4D, v6;
	v0 =	vadd.f32 v2, v0;
	v2 =	vmul.f32 v4, v51  }
0x132: {  	v4 =	vld.idx.msk [tilespmem:v59+s23+$0x0], $0xffff;
	[tilespmem:$0x1F8F0] =	vst v7;
	v7 =	vor.u32 v7, v21  }
0x133: {  	[tilespmem:$0x1F890] =	vst v45;
	v45 =	vadd.s32 $0x4F, v6;
	v17 =	vld.idx.msk [tilespmem:v13+s22+$0x0], $0xffff;
	v0 =	vadd.f32 v2, v0;
	v2 =	vmul.f32 v3, v32  }
0x134: {  	[tilespmem:$0x1F880] =	vst v35;
	v10 =	vor.u32 v45, v21;
	v34 =	vadd.s32 $0x4E, v6;
	v3 =	vld.idx.msk [tilespmem:v33+s23+$0x0], $0xffff  }
0x135: {  	[tilespmem:$0x1F8A0] =	vst v46;
	v0 =	vadd.f32 v2, v0;
	v2 =	vmul.f32 v5, v12;
	v5 =	vld.idx.msk [tilespmem:v13+s23+$0x0], $0xffff;
	v12 =	vor.u32 $0x50, v6  }
0x136: {  	v8 =	vor.u32 v34, v21;
	v35 =	vld.idx.msk [tilespmem:v15+s22+$0x0], $0xffff;
	v13 =	vadd.s32 $0x51, v6;
	[tilespmem:$0x1F920] =	vst v12;
	v12 =	vor.u32 v12, v21  }
0x137: {  	[tilespmem:$0x1F8B0] =	vst v56;
	v46 =	vld.idx.msk [tilespmem:v7+s22+$0x0], $0xffff;
	v0 =	vadd.f32 v2, v0;
	v2 =	vmul.f32 v4, v14;
	v14 =	vadd.s32 $0x52, v6  }
0x138: {  	[tilespmem:$0x1F930] =	vst v13;
	v51 =	vor.u32 v13, v21;
	v4 =	vld.idx.msk [tilespmem:v15+s23+$0x0], $0xffff;
	v56 =	vor.u32 v14, v21  }
0x139: {  	v13 =	vld.idx.msk [tilespmem:v10+s22+$0x0], $0xffff;
	[tilespmem:$0x1F940] =	vst v14;
	v14 =	vadd.s32 $0x53, v6;
	v0 =	vadd.f32 v2, v0;
	v2 =	vmul.f32 v3, v16  }
0x13a: {  	v39 =	vmov v63;
	v3 =	vld.idx.msk [tilespmem:v7+s23+$0x0], $0xffff;
	v63 =	vor.u32 v14, v21  }
0x13b: {  	v7 =	vld.idx.msk [tilespmem:v8+s22+$0x0], $0xffff;
	v0 =	vadd.f32 v2, v0;
	v2 =	vmul.f32 v5, v17  }
0x13c: {  	v5 =	vld.idx.msk [tilespmem:v8+s23+$0x0], $0xffff  }
0x13d: {  	v59 =	vld.idx.msk [tilespmem:v12+s22+$0x0], $0xffff;
	v0 =	vadd.f32 v2, v0;
	v2 =	vmul.f32 v4, v35  }
0x13e: {  	v4 =	vld.idx.msk [tilespmem:v10+s23+$0x0], $0xffff  }
0x13f: {  	[tilespmem:$0x1F910] =	vst v45;
	v45 =	vld.idx.msk [tilespmem:v63+s22+$0x0], $0xffff;
	v0 =	vadd.f32 v2, v0;
	v2 =	vmul.f32 v3, v46  }
0x140: {  	v28 =	vmovc v26;
	v26 =	vmov v41;
	v41 =	vadd.s32 $0x55, v6;
	[tilespmem:$0x1F950] =	vst v14;
	v14 =	vadd.s32 $0x54, v6;
	v3 =	vld.idx.msk [tilespmem:v12+s23+$0x0], $0xffff  }
0x141: {  	v12 =	vld.idx.msk [tilespmem:v51+s22+$0x0], $0xffff;
	v0 =	vadd.f32 v2, v0;
	v2 =	vmul.f32 v5, v7;
	v7 =	vor.u32 v14, v21  }
0x142: {  	[tilespmem:$0x1F970] =	vst v41;
	v8 =	vor.u32 v41, v21;
	v5 =	vld.idx.msk [tilespmem:v51+s23+$0x0], $0xffff;
	v51 =	vadd.s32 $0x5A, v6  }
0x143: {  	[tilespmem:$0x1F960] =	vst v14;
	v14 =	vld.idx.msk [tilespmem:v56+s22+$0x0], $0xffff;
	v0 =	vadd.f32 v2, v0;
	v2 =	vmul.f32 v4, v13;
	v13 =	vadd.s32 $0x56, v6  }
0x144: {  	[tilespmem:$0x1F9C0] =	vst v51;
	v4 =	vld.idx.msk [tilespmem:v56+s23+$0x0], $0xffff;
	v46 =	vor.u32 v13, v21  }
0x145: {  	[tilespmem:$0x1F980] =	vst v13;
	v13 =	vadd.s32 $0x57, v6;
	v0 =	vadd.f32 v2, v0;
	v2 =	vmul.f32 v3, v59;
	v3 =	vld.idx.msk [tilespmem:v63+s23+$0x0], $0xffff  }
0x146: {  	v32 =	vmov v48;
	[tilespmem:$0x1F990] =	vst v13;
	v59 =	vor.u32 v51, v21;
	v51 =	vadd.s32 $0x5E, v6;
	v48 =	vld.idx.msk [tilespmem:v7+s22+$0x0], $0xffff  }
0x147: {  	v9 =	vor.u32 v51, v21;
	v0 =	vadd.f32 v2, v0;
	v2 =	vmul.f32 v5, v12;
	v5 =	vld.idx.msk [tilespmem:v7+s23+$0x0], $0xffff  }
0x148: {  	[tilespmem:$0x1FA00] =	vst v51;
	v51 =	vadd.s32 $0x61, v6;
	v7 =	vor.u32 v13, v21;
	v12 =	vld.idx.msk [tilespmem:v8+s22+$0x0], $0xffff;
	v13 =	vadd.s32 $0x58, v6  }
0x149: {  	v41 =	vor.u32 v51, v21;
	v0 =	vadd.f32 v2, v0;
	v2 =	vmul.f32 v4, v14;
	v4 =	vld.idx.msk [tilespmem:v8+s23+$0x0], $0xffff  }
0x14a: {  	v35 =	vmov v49;
	[tilespmem:$0x1F9A0] =	vst v13;
	v49 =	vor.u32 v13, v21;
	v13 =	vld.idx.msk [tilespmem:v46+s22+$0x0], $0xffff  }
0x14b: {  	v0 =	vadd.f32 v2, v0;
	v2 =	vmul.f32 v3, v45;
	v3 =	vld.idx.msk [tilespmem:v46+s23+$0x0], $0xffff  }
0x14c: {  	[tilespmem:$0x1F900] =	vst v34;
	v14 =	vadd.s32 $0x59, v6;
	v46 =	vld.idx.msk [tilespmem:v59+s22+$0x0], $0xffff  }
0x14d: {  	v34 =	vmovc v50;
	v17 =	vmov v40;
	v40 =	vmov v60;
	[tilespmem:$0x1F9B0] =	vst v14;
	v50 =	vor.u32 v14, v21;
	v14 =	vld.idx.msk [tilespmem:v7+s22+$0x0], $0xffff  }
0x14e: {  	v60 =	vadd.s32 $0x5B, v6;
	[tilespmem:$0x1FA30] =	vst v51;
	v51 =	vld.idx.msk [tilespmem:v41+s22+$0x0], $0xffff;
	v0 =	vadd.f32 v2, v0;
	v2 =	vmul.f32 v5, v48  }
0x14f: {  	v56 =	vmov v61;
	v61 =	vor.u32 v60, v21;
	v5 =	vld.idx.msk [tilespmem:v7+s23+$0x0], $0xffff  }
0x150: {  	v7 =	vld.idx.msk [tilespmem:v49+s22+$0x0], $0xffff;
	v0 =	vadd.f32 v2, v0;
	v2 =	vmul.f32 v4, v12  }
0x151: {  	v45 =	vadd.s32 $0x5C, v6;
	v48 =	vadd.s32 $0x5D, v6;
	v4 =	vld.idx.msk [tilespmem:v49+s23+$0x0], $0xffff  }
0x152: {  	v63 =	vld.idx.msk [tilespmem:v50+s22+$0x0], $0xffff;
	v12 =	vor.u32 v45, v21;
	v0 =	vadd.f32 v2, v0;
	v2 =	vmul.f32 v3, v13  }
0x153: {  	v3 =	vld.idx.msk [tilespmem:v50+s23+$0x0], $0xffff;
	v13 =	vor.u32 v48, v21  }
0x154: {  	v49 =	vld.idx.msk [tilespmem:v61+s22+$0x0], $0xffff;
	v50 =	vor.u32 $0x60, v6;
	v0 =	vadd.f32 v2, v0;
	v2 =	vmul.f32 v5, v14  }
0x155: {  	v11 =	vor.u32 v50, v21;
	v5 =	vld.idx.msk [tilespmem:v59+s23+$0x0], $0xffff  }
0x156: {  	v0 =	vadd.f32 v2, v0;
	v2 =	vmul.f32 v4, v7;
	v4 =	vld.idx.msk [tilespmem:v61+s23+$0x0], $0xffff  }
0x157: {  	v16 =	vmov v20;
	v7 =	vld.idx.msk [tilespmem:v12+s22+$0x0], $0xffff  }
0x158: {  	v20 =	vmovc v58;
	v58 =	vadd.s32 $0x5F, v6;
	v59 =	vld.idx.msk [tilespmem:v13+s22+$0x0], $0xffff;
	v0 =	vadd.f32 v2, v0;
	v2 =	vmul.f32 v3, v63  }
0x159: {  	[tilespmem:$0x1FA10] =	vst v58;
	v3 =	vld.idx.msk [tilespmem:v12+s23+$0x0], $0xffff;
	v12 =	vor.u32 v58, v21  }
0x15a: {  	[tilespmem:$0x1F9F0] =	vst v48;
	v61 =	vadd.s32 $0x65, v6;
	v48 =	vld.idx.msk [tilespmem:v11+s22+$0x0], $0xffff;
	v0 =	vadd.f32 v2, v0;
	v2 =	vmul.f32 v5, v46  }
0x15b: {  	v33 =	vmov v23;
	v23 =	vmov v62;
	[tilespmem:$0x1FA20] =	vst v50;
	v62 =	vor.u32 v61, v21;
	v5 =	vld.idx.msk [tilespmem:v13+s23+$0x0], $0xffff  }
0x15c: {  	[tilespmem:$0x1FA70] =	vst v61;
	v61 =	vadd.s32 $0x68, v6;
	v13 =	vld.idx.msk [tilespmem:v9+s22+$0x0], $0xffff;
	v0 =	vadd.f32 v2, v0;
	v2 =	vmul.f32 v4, v49  }
0x15d: {  	[tilespmem:$0x1FAA0] =	vst v61;
	v4 =	vld.idx.msk [tilespmem:v9+s23+$0x0], $0xffff;
	v49 =	vadd.s32 $0x63, v6;
	v9 =	vor.u32 v61, v21;
	v61 =	vadd.s32 $0x6C, v6  }
0x15e: {  	v58 =	vld.idx.msk [tilespmem:v12+s22+$0x0], $0xffff;
	v50 =	vor.u32 v49, v21;
	v0 =	vadd.f32 v2, v0;
	v2 =	vmul.f32 v3, v7  }
0x15f: {  	[tilespmem:$0x1F9E0] =	vst v45;
	v46 =	vadd.s32 $0x62, v6;
	v45 =	vor.u32 v61, v21;
	v3 =	vld.idx.msk [tilespmem:v12+s23+$0x0], $0xffff  }
0x160: {  	v7 =	vor.u32 v46, v21;
	v0 =	vadd.f32 v2, v0;
	v2 =	vmul.f32 v5, v59;
	v5 =	vld.idx.msk [tilespmem:v11+s23+$0x0], $0xffff  }
0x161: {  	v11 =	vld.idx.msk [tilespmem:v62+s22+$0x0], $0xffff  }
0x162: {  	v59 =	vadd.s32 $0x64, v6;
	v0 =	vadd.f32 v2, v0;
	v2 =	vmul.f32 v4, v13;
	v4 =	vld.idx.msk [tilespmem:v41+s23+$0x0], $0xffff  }
0x163: {  	[tilespmem:$0x1F9D0] =	vst v60;
	v63 =	vmov v52;
	v60 =	vor.u32 v59, v21;
	v52 =	vld.idx.msk [tilespmem:v50+s22+$0x0], $0xffff  }
0x164: {  	v18 =	vld.idx.msk [tilespmem:v45+s22+$0x0], $0xffff  }
0x165: {  	v12 =	vld.idx.msk [tilespmem:v7+s22+$0x0], $0xffff;
	v0 =	vadd.f32 v2, v0;
	v2 =	vmul.f32 v3, v58  }
0x166: {  	[tilespmem:$0x1FA60] =	vst v59;
	v3 =	vld.idx.msk [tilespmem:v7+s23+$0x0], $0xffff;
	v7 =	vadd.s32 $0x66, v6  }
0x167: {  	v58 =	vor.u32 v7, v21;
	v0 =	vadd.f32 v2, v0;
	v2 =	vmul.f32 v5, v48;
	v5 =	vld.idx.msk [tilespmem:v50+s23+$0x0], $0xffff  }
0x168: {  	v59 =	vadd.s32 $0x67, v6;
	[tilespmem:$0x1FA80] =	vst v7;
	v7 =	vld.idx.msk [tilespmem:v60+s22+$0x0], $0xffff  }
0x169: {  	v0 =	vadd.f32 v2, v0;
	v2 =	vmul.f32 v4, v51;
	v4 =	vld.idx.msk [tilespmem:v60+s23+$0x0], $0xffff;
	v60 =	vor.u32 v59, v21  }
0x16a: {  	v45 =	vld.idx.msk [tilespmem:v45+s23+$0x0], $0xffff  }
0x16b: {  	v0 =	vadd.f32 v2, v0;
	v2 =	vmul.f32 v3, v12;
	v3 =	vld.idx.msk [tilespmem:v62+s23+$0x0], $0xffff  }
0x16c: {  	[tilespmem:$0x1FA90] =	vst v59;
	v62 =	vld.idx.msk [tilespmem:v58+s22+$0x0], $0xffff;
	v12 =	vadd.s32 $0x69, v6  }
0x16d: {  	v0 =	vadd.f32 v2, v0;
	v2 =	vmul.f32 v5, v52;
	v5 =	vld.idx.msk [tilespmem:v58+s23+$0x0], $0xffff;
	v58 =	vor.u32 v12, v21  }
0x16e: {  	v59 =	vadd.s32 $0x6A, v6;
	[tilespmem:$0x1FAB0] =	vst v12;
	v12 =	vld.idx.msk [tilespmem:v60+s22+$0x0], $0xffff  }
0x16f: {  	v0 =	vadd.f32 v2, v0;
	v2 =	vmul.f32 v4, v7;
	v4 =	vld.idx.msk [tilespmem:v60+s23+$0x0], $0xffff;
	v60 =	vor.u32 v59, v21  }
0x170: {  	v51 =	vld.idx.msk [tilespmem:v9+s22+$0x0], $0xffff;
	v7 =	vadd.s32 $0x6B, v6  }
0x171: {  	v8 =	vor.u32 v7, v21;
	v0 =	vadd.f32 v2, v0;
	v2 =	vmul.f32 v3, v11;
	v3 =	vld.idx.msk [tilespmem:v9+s23+$0x0], $0xffff  }
0x172: {  	[tilespmem:$0x1FAD0] =	vst v7;
	v7 =	vld.idx.msk [tilespmem:v58+s22+$0x0], $0xffff  }
0x173: {  	v0 =	vadd.f32 v2, v0;
	v2 =	vmul.f32 v5, v62;
	v5 =	vld.idx.msk [tilespmem:v58+s23+$0x0], $0xffff  }
0x174: {  	v62 =	vadd.s32 $0x6D, v6;
	v9 =	vld.idx.msk [tilespmem:v60+s22+$0x0], $0xffff  }
0x175: {  	v52 =	vor.u32 v62, v21;
	v0 =	vadd.f32 v2, v0;
	v2 =	vmul.f32 v4, v12;
	v4 =	vld.idx.msk [tilespmem:v60+s23+$0x0], $0xffff  }
0x176: {  	v11 =	vld.idx.msk [tilespmem:v8+s22+$0x0], $0xffff  }
0x177: {  	v0 =	vadd.f32 v2, v0;
	v2 =	vmul.f32 v3, v51;
	v3 =	vld.idx.msk [tilespmem:v8+s23+$0x0], $0xffff  }
0x178: {  	[tilespmem:$0x1FAF0] =	vst v62;
	v62 =	vadd.s32 $0x6E, v6;
	v8 =	vld [tilespmem:$0x1FC30]  }
0x179: {  	v10 =	vor.u32 v62, v21;
	v0 =	vadd.f32 v2, v0;
	v2 =	vmul.f32 v5, v7;
	v5 =	vld [tilespmem:$0x1FCD0]  }
0x17a: {  	v13 =	vld.idx.msk [tilespmem:v52+s23+$0x0], $0xffff  }
0x17b: {  	v0 =	vadd.f32 v2, v0;
	v2 =	vmul.f32 v4, v9;
	v4 =	vld [tilespmem:$0x1FC20]  }
0x17c: {  	v9 =	vld [tilespmem:$0x1FC60]  }
0x17d: {  	v7 =	vor.u32 $0x70, v6;
	v2 =	vadd.f32 v2, v0;
	v0 =	vld [tilespmem:$0x1FCE0]  }
0x17e: {  	[tilespmem:$0x1FB20] =	vst v7;
	v41 =	vor.u32 v7, v21;
	v7 =	vld.idx.msk [tilespmem:v10+s22+$0x0], $0xffff  }
0x17f: {  	v3 =	vmul.f32 v3, v11;
	v11 =	vld.idx.msk [tilespmem:v10+s23+$0x0], $0xffff  }
0x180: {  	v30 =	vmov v1;
	v1 =	vsel vm0, v5, v8;
	v5 =	vld.idx.msk [tilespmem:v52+s22+$0x0], $0xffff  }
0x181: {  	v10 =	vld [tilespmem:$0x1FC90];
	v4 =	vcombine.low v4, v1  }
0x182: {  	[tilespmem:$0x1FB90] =	vst v1;
	v52 =	vsel vm0, v0, v9;
	v0 =	vld [tilespmem:$0x1FC50]  }
0x183: {  	[tilespmem:$0x1FB30] =	vst v4;
	v1 =	vor.u32 v4, v21;
	v4 =	vadd.f32 v3, v2;
	v3 =	vmul.f32 v45, v18;
	v2 =	vld [tilespmem:$0x1FD00];
	_ =	sdelay $0x1  }
0x184: {  	v3 =	vadd.f32 v3, v4;
	v4 =	vmul.f32 v13, v5;
	_ =	sdelay $0x1  }
0x185: {  	v3 =	vadd.f32 v4, v3;
	v4 =	vmul.f32 v11, v7;
	v7 =	vld [tilespmem:$0x1FC10]  }
0x186: {  	v12 =	vadd.s32 $0x6F, v6;
	v14 =	vcombine.low v0, v52;
	v0 =	vsel vm0, v2, v10;
	v2 =	vld [tilespmem:$0x1FC80]  }
0x187: {  	[tilespmem:$0x1FB10] =	vst v12;
	v12 =	vor.u32 v12, v21;
	_ =	sdelay $0x2  }
0x188: {  	v8 =	vsel vm0, v8, v7;
	v7 =	vld [tilespmem:$0x1FCB0]  }
0x189: {  	[tilespmem:$0x1FBC0] =	vst v0;
	v18 =	vcombine.low v2, v0;
	v0 =	vld [tilespmem:$0x1FD80]  }
0x18a: {  	v45 =	vld.idx.msk [tilespmem:v12+s22+$0x0], $0xffff  }
0x18b: {  	v12 =	vld.idx.msk [tilespmem:v12+s23+$0x0], $0xffff  }
0x18c: {  	v13 =	vld.idx.msk [tilespmem:v41+s22+$0x0], $0xffff;
	v2 =	vor.u32 v14, v21  }
0x18d: {  	v41 =	vld.idx.msk [tilespmem:v41+s23+$0x0], $0xffff  }
0x18e: {  	v7 =	vcombine.low v8, v7;
	v8 =	vor.u32 v0, v21;
	v0 =	vadd.f32 v4, v3;
	v3 =	vld [tilespmem:$0x1FC40]  }
0x18f: {  	v11 =	vld.idx.msk [tilespmem:v1+s22+$0x0], $0xffff  }
0x190: {  	[tilespmem:$0x1FB40] =	vst v14;
	v14 =	vld.idx.msk [tilespmem:v1+s23+$0x0], $0xffff;
	v5 =	vor.u32 v18, v21  }
0x191: {  	v1 =	vld.idx.msk [tilespmem:v2+s22+$0x0], $0xffff  }
0x192: {  	v4 =	vmul.f32 v12, v45;
	v45 =	vld.idx.msk [tilespmem:v2+s23+$0x0], $0xffff  }
0x193: {  	v9 =	vsel vm0, v9, v3;
	v3 =	vld [tilespmem:$0x1FCF0]  }
0x194: {  	v2 =	vadd.f32 v4, v0;
	v0 =	vld [tilespmem:$0x1FC70]  }
0x195: {  	v4 =	vmul.f32 v41, v13;
	v12 =	vld.idx.msk [tilespmem:v5+s22+$0x0], $0xffff  }
0x196: {  	v13 =	vld.idx.msk [tilespmem:v5+s23+$0x0], $0xffff  }
0x197: {  	v5 =	vadd.f32 v4, v2;
	v2 =	vld [tilespmem:$0x1FCC0]  }
0x198: {  	[tilespmem:$0x1FB60] =	vst v7;
	v9 =	vcombine.low v9, v3;
	v3 =	vor.u32 v7, v21;
	v7 =	vld [tilespmem:$0x1FCA0];
	_ =	sdelay $0x3  }
0x199: {  	v4 =	vmul.f32 v14, v11;
	v10 =	vsel vm0, v10, v0;
	v0 =	vld [tilespmem:$0x1FD10]  }
0x19a: {  	v41 =	vsel vm0, v2, v7;
	v2 =	vld [tilespmem:$0x1FD20]  }
0x19b: {  	v7 =	vadd.f32 v4, v5;
	v4 =	vld [tilespmem:$0x1FD30]  }
0x19c: {  	v5 =	vmul.f32 v45, v1;
	v1 =	vld [tilespmem:$0x1FB90];
	_ =	sdelay $0x3  }
0x19d: {  	v11 =	vld.idx.msk [tilespmem:v8+s22+$0x0], $0xffff;
	v10 =	vcombine.low v10, v0;
	v0 =	vor.u32 v9, v21  }
0x19e: {  	[tilespmem:$0x1FB70] =	vst v9;
	v9 =	vcombine.low v41, v2;
	v41 =	vcombine.low v1, v4;
	v4 =	vld [tilespmem:$0x1FD40]  }
0x19f: {  	v14 =	vld.idx.msk [tilespmem:v8+s23+$0x0], $0xffff  }
0x1a0: {  	[tilespmem:$0x1FB50] =	vst v18;
	v18 =	vld.idx.msk [tilespmem:v3+s23+$0x0], $0xffff;
	v2 =	vor.u32 v10, v21  }
0x1a1: {  	[tilespmem:$0x1FB80] =	vst v10;
	v10 =	vld.idx.msk [tilespmem:v3+s22+$0x0], $0xffff  }
0x1a2: {  	v1 =	vadd.f32 v5, v7;
	v5 =	vmul.f32 v13, v12;
	v12 =	vld.idx.msk [tilespmem:v0+s23+$0x0], $0xffff;
	[tilespmem:$0x1FBA0] =	vst v9  }
0x1a3: {  	v3 =	vor.u32 v9, v21;
	v9 =	vld.idx.msk [tilespmem:v0+s22+$0x0], $0xffff;
	v7 =	vcombine.low v52, v4;
	v4 =	vor.u32 v41, v21  }
0x1a4: {  	v13 =	vadd.f32 v5, v1;
	v5 =	vmul.f32 v14, v11;
	v0 =	vld [tilespmem:$0x1FD50]  }
0x1a5: {  	v8 =	vld.idx.msk [tilespmem:v2+s22+$0x0], $0xffff  }
0x1a6: {  	v13 =	vadd.f32 v5, v13;
	v45 =	vld.idx.msk [tilespmem:v2+s23+$0x0], $0xffff;
	v5 =	vmul.f32 v18, v10;
	v2 =	vor.u32 v7, v21  }
0x1a7: {  	v1 =	vld [tilespmem:$0x1FBC0]  }
0x1a8: {  	v13 =	vadd.f32 v5, v13;
	v5 =	vmul.f32 v12, v9;
	v9 =	vld.idx.msk [tilespmem:v4+s22+$0x0], $0xffff  }
0x1a9: {  	v12 =	vld.idx.msk [tilespmem:v4+s23+$0x0], $0xffff  }
0x1aa: {  	v4 =	vld [tilespmem:$0x1FD90]  }
0x1ab: {  	v14 =	vmul.f32 v45, v8;
	v8 =	vld.idx.msk [tilespmem:v2+s22+$0x0], $0xffff  }
0x1ac: {  	v11 =	vld.idx.msk [tilespmem:v2+s23+$0x0], $0xffff  }
0x1ad: {  	v2 =	vld [tilespmem:$0x1FDA0]  }
0x1ae: {  	v0 =	vcombine.low v1, v0;
	v1 =	vmov v7;
	v7 =	vld.idx.msk [tilespmem:v3+s22+$0x0], $0xffff  }
0x1af: {  	[tilespmem:$0x1FBB0] =	vst v41;
	v41 =	vld.idx.msk [tilespmem:v3+s23+$0x0], $0xffff  }
0x1b0: {  	v3 =	vor.u32 v0, v21  }
0x1b1: {  	v13 =	vadd.f32 v5, v13  }
0x1b2: {  	v52 =	vmovc v0;
	v0 =	vmovc v4;
	v4 =	vor.u32 v4, v21;
	v45 =	vmov v2;
	v5 =	vor.u32 v2, v21;
	v2 =	vld [tilespmem:$0x1FDB0];
	_ =	sdelay $0x1  }
0x1b3: {  	v15 =	vmov v22;
	v22 =	vld [tilespmem:$0x1FBD0];
	v14 =	vadd.f32 v14, v13;
	v7 =	vmul.f32 v41, v7  }
0x1b4: {  	v10 =	vld.idx.msk [tilespmem:v3+s22+$0x0], $0xffff  }
0x1b5: {  	v13 =	vld.idx.msk [tilespmem:v3+s23+$0x0], $0xffff;
	v7 =	vadd.f32 v7, v14  }
0x1b6: {  	v3 =	vmul.f32 v12, v9;
	v9 =	vld.idx.msk [tilespmem:v4+s22+$0x0], $0xffff;
	v41 =	vmov v2;
	v2 =	vor.u32 v2, v21  }
0x1b7: {  	v12 =	vld.idx.msk [tilespmem:v4+s23+$0x0], $0xffff  }
0x1b8: {  	v4 =	vadd.f32 v3, v7;
	v7 =	vld [tilespmem:$0x1FDC0]  }
0x1b9: {  	v3 =	vmul.f32 v11, v8;
	v11 =	vld.idx.msk [tilespmem:v5+s22+$0x0], $0xffff  }
0x1ba: {  	v5 =	vld.idx.msk [tilespmem:v5+s23+$0x0], $0xffff  }
0x1bb: {  	v3 =	vadd.f32 v3, v4;
	v4 =	vmul.f32 v13, v10;
	v10 =	vld.idx.msk [tilespmem:v2+s22+$0x0], $0xffff  }
0x1bc: {  	[tilespmem:$0x1FA50] =	vst v49;
	v2 =	vld.idx.msk [tilespmem:v2+s23+$0x0], $0xffff  }
0x1bd: {  	v49 =	vld [tilespmem:$0x1FF30];
	v3 =	vadd.f32 v4, v3;
	v18 =	vmovc v7;
	v7 =	vor.u32 v7, v21;
	v4 =	vmul.f32 v12, v9  }
0x1be: {  	[tilespmem:$0x1FAE0] =	vst v61;
	v61 =	vld [tilespmem:$0x1FFC0]  }
0x1bf: {  	[tilespmem:$0x1FA40] =	vst v46;
	v46 =	vld [tilespmem:$0x1FC00];
	v3 =	vadd.f32 v4, v3;
	v4 =	vmul.f32 v5, v11  }
0x1c0: {  	v48 =	vld [tilespmem:$0x1FF40]  }
0x1c1: {  	s24 =	sadd.s32 $0x10, s8;
	v50 =	vld [tilespmem:$0x1FFF0];
	v3 =	vadd.f32 v4, v3;
	v2 =	vmul.f32 v2, v10  }
0x1c2: {  	v4 =	vmov s24;
	v8 =	vld.idx.msk [tilespmem:v7+s22+$0x0], $0xffff  }
0x1c3: {  	v5 =	vshll.u32 v4, $0x7;
	v4 =	vadd.f32 v2, v3;
	v2 =	vld [tilespmem:$0x1FED0]  }
0x1c4: {  	v7 =	vld.idx.msk [tilespmem:v7+s23+$0x0], $0xffff  }
0x1c5: {  	s2 =	smul.u32 $0x140, s2;
	[tilespmem:$0x1FAC0] =	vst v59;
	v59 =	vld [tilespmem:$0x1FEF0]  }
0x1c6: {  	v58 =	vld [tilespmem:$0x1FFB0]  }
0x1c7: {  	s2 =	sshrl.u32 s2, $0x2;
	v60 =	vld [tilespmem:$0x1FEE0]  }
0x1c8: {  	s19 =	simm.s32 $0x0;
	s9 =	sor.u32 $0xA200, s2;
	[tilespmem:$0x1FB00] =	vst v62;
	v62 =	vld [tilespmem:$0x1FFE0];
	v2 =	vor.u32 v2, v5  }
0x1c9: {  	s5 =	simm.s32 $0x40;
	s8 =	simm.s32 $0x80;
	s2 =	sadd.s32 $0x1, s30;
	v51 =	vld [tilespmem:$0x1FFD0];
	v21 =	vmov s9;
	v5 =	vmul.f32 v7, v8;
	v3 =	vor.u32 v6, v2  }
.LBB2_3:
0x1ca: {  	v6 =	vld [tilespmem:$0x1FEC0];
	_ =	sdelay $0x1  }
0x1cb: {  	v4 =	vadd.f32 v5, v4;
	v5 =	vld [tilespmem:$0x1FEB0];
	_ =	sdelay $0x1  }
0x1cc: {  	v7 =	vld [tilespmem:$0x1FEA0];
	v9 =	vor.u32 v19, v2  }
0x1cd: {  	s9 =	sshra.s32 s19, $0x2;
	v6 =	vor.u32 v6, v2  }
0x1ce: {  	[tilespmem:v21+s9+$0x0 ss:$0x1] =	vst.idx.msk $0xffff, v4  }
0x1cf: {  	v4 =	vld.idx.msk [tilespmem:v3+s23+$0x0], $0xffff;
	v5 =	vor.u32 v5, v2  }
0x1d0: {  	v3 =	vld.idx.msk [tilespmem:v3+s22+$0x0], $0xffff  }
0x1d1: {  	v7 =	vor.u32 v7, v2;
	v14 =	vld.idx.msk [tilespmem:v9+s22+$0x0], $0xffff  }
0x1d2: {  	v8 =	vld.idx.msk [tilespmem:v6+s22+$0x0], $0xffff  }
0x1d3: {  	v6 =	vld.idx.msk [tilespmem:v6+s23+$0x0], $0xffff  }
0x1d4: {  	v11 =	vor.u32 v53, v2;
	v10 =	vld.idx.msk [tilespmem:v5+s22+$0x0], $0xffff  }
0x1d5: {  	v5 =	vld.idx.msk [tilespmem:v5+s23+$0x0], $0xffff  }
0x1d6: {  	v13 =	vor.u32 v54, v2;
	v12 =	vld.idx.msk [tilespmem:v7+s22+$0x0], $0xffff  }
0x1d7: {  	v7 =	vld.idx.msk [tilespmem:v7+s23+$0x0], $0xffff  }
0x1d8: {  	v3 =	vmul.f32 v4, v3;
	v4 =	vmul.f32 v6, v8;
	v6 =	vld.idx.msk [tilespmem:v9+s23+$0x0], $0xffff;
	v8 =	vor.u32 v55, v2  }
0x1d9: {  	v9 =	vld.idx.msk [tilespmem:v11+s22+$0x0], $0xffff  }
0x1da: {  	v3 =	vadd.f32 v4, v3;
	v4 =	vmul.f32 v5, v10;
	v5 =	vld.idx.msk [tilespmem:v11+s23+$0x0], $0xffff;
	v10 =	vor.u32 v47, v2  }
0x1db: {  	v11 =	vld.idx.msk [tilespmem:v13+s22+$0x0], $0xffff  }
0x1dc: {  	v3 =	vadd.f32 v4, v3;
	v4 =	vmul.f32 v7, v12;
	v7 =	vld.idx.msk [tilespmem:v13+s23+$0x0], $0xffff;
	v12 =	vor.u32 v44, v2  }
0x1dd: {  	v13 =	vld.idx.msk [tilespmem:v8+s22+$0x0], $0xffff  }
0x1de: {  	v3 =	vadd.f32 v4, v3;
	v4 =	vmul.f32 v6, v14;
	v6 =	vld.idx.msk [tilespmem:v8+s23+$0x0], $0xffff;
	v8 =	vor.u32 v43, v2  }
0x1df: {  	v14 =	vld.idx.msk [tilespmem:v10+s22+$0x0], $0xffff  }
0x1e0: {  	v3 =	vadd.f32 v4, v3;
	v4 =	vmul.f32 v5, v9;
	v5 =	vld.idx.msk [tilespmem:v10+s23+$0x0], $0xffff;
	v9 =	vor.u32 v30, v2  }
0x1e1: {  	v10 =	vld.idx.msk [tilespmem:v12+s22+$0x0], $0xffff  }
0x1e2: {  	v3 =	vadd.f32 v4, v3;
	v4 =	vmul.f32 v7, v11;
	v7 =	vld.idx.msk [tilespmem:v12+s23+$0x0], $0xffff;
	v11 =	vor.u32 v42, v2  }
0x1e3: {  	v12 =	vld.idx.msk [tilespmem:v8+s22+$0x0], $0xffff  }
0x1e4: {  	v3 =	vadd.f32 v4, v3;
	v4 =	vmul.f32 v6, v13;
	v6 =	vld.idx.msk [tilespmem:v8+s23+$0x0], $0xffff;
	v8 =	vor.u32 v24, v2  }
0x1e5: {  	v13 =	vld.idx.msk [tilespmem:v9+s22+$0x0], $0xffff  }
0x1e6: {  	v3 =	vadd.f32 v4, v3;
	v4 =	vmul.f32 v5, v14;
	v5 =	vld.idx.msk [tilespmem:v9+s23+$0x0], $0xffff;
	v9 =	vor.u32 v25, v2  }
0x1e7: {  	v14 =	vld.idx.msk [tilespmem:v11+s22+$0x0], $0xffff  }
0x1e8: {  	v3 =	vadd.f32 v4, v3;
	v4 =	vmul.f32 v7, v10;
	v7 =	vld.idx.msk [tilespmem:v11+s23+$0x0], $0xffff;
	v10 =	vor.u32 v26, v2  }
0x1e9: {  	v11 =	vld.idx.msk [tilespmem:v8+s22+$0x0], $0xffff  }
0x1ea: {  	v3 =	vadd.f32 v4, v3;
	v4 =	vmul.f32 v6, v12;
	v6 =	vld.idx.msk [tilespmem:v8+s23+$0x0], $0xffff;
	v8 =	vor.u32 v27, v2  }
0x1eb: {  	v12 =	vld.idx.msk [tilespmem:v9+s22+$0x0], $0xffff  }
0x1ec: {  	v3 =	vadd.f32 v4, v3;
	v4 =	vmul.f32 v5, v13;
	v5 =	vld.idx.msk [tilespmem:v9+s23+$0x0], $0xffff;
	v9 =	vor.u32 v28, v2  }
0x1ed: {  	v13 =	vld.idx.msk [tilespmem:v10+s22+$0x0], $0xffff  }
0x1ee: {  	v3 =	vadd.f32 v4, v3;
	v4 =	vmul.f32 v7, v14;
	v7 =	vld.idx.msk [tilespmem:v10+s23+$0x0], $0xffff;
	v10 =	vor.u32 v29, v2  }
0x1ef: {  	v14 =	vld.idx.msk [tilespmem:v8+s22+$0x0], $0xffff  }
0x1f0: {  	v3 =	vadd.f32 v4, v3;
	v4 =	vmul.f32 v6, v11;
	v6 =	vld.idx.msk [tilespmem:v8+s23+$0x0], $0xffff;
	v8 =	vor.u32 v39, v2  }
0x1f1: {  	v11 =	vld.idx.msk [tilespmem:v9+s22+$0x0], $0xffff  }
0x1f2: {  	v3 =	vadd.f32 v4, v3;
	v4 =	vmul.f32 v5, v12;
	v5 =	vld.idx.msk [tilespmem:v9+s23+$0x0], $0xffff;
	v9 =	vor.u32 v31, v2  }
0x1f3: {  	v12 =	vld.idx.msk [tilespmem:v10+s22+$0x0], $0xffff  }
0x1f4: {  	v3 =	vadd.f32 v4, v3;
	v4 =	vmul.f32 v7, v13;
	v7 =	vld.idx.msk [tilespmem:v10+s23+$0x0], $0xffff;
	v10 =	vor.u32 v32, v2  }
0x1f5: {  	v13 =	vld.idx.msk [tilespmem:v8+s22+$0x0], $0xffff  }
0x1f6: {  	v3 =	vadd.f32 v4, v3;
	v4 =	vmul.f32 v6, v14;
	v6 =	vld.idx.msk [tilespmem:v8+s23+$0x0], $0xffff;
	v8 =	vor.u32 v33, v2  }
0x1f7: {  	v14 =	vld.idx.msk [tilespmem:v9+s22+$0x0], $0xffff  }
0x1f8: {  	v3 =	vadd.f32 v4, v3;
	v4 =	vmul.f32 v5, v11;
	v5 =	vld.idx.msk [tilespmem:v9+s23+$0x0], $0xffff;
	v9 =	vor.u32 v34, v2  }
0x1f9: {  	v11 =	vld.idx.msk [tilespmem:v10+s22+$0x0], $0xffff  }
0x1fa: {  	v3 =	vadd.f32 v4, v3;
	v4 =	vmul.f32 v7, v12;
	v7 =	vld.idx.msk [tilespmem:v10+s23+$0x0], $0xffff;
	v10 =	vor.u32 v35, v2  }
0x1fb: {  	v12 =	vld.idx.msk [tilespmem:v8+s22+$0x0], $0xffff  }
0x1fc: {  	v3 =	vadd.f32 v4, v3;
	v4 =	vmul.f32 v6, v13;
	v6 =	vld.idx.msk [tilespmem:v8+s23+$0x0], $0xffff;
	v8 =	vor.u32 v36, v2  }
0x1fd: {  	v13 =	vld.idx.msk [tilespmem:v9+s22+$0x0], $0xffff  }
0x1fe: {  	v3 =	vadd.f32 v4, v3;
	v4 =	vmul.f32 v5, v14;
	v5 =	vld.idx.msk [tilespmem:v9+s23+$0x0], $0xffff;
	v9 =	vor.u32 v37, v2  }
0x1ff: {  	v14 =	vld.idx.msk [tilespmem:v10+s22+$0x0], $0xffff  }
0x200: {  	v3 =	vadd.f32 v4, v3;
	v4 =	vmul.f32 v7, v11;
	v7 =	vld.idx.msk [tilespmem:v10+s23+$0x0], $0xffff;
	v10 =	vor.u32 v38, v2  }
0x201: {  	v11 =	vld.idx.msk [tilespmem:v8+s22+$0x0], $0xffff  }
0x202: {  	v3 =	vadd.f32 v4, v3;
	v4 =	vmul.f32 v6, v12;
	v6 =	vld.idx.msk [tilespmem:v8+s23+$0x0], $0xffff;
	v8 =	vor.u32 v17, v2  }
0x203: {  	v12 =	vld.idx.msk [tilespmem:v9+s22+$0x0], $0xffff  }
0x204: {  	v3 =	vadd.f32 v4, v3;
	v4 =	vmul.f32 v5, v13;
	v5 =	vld.idx.msk [tilespmem:v9+s23+$0x0], $0xffff;
	v9 =	vor.u32 v40, v2  }
0x205: {  	v13 =	vld.idx.msk [tilespmem:v10+s22+$0x0], $0xffff  }
0x206: {  	v3 =	vadd.f32 v4, v3;
	v4 =	vmul.f32 v7, v14;
	v7 =	vld.idx.msk [tilespmem:v10+s23+$0x0], $0xffff;
	v10 =	vor.u32 v56, v2  }
0x207: {  	v14 =	vld.idx.msk [tilespmem:v8+s22+$0x0], $0xffff  }
0x208: {  	v3 =	vadd.f32 v4, v3;
	v4 =	vmul.f32 v6, v11;
	v6 =	vld.idx.msk [tilespmem:v8+s23+$0x0], $0xffff;
	v8 =	vor.u32 v57, v2  }
0x209: {  	v11 =	vld.idx.msk [tilespmem:v9+s22+$0x0], $0xffff  }
0x20a: {  	v3 =	vadd.f32 v4, v3;
	v4 =	vmul.f32 v5, v12;
	v5 =	vld.idx.msk [tilespmem:v9+s23+$0x0], $0xffff;
	v9 =	vor.u32 v20, v2  }
0x20b: {  	v12 =	vld.idx.msk [tilespmem:v10+s22+$0x0], $0xffff  }
0x20c: {  	v3 =	vadd.f32 v4, v3;
	v4 =	vmul.f32 v7, v13;
	v7 =	vld.idx.msk [tilespmem:v10+s23+$0x0], $0xffff;
	v10 =	vor.u32 v22, v2  }
0x20d: {  	v13 =	vld.idx.msk [tilespmem:v8+s22+$0x0], $0xffff  }
0x20e: {  	v3 =	vadd.f32 v4, v3;
	v4 =	vmul.f32 v6, v14;
	v6 =	vld.idx.msk [tilespmem:v8+s23+$0x0], $0xffff;
	v8 =	vor.u32 v16, v2  }
0x20f: {  	v14 =	vld.idx.msk [tilespmem:v9+s22+$0x0], $0xffff  }
0x210: {  	v3 =	vadd.f32 v4, v3;
	v4 =	vmul.f32 v5, v11;
	v5 =	vld.idx.msk [tilespmem:v9+s23+$0x0], $0xffff;
	v9 =	vor.u32 v15, v2  }
0x211: {  	v11 =	vld.idx.msk [tilespmem:v10+s22+$0x0], $0xffff  }
0x212: {  	v3 =	vadd.f32 v4, v3;
	v4 =	vmul.f32 v7, v12;
	v7 =	vld.idx.msk [tilespmem:v10+s23+$0x0], $0xffff;
	v10 =	vor.u32 v46, v2  }
0x213: {  	v12 =	vld.idx.msk [tilespmem:v8+s22+$0x0], $0xffff  }
0x214: {  	v3 =	vadd.f32 v4, v3;
	v4 =	vmul.f32 v6, v13;
	v6 =	vld.idx.msk [tilespmem:v8+s23+$0x0], $0xffff;
	v8 =	vor.u32 v48, v2  }
0x215: {  	v13 =	vld.idx.msk [tilespmem:v9+s22+$0x0], $0xffff  }
0x216: {  	v3 =	vadd.f32 v4, v3;
	v4 =	vmul.f32 v5, v14;
	v5 =	vld.idx.msk [tilespmem:v9+s23+$0x0], $0xffff;
	v9 =	vor.u32 v49, v2  }
0x217: {  	v14 =	vld.idx.msk [tilespmem:v10+s22+$0x0], $0xffff  }
0x218: {  	v3 =	vadd.f32 v4, v3;
	v4 =	vmul.f32 v7, v11;
	v7 =	vld.idx.msk [tilespmem:v10+s23+$0x0], $0xffff;
	v10 =	vor.u32 v50, v2  }
0x219: {  	v11 =	vld.idx.msk [tilespmem:v8+s22+$0x0], $0xffff  }
0x21a: {  	v3 =	vadd.f32 v4, v3;
	v4 =	vmul.f32 v6, v12;
	v6 =	vld.idx.msk [tilespmem:v8+s23+$0x0], $0xffff;
	v8 =	vor.u32 v63, v2  }
0x21b: {  	v12 =	vld.idx.msk [tilespmem:v9+s22+$0x0], $0xffff  }
0x21c: {  	v3 =	vadd.f32 v4, v3;
	v4 =	vmul.f32 v5, v13;
	v5 =	vld.idx.msk [tilespmem:v9+s23+$0x0], $0xffff;
	v9 =	vor.u32 v23, v2  }
0x21d: {  	v13 =	vld.idx.msk [tilespmem:v10+s22+$0x0], $0xffff  }
0x21e: {  	v3 =	vadd.f32 v4, v3;
	v4 =	vmul.f32 v7, v14;
	v7 =	vld.idx.msk [tilespmem:v10+s23+$0x0], $0xffff;
	v10 =	vor.u32 v58, v2  }
0x21f: {  	v14 =	vld.idx.msk [tilespmem:v8+s22+$0x0], $0xffff  }
0x220: {  	v3 =	vadd.f32 v4, v3;
	v4 =	vmul.f32 v6, v11;
	v6 =	vld.idx.msk [tilespmem:v8+s23+$0x0], $0xffff;
	v8 =	vor.u32 v59, v2  }
0x221: {  	v11 =	vld.idx.msk [tilespmem:v9+s22+$0x0], $0xffff  }
0x222: {  	v3 =	vadd.f32 v4, v3;
	v4 =	vmul.f32 v5, v12;
	v5 =	vld.idx.msk [tilespmem:v9+s23+$0x0], $0xffff;
	v9 =	vor.u32 v60, v2  }
0x223: {  	v12 =	vld.idx.msk [tilespmem:v10+s22+$0x0], $0xffff  }
0x224: {  	v3 =	vadd.f32 v4, v3;
	v4 =	vmul.f32 v7, v13;
	v7 =	vld.idx.msk [tilespmem:v10+s23+$0x0], $0xffff;
	v10 =	vor.u32 v61, v2  }
0x225: {  	v13 =	vld.idx.msk [tilespmem:v8+s22+$0x0], $0xffff  }
0x226: {  	v3 =	vadd.f32 v4, v3;
	v4 =	vmul.f32 v6, v14;
	v6 =	vld.idx.msk [tilespmem:v8+s23+$0x0], $0xffff  }
0x227: {  	v8 =	vor.u32 v62, v2;
	v14 =	vld.idx.msk [tilespmem:v9+s22+$0x0], $0xffff  }
0x228: {  	v3 =	vadd.f32 v4, v3;
	v4 =	vmul.f32 v5, v11;
	v5 =	vld.idx.msk [tilespmem:v9+s23+$0x0], $0xffff  }
0x229: {  	v11 =	vld.idx.msk [tilespmem:v10+s22+$0x0], $0xffff  }
0x22a: {  	v3 =	vadd.f32 v4, v3;
	v4 =	vmul.f32 v7, v12;
	v7 =	vld.idx.msk [tilespmem:v10+s23+$0x0], $0xffff  }
0x22b: {  	v10 =	vld [tilespmem:$0x1FD60]  }
0x22c: {  	v12 =	vld.idx.msk [tilespmem:v8+s22+$0x0], $0xffff  }
0x22d: {  	v9 =	vor.u32 v51, v2;
	v3 =	vadd.f32 v4, v3;
	v4 =	vmul.f32 v6, v13;
	v6 =	vld.idx.msk [tilespmem:v8+s23+$0x0], $0xffff  }
0x22e: {  	v8 =	vld [tilespmem:$0x1FE80];
	_ =	sdelay $0x1  }
0x22f: {  	v10 =	vor.u32 v10, v2;
	_ =	sdelay $0x1  }
0x230: {  	v13 =	vld.idx.msk [tilespmem:v9+s22+$0x0], $0xffff  }
0x231: {  	v3 =	vadd.f32 v4, v3;
	v4 =	vmul.f32 v5, v14;
	v5 =	vld.idx.msk [tilespmem:v9+s23+$0x0], $0xffff;
	v8 =	vor.u32 v8, v2  }
0x232: {  	v9 =	vld [tilespmem:$0x1FE90]  }
0x233: {  	v14 =	vld.idx.msk [tilespmem:v10+s22+$0x0], $0xffff  }
0x234: {  	v3 =	vadd.f32 v4, v3;
	v4 =	vmul.f32 v7, v11;
	v7 =	vld.idx.msk [tilespmem:v10+s23+$0x0], $0xffff  }
0x235: {  	v10 =	vld [tilespmem:$0x1FDD0]  }
0x236: {  	v11 =	vld.idx.msk [tilespmem:v8+s22+$0x0], $0xffff  }
0x237: {  	v3 =	vadd.f32 v4, v3;
	v4 =	vmul.f32 v6, v12;
	v9 =	vor.u32 v9, v2;
	v6 =	vld.idx.msk [tilespmem:v8+s23+$0x0], $0xffff  }
0x238: {  	v8 =	vld [tilespmem:$0x1FDE0];
	_ =	sdelay $0x1  }
0x239: {  	v10 =	vor.u32 v10, v2;
	_ =	sdelay $0x1  }
0x23a: {  	v12 =	vld.idx.msk [tilespmem:v9+s22+$0x0], $0xffff  }
0x23b: {  	v3 =	vadd.f32 v4, v3;
	v4 =	vmul.f32 v5, v13;
	v5 =	vld.idx.msk [tilespmem:v9+s23+$0x0], $0xffff;
	v8 =	vor.u32 v8, v2  }
0x23c: {  	v9 =	vld [tilespmem:$0x1FDF0]  }
0x23d: {  	v13 =	vld.idx.msk [tilespmem:v10+s22+$0x0], $0xffff  }
0x23e: {  	v3 =	vadd.f32 v4, v3;
	v4 =	vmul.f32 v7, v14;
	v7 =	vld.idx.msk [tilespmem:v10+s23+$0x0], $0xffff  }
0x23f: {  	v10 =	vld [tilespmem:$0x1FE00]  }
0x240: {  	v14 =	vld.idx.msk [tilespmem:v8+s22+$0x0], $0xffff  }
0x241: {  	v3 =	vadd.f32 v4, v3;
	v4 =	vmul.f32 v6, v11;
	v9 =	vor.u32 v9, v2;
	v6 =	vld.idx.msk [tilespmem:v8+s23+$0x0], $0xffff  }
0x242: {  	v8 =	vld [tilespmem:$0x1FE10];
	_ =	sdelay $0x1  }
0x243: {  	v10 =	vor.u32 v10, v2;
	_ =	sdelay $0x1  }
0x244: {  	v11 =	vld.idx.msk [tilespmem:v9+s22+$0x0], $0xffff  }
0x245: {  	v3 =	vadd.f32 v4, v3;
	v4 =	vmul.f32 v5, v12;
	v5 =	vld.idx.msk [tilespmem:v9+s23+$0x0], $0xffff;
	v8 =	vor.u32 v8, v2  }
0x246: {  	v9 =	vld [tilespmem:$0x1FE20]  }
0x247: {  	v12 =	vld.idx.msk [tilespmem:v10+s22+$0x0], $0xffff  }
0x248: {  	v3 =	vadd.f32 v4, v3;
	v4 =	vmul.f32 v7, v13;
	v7 =	vld.idx.msk [tilespmem:v10+s23+$0x0], $0xffff  }
0x249: {  	v10 =	vld [tilespmem:$0x1FE30]  }
0x24a: {  	v13 =	vld.idx.msk [tilespmem:v8+s22+$0x0], $0xffff  }
0x24b: {  	v3 =	vadd.f32 v4, v3;
	v4 =	vmul.f32 v6, v14;
	v9 =	vor.u32 v9, v2;
	v6 =	vld.idx.msk [tilespmem:v8+s23+$0x0], $0xffff  }
0x24c: {  	v8 =	vld [tilespmem:$0x1FE40];
	_ =	sdelay $0x1  }
0x24d: {  	v10 =	vor.u32 v10, v2;
	_ =	sdelay $0x1  }
0x24e: {  	v14 =	vld.idx.msk [tilespmem:v9+s22+$0x0], $0xffff  }
0x24f: {  	v3 =	vadd.f32 v4, v3;
	v4 =	vmul.f32 v5, v11;
	v5 =	vld.idx.msk [tilespmem:v9+s23+$0x0], $0xffff;
	v8 =	vor.u32 v8, v2  }
0x250: {  	v9 =	vld [tilespmem:$0x1FE50]  }
0x251: {  	v11 =	vld.idx.msk [tilespmem:v10+s22+$0x0], $0xffff  }
0x252: {  	v3 =	vadd.f32 v4, v3;
	v4 =	vmul.f32 v7, v12;
	v7 =	vld.idx.msk [tilespmem:v10+s23+$0x0], $0xffff  }
0x253: {  	v10 =	vld [tilespmem:$0x1FE60]  }
0x254: {  	v12 =	vld.idx.msk [tilespmem:v8+s22+$0x0], $0xffff  }
0x255: {  	v3 =	vadd.f32 v4, v3;
	v4 =	vmul.f32 v6, v13;
	v9 =	vor.u32 v9, v2;
	v6 =	vld.idx.msk [tilespmem:v8+s23+$0x0], $0xffff  }
0x256: {  	v8 =	vld [tilespmem:$0x1FE70];
	_ =	sdelay $0x1  }
0x257: {  	v10 =	vor.u32 v10, v2;
	_ =	sdelay $0x1  }
0x258: {  	v13 =	vld.idx.msk [tilespmem:v9+s22+$0x0], $0xffff  }
0x259: {  	v3 =	vadd.f32 v4, v3;
	v4 =	vmul.f32 v5, v14;
	v5 =	vld.idx.msk [tilespmem:v9+s23+$0x0], $0xffff;
	v8 =	vor.u32 v8, v2  }
0x25a: {  	v9 =	vld [tilespmem:$0x1FD70]  }
0x25b: {  	v14 =	vld.idx.msk [tilespmem:v10+s22+$0x0], $0xffff  }
0x25c: {  	v3 =	vadd.f32 v4, v3;
	v4 =	vmul.f32 v7, v11;
	v7 =	vld.idx.msk [tilespmem:v10+s23+$0x0], $0xffff  }
0x25d: {  	v10 =	vld [tilespmem:$0x1F810]  }
0x25e: {  	v11 =	vld.idx.msk [tilespmem:v8+s22+$0x0], $0xffff  }
0x25f: {  	v3 =	vadd.f32 v4, v3;
	v4 =	vmul.f32 v6, v12;
	v9 =	vor.u32 v9, v2;
	v6 =	vld.idx.msk [tilespmem:v8+s23+$0x0], $0xffff  }
0x260: {  	v8 =	vld [tilespmem:$0x1F820];
	_ =	sdelay $0x1  }
0x261: {  	v10 =	vor.u32 v10, v2;
	_ =	sdelay $0x1  }
0x262: {  	v12 =	vld.idx.msk [tilespmem:v9+s22+$0x0], $0xffff  }
0x263: {  	v3 =	vadd.f32 v4, v3;
	v4 =	vmul.f32 v5, v13;
	v5 =	vld.idx.msk [tilespmem:v9+s23+$0x0], $0xffff;
	v8 =	vor.u32 v8, v2  }
0x264: {  	v9 =	vld [tilespmem:$0x1F830]  }
0x265: {  	v13 =	vld.idx.msk [tilespmem:v10+s22+$0x0], $0xffff  }
0x266: {  	v3 =	vadd.f32 v4, v3;
	v4 =	vmul.f32 v7, v14;
	v7 =	vld.idx.msk [tilespmem:v10+s23+$0x0], $0xffff  }
0x267: {  	v10 =	vld [tilespmem:$0x1F840]  }
0x268: {  	v14 =	vld.idx.msk [tilespmem:v8+s22+$0x0], $0xffff  }
0x269: {  	v3 =	vadd.f32 v4, v3;
	v4 =	vmul.f32 v6, v11;
	v9 =	vor.u32 v9, v2;
	v6 =	vld.idx.msk [tilespmem:v8+s23+$0x0], $0xffff  }
0x26a: {  	v8 =	vld [tilespmem:$0x1F850];
	_ =	sdelay $0x1  }
0x26b: {  	v10 =	vor.u32 v10, v2;
	_ =	sdelay $0x1  }
0x26c: {  	v11 =	vld.idx.msk [tilespmem:v9+s22+$0x0], $0xffff  }
0x26d: {  	v3 =	vadd.f32 v4, v3;
	v4 =	vmul.f32 v5, v12;
	v5 =	vld.idx.msk [tilespmem:v9+s23+$0x0], $0xffff;
	v8 =	vor.u32 v8, v2  }
0x26e: {  	v9 =	vld [tilespmem:$0x1F860]  }
0x26f: {  	v12 =	vld.idx.msk [tilespmem:v10+s22+$0x0], $0xffff  }
0x270: {  	v3 =	vadd.f32 v4, v3;
	v4 =	vmul.f32 v7, v13;
	v7 =	vld.idx.msk [tilespmem:v10+s23+$0x0], $0xffff  }
0x271: {  	v10 =	vld [tilespmem:$0x1F870]  }
0x272: {  	v13 =	vld.idx.msk [tilespmem:v8+s22+$0x0], $0xffff  }
0x273: {  	v3 =	vadd.f32 v4, v3;
	v4 =	vmul.f32 v6, v14;
	v9 =	vor.u32 v9, v2;
	v6 =	vld.idx.msk [tilespmem:v8+s23+$0x0], $0xffff  }
0x274: {  	v8 =	vld [tilespmem:$0x1F880];
	_ =	sdelay $0x1  }
0x275: {  	v10 =	vor.u32 v10, v2;
	_ =	sdelay $0x1  }
0x276: {  	v14 =	vld.idx.msk [tilespmem:v9+s22+$0x0], $0xffff  }
0x277: {  	v3 =	vadd.f32 v4, v3;
	v4 =	vmul.f32 v5, v11;
	v5 =	vld.idx.msk [tilespmem:v9+s23+$0x0], $0xffff;
	v8 =	vor.u32 v8, v2  }
0x278: {  	v9 =	vld [tilespmem:$0x1F890]  }
0x279: {  	v11 =	vld.idx.msk [tilespmem:v10+s22+$0x0], $0xffff  }
0x27a: {  	v3 =	vadd.f32 v4, v3;
	v4 =	vmul.f32 v7, v12;
	v7 =	vld.idx.msk [tilespmem:v10+s23+$0x0], $0xffff  }
0x27b: {  	v10 =	vld [tilespmem:$0x1F8A0]  }
0x27c: {  	v12 =	vld.idx.msk [tilespmem:v8+s22+$0x0], $0xffff  }
0x27d: {  	v3 =	vadd.f32 v4, v3;
	v4 =	vmul.f32 v6, v13;
	v9 =	vor.u32 v9, v2;
	v6 =	vld.idx.msk [tilespmem:v8+s23+$0x0], $0xffff  }
0x27e: {  	v8 =	vld [tilespmem:$0x1F8B0];
	_ =	sdelay $0x1  }
0x27f: {  	v10 =	vor.u32 v10, v2;
	_ =	sdelay $0x1  }
0x280: {  	v13 =	vld.idx.msk [tilespmem:v9+s22+$0x0], $0xffff  }
0x281: {  	v3 =	vadd.f32 v4, v3;
	v4 =	vmul.f32 v5, v14;
	v5 =	vld.idx.msk [tilespmem:v9+s23+$0x0], $0xffff;
	v8 =	vor.u32 v8, v2  }
0x282: {  	v9 =	vld [tilespmem:$0x1F8C0]  }
0x283: {  	v14 =	vld.idx.msk [tilespmem:v10+s22+$0x0], $0xffff  }
0x284: {  	v3 =	vadd.f32 v4, v3;
	v4 =	vmul.f32 v7, v11;
	v7 =	vld.idx.msk [tilespmem:v10+s23+$0x0], $0xffff  }
0x285: {  	v10 =	vld [tilespmem:$0x1F8D0]  }
0x286: {  	v11 =	vld.idx.msk [tilespmem:v8+s22+$0x0], $0xffff  }
0x287: {  	v3 =	vadd.f32 v4, v3;
	v4 =	vmul.f32 v6, v12;
	v9 =	vor.u32 v9, v2;
	v6 =	vld.idx.msk [tilespmem:v8+s23+$0x0], $0xffff  }
0x288: {  	v8 =	vld [tilespmem:$0x1F8E0];
	_ =	sdelay $0x1  }
0x289: {  	v10 =	vor.u32 v10, v2;
	_ =	sdelay $0x1  }
0x28a: {  	v12 =	vld.idx.msk [tilespmem:v9+s22+$0x0], $0xffff  }
0x28b: {  	v3 =	vadd.f32 v4, v3;
	v4 =	vmul.f32 v5, v13;
	v5 =	vld.idx.msk [tilespmem:v9+s23+$0x0], $0xffff;
	v8 =	vor.u32 v8, v2  }
0x28c: {  	v9 =	vld [tilespmem:$0x1F8F0]  }
0x28d: {  	v13 =	vld.idx.msk [tilespmem:v10+s22+$0x0], $0xffff  }
0x28e: {  	v3 =	vadd.f32 v4, v3;
	v4 =	vmul.f32 v7, v14;
	v7 =	vld.idx.msk [tilespmem:v10+s23+$0x0], $0xffff  }
0x28f: {  	v10 =	vld [tilespmem:$0x1F900]  }
0x290: {  	v14 =	vld.idx.msk [tilespmem:v8+s22+$0x0], $0xffff  }
0x291: {  	v3 =	vadd.f32 v4, v3;
	v4 =	vmul.f32 v6, v11;
	v9 =	vor.u32 v9, v2;
	v6 =	vld.idx.msk [tilespmem:v8+s23+$0x0], $0xffff  }
0x292: {  	v8 =	vld [tilespmem:$0x1F910];
	_ =	sdelay $0x1  }
0x293: {  	v10 =	vor.u32 v10, v2;
	_ =	sdelay $0x1  }
0x294: {  	v11 =	vld.idx.msk [tilespmem:v9+s22+$0x0], $0xffff  }
0x295: {  	v3 =	vadd.f32 v4, v3;
	v4 =	vmul.f32 v5, v12;
	v5 =	vld.idx.msk [tilespmem:v9+s23+$0x0], $0xffff;
	v8 =	vor.u32 v8, v2  }
0x296: {  	v9 =	vld [tilespmem:$0x1F920]  }
0x297: {  	v12 =	vld.idx.msk [tilespmem:v10+s22+$0x0], $0xffff  }
0x298: {  	v3 =	vadd.f32 v4, v3;
	v4 =	vmul.f32 v7, v13;
	v7 =	vld.idx.msk [tilespmem:v10+s23+$0x0], $0xffff  }
0x299: {  	v10 =	vld [tilespmem:$0x1F930]  }
0x29a: {  	v13 =	vld.idx.msk [tilespmem:v8+s22+$0x0], $0xffff  }
0x29b: {  	v3 =	vadd.f32 v4, v3;
	v4 =	vmul.f32 v6, v14;
	v9 =	vor.u32 v9, v2;
	v6 =	vld.idx.msk [tilespmem:v8+s23+$0x0], $0xffff  }
0x29c: {  	v8 =	vld [tilespmem:$0x1F940];
	_ =	sdelay $0x1  }
0x29d: {  	v10 =	vor.u32 v10, v2;
	_ =	sdelay $0x1  }
0x29e: {  	v14 =	vld.idx.msk [tilespmem:v9+s22+$0x0], $0xffff  }
0x29f: {  	v3 =	vadd.f32 v4, v3;
	v4 =	vmul.f32 v5, v11;
	v5 =	vld.idx.msk [tilespmem:v9+s23+$0x0], $0xffff;
	v8 =	vor.u32 v8, v2  }
0x2a0: {  	v9 =	vld [tilespmem:$0x1F950]  }
0x2a1: {  	v11 =	vld.idx.msk [tilespmem:v10+s22+$0x0], $0xffff  }
0x2a2: {  	v3 =	vadd.f32 v4, v3;
	v4 =	vmul.f32 v7, v12;
	v7 =	vld.idx.msk [tilespmem:v10+s23+$0x0], $0xffff  }
0x2a3: {  	v10 =	vld [tilespmem:$0x1F960]  }
0x2a4: {  	v12 =	vld.idx.msk [tilespmem:v8+s22+$0x0], $0xffff  }
0x2a5: {  	v3 =	vadd.f32 v4, v3;
	v4 =	vmul.f32 v6, v13;
	v9 =	vor.u32 v9, v2;
	v6 =	vld.idx.msk [tilespmem:v8+s23+$0x0], $0xffff  }
0x2a6: {  	v8 =	vld [tilespmem:$0x1F970];
	_ =	sdelay $0x1  }
0x2a7: {  	v10 =	vor.u32 v10, v2;
	_ =	sdelay $0x1  }
0x2a8: {  	v13 =	vld.idx.msk [tilespmem:v9+s22+$0x0], $0xffff  }
0x2a9: {  	v3 =	vadd.f32 v4, v3;
	v4 =	vmul.f32 v5, v14;
	v5 =	vld.idx.msk [tilespmem:v9+s23+$0x0], $0xffff;
	v8 =	vor.u32 v8, v2  }
0x2aa: {  	v9 =	vld [tilespmem:$0x1F980]  }
0x2ab: {  	v14 =	vld.idx.msk [tilespmem:v10+s22+$0x0], $0xffff  }
0x2ac: {  	v3 =	vadd.f32 v4, v3;
	v4 =	vmul.f32 v7, v11;
	v7 =	vld.idx.msk [tilespmem:v10+s23+$0x0], $0xffff  }
0x2ad: {  	v10 =	vld [tilespmem:$0x1F990]  }
0x2ae: {  	v11 =	vld.idx.msk [tilespmem:v8+s22+$0x0], $0xffff  }
0x2af: {  	v3 =	vadd.f32 v4, v3;
	v4 =	vmul.f32 v6, v12;
	v9 =	vor.u32 v9, v2;
	v6 =	vld.idx.msk [tilespmem:v8+s23+$0x0], $0xffff  }
0x2b0: {  	v8 =	vld [tilespmem:$0x1F9A0];
	_ =	sdelay $0x1  }
0x2b1: {  	v10 =	vor.u32 v10, v2;
	_ =	sdelay $0x1  }
0x2b2: {  	v12 =	vld.idx.msk [tilespmem:v9+s22+$0x0], $0xffff  }
0x2b3: {  	v3 =	vadd.f32 v4, v3;
	v4 =	vmul.f32 v5, v13;
	v5 =	vld.idx.msk [tilespmem:v9+s23+$0x0], $0xffff;
	v8 =	vor.u32 v8, v2  }
0x2b4: {  	v9 =	vld [tilespmem:$0x1F9B0]  }
0x2b5: {  	v13 =	vld.idx.msk [tilespmem:v10+s22+$0x0], $0xffff  }
0x2b6: {  	v3 =	vadd.f32 v4, v3;
	v4 =	vmul.f32 v7, v14;
	v7 =	vld.idx.msk [tilespmem:v10+s23+$0x0], $0xffff  }
0x2b7: {  	v10 =	vld [tilespmem:$0x1F9C0]  }
0x2b8: {  	v14 =	vld.idx.msk [tilespmem:v8+s22+$0x0], $0xffff  }
0x2b9: {  	v3 =	vadd.f32 v4, v3;
	v4 =	vmul.f32 v6, v11;
	v9 =	vor.u32 v9, v2;
	v6 =	vld.idx.msk [tilespmem:v8+s23+$0x0], $0xffff  }
0x2ba: {  	v8 =	vld [tilespmem:$0x1F9D0];
	_ =	sdelay $0x1  }
0x2bb: {  	v10 =	vor.u32 v10, v2;
	_ =	sdelay $0x1  }
0x2bc: {  	v11 =	vld.idx.msk [tilespmem:v9+s22+$0x0], $0xffff  }
0x2bd: {  	v3 =	vadd.f32 v4, v3;
	v4 =	vmul.f32 v5, v12;
	v5 =	vld.idx.msk [tilespmem:v9+s23+$0x0], $0xffff;
	v8 =	vor.u32 v8, v2  }
0x2be: {  	v9 =	vld [tilespmem:$0x1F9E0]  }
0x2bf: {  	v12 =	vld.idx.msk [tilespmem:v10+s22+$0x0], $0xffff  }
0x2c0: {  	v3 =	vadd.f32 v4, v3;
	v4 =	vmul.f32 v7, v13;
	v7 =	vld.idx.msk [tilespmem:v10+s23+$0x0], $0xffff  }
0x2c1: {  	v10 =	vld [tilespmem:$0x1F9F0]  }
0x2c2: {  	v13 =	vld.idx.msk [tilespmem:v8+s22+$0x0], $0xffff  }
0x2c3: {  	v3 =	vadd.f32 v4, v3;
	v4 =	vmul.f32 v6, v14;
	v9 =	vor.u32 v9, v2;
	v6 =	vld.idx.msk [tilespmem:v8+s23+$0x0], $0xffff  }
0x2c4: {  	v8 =	vld [tilespmem:$0x1FA00];
	_ =	sdelay $0x1  }
0x2c5: {  	v10 =	vor.u32 v10, v2;
	_ =	sdelay $0x1  }
0x2c6: {  	v14 =	vld.idx.msk [tilespmem:v9+s22+$0x0], $0xffff  }
0x2c7: {  	v3 =	vadd.f32 v4, v3;
	v4 =	vmul.f32 v5, v11;
	v5 =	vld.idx.msk [tilespmem:v9+s23+$0x0], $0xffff;
	v8 =	vor.u32 v8, v2  }
0x2c8: {  	v9 =	vld [tilespmem:$0x1FA10]  }
0x2c9: {  	v11 =	vld.idx.msk [tilespmem:v10+s22+$0x0], $0xffff  }
0x2ca: {  	v3 =	vadd.f32 v4, v3;
	v4 =	vmul.f32 v7, v12;
	v7 =	vld.idx.msk [tilespmem:v10+s23+$0x0], $0xffff  }
0x2cb: {  	v10 =	vld [tilespmem:$0x1FA20]  }
0x2cc: {  	v12 =	vld.idx.msk [tilespmem:v8+s22+$0x0], $0xffff  }
0x2cd: {  	v3 =	vadd.f32 v4, v3;
	v4 =	vmul.f32 v6, v13;
	v9 =	vor.u32 v9, v2;
	v6 =	vld.idx.msk [tilespmem:v8+s23+$0x0], $0xffff  }
0x2ce: {  	v8 =	vld [tilespmem:$0x1FA30];
	_ =	sdelay $0x1  }
0x2cf: {  	v10 =	vor.u32 v10, v2;
	_ =	sdelay $0x1  }
0x2d0: {  	v13 =	vld.idx.msk [tilespmem:v9+s22+$0x0], $0xffff  }
0x2d1: {  	v3 =	vadd.f32 v4, v3;
	v4 =	vmul.f32 v5, v14;
	v5 =	vld.idx.msk [tilespmem:v9+s23+$0x0], $0xffff;
	v8 =	vor.u32 v8, v2  }
0x2d2: {  	v9 =	vld [tilespmem:$0x1FA40]  }
0x2d3: {  	v14 =	vld.idx.msk [tilespmem:v10+s22+$0x0], $0xffff  }
0x2d4: {  	v3 =	vadd.f32 v4, v3;
	v4 =	vmul.f32 v7, v11;
	v7 =	vld.idx.msk [tilespmem:v10+s23+$0x0], $0xffff  }
0x2d5: {  	v10 =	vld [tilespmem:$0x1FA50]  }
0x2d6: {  	v11 =	vld.idx.msk [tilespmem:v8+s22+$0x0], $0xffff  }
0x2d7: {  	v3 =	vadd.f32 v4, v3;
	v4 =	vmul.f32 v6, v12;
	v9 =	vor.u32 v9, v2;
	v6 =	vld.idx.msk [tilespmem:v8+s23+$0x0], $0xffff  }
0x2d8: {  	v8 =	vld [tilespmem:$0x1FA60];
	_ =	sdelay $0x1  }
0x2d9: {  	v10 =	vor.u32 v10, v2;
	_ =	sdelay $0x1  }
0x2da: {  	v12 =	vld.idx.msk [tilespmem:v9+s22+$0x0], $0xffff  }
0x2db: {  	v3 =	vadd.f32 v4, v3;
	v4 =	vmul.f32 v5, v13;
	v5 =	vld.idx.msk [tilespmem:v9+s23+$0x0], $0xffff;
	v8 =	vor.u32 v8, v2  }
0x2dc: {  	v9 =	vld [tilespmem:$0x1FA70]  }
0x2dd: {  	v13 =	vld.idx.msk [tilespmem:v10+s22+$0x0], $0xffff  }
0x2de: {  	v3 =	vadd.f32 v4, v3;
	v4 =	vmul.f32 v7, v14;
	v7 =	vld.idx.msk [tilespmem:v10+s23+$0x0], $0xffff  }
0x2df: {  	v10 =	vld [tilespmem:$0x1FA80]  }
0x2e0: {  	v14 =	vld.idx.msk [tilespmem:v8+s22+$0x0], $0xffff  }
0x2e1: {  	v3 =	vadd.f32 v4, v3;
	v4 =	vmul.f32 v6, v11;
	v9 =	vor.u32 v9, v2;
	v6 =	vld.idx.msk [tilespmem:v8+s23+$0x0], $0xffff  }
0x2e2: {  	v8 =	vld [tilespmem:$0x1FA90];
	_ =	sdelay $0x1  }
0x2e3: {  	v10 =	vor.u32 v10, v2;
	_ =	sdelay $0x1  }
0x2e4: {  	v11 =	vld.idx.msk [tilespmem:v9+s22+$0x0], $0xffff  }
0x2e5: {  	v3 =	vadd.f32 v4, v3;
	v4 =	vmul.f32 v5, v12;
	v5 =	vld.idx.msk [tilespmem:v9+s23+$0x0], $0xffff;
	v8 =	vor.u32 v8, v2  }
0x2e6: {  	v9 =	vld [tilespmem:$0x1FAA0]  }
0x2e7: {  	v12 =	vld.idx.msk [tilespmem:v10+s22+$0x0], $0xffff  }
0x2e8: {  	v3 =	vadd.f32 v4, v3;
	v4 =	vmul.f32 v7, v13;
	v7 =	vld.idx.msk [tilespmem:v10+s23+$0x0], $0xffff  }
0x2e9: {  	v10 =	vld [tilespmem:$0x1FAB0]  }
0x2ea: {  	v13 =	vld.idx.msk [tilespmem:v8+s22+$0x0], $0xffff  }
0x2eb: {  	v3 =	vadd.f32 v4, v3;
	v4 =	vmul.f32 v6, v14;
	v9 =	vor.u32 v9, v2;
	v6 =	vld.idx.msk [tilespmem:v8+s23+$0x0], $0xffff  }
0x2ec: {  	v8 =	vld [tilespmem:$0x1FAC0];
	_ =	sdelay $0x1  }
0x2ed: {  	v10 =	vor.u32 v10, v2;
	_ =	sdelay $0x1  }
0x2ee: {  	v14 =	vld.idx.msk [tilespmem:v9+s22+$0x0], $0xffff  }
0x2ef: {  	v3 =	vadd.f32 v4, v3;
	v4 =	vmul.f32 v5, v11;
	v5 =	vld.idx.msk [tilespmem:v9+s23+$0x0], $0xffff;
	v8 =	vor.u32 v8, v2  }
0x2f0: {  	v9 =	vld [tilespmem:$0x1FAD0]  }
0x2f1: {  	v11 =	vld.idx.msk [tilespmem:v10+s22+$0x0], $0xffff  }
0x2f2: {  	v3 =	vadd.f32 v4, v3;
	v4 =	vmul.f32 v7, v12;
	v7 =	vld.idx.msk [tilespmem:v10+s23+$0x0], $0xffff  }
0x2f3: {  	v10 =	vld [tilespmem:$0x1FAE0]  }
0x2f4: {  	v12 =	vld.idx.msk [tilespmem:v8+s22+$0x0], $0xffff  }
0x2f5: {  	v3 =	vadd.f32 v4, v3;
	v4 =	vmul.f32 v6, v13;
	v9 =	vor.u32 v9, v2;
	v6 =	vld.idx.msk [tilespmem:v8+s23+$0x0], $0xffff  }
0x2f6: {  	v8 =	vld [tilespmem:$0x1FAF0];
	_ =	sdelay $0x1  }
0x2f7: {  	v10 =	vor.u32 v10, v2;
	_ =	sdelay $0x1  }
0x2f8: {  	v13 =	vld.idx.msk [tilespmem:v9+s22+$0x0], $0xffff  }
0x2f9: {  	v3 =	vadd.f32 v4, v3;
	v4 =	vmul.f32 v5, v14;
	v5 =	vld.idx.msk [tilespmem:v9+s23+$0x0], $0xffff;
	v8 =	vor.u32 v8, v2  }
0x2fa: {  	v9 =	vld [tilespmem:$0x1FB00]  }
0x2fb: {  	v14 =	vld.idx.msk [tilespmem:v10+s22+$0x0], $0xffff  }
0x2fc: {  	v3 =	vadd.f32 v4, v3;
	v4 =	vmul.f32 v7, v11;
	v7 =	vld.idx.msk [tilespmem:v10+s23+$0x0], $0xffff  }
0x2fd: {  	v10 =	vld [tilespmem:$0x1FB10]  }
0x2fe: {  	v11 =	vld.idx.msk [tilespmem:v8+s22+$0x0], $0xffff  }
0x2ff: {  	v3 =	vadd.f32 v4, v3;
	v4 =	vmul.f32 v6, v12;
	v9 =	vor.u32 v9, v2;
	v6 =	vld.idx.msk [tilespmem:v8+s23+$0x0], $0xffff  }
0x300: {  	v8 =	vld [tilespmem:$0x1FB20];
	_ =	sdelay $0x1  }
0x301: {  	v10 =	vor.u32 v10, v2;
	_ =	sdelay $0x1  }
0x302: {  	v12 =	vld.idx.msk [tilespmem:v9+s22+$0x0], $0xffff  }
0x303: {  	v3 =	vadd.f32 v4, v3;
	v4 =	vmul.f32 v5, v13;
	v5 =	vld.idx.msk [tilespmem:v9+s23+$0x0], $0xffff;
	v8 =	vor.u32 v8, v2  }
0x304: {  	v9 =	vld [tilespmem:$0x1FB30]  }
0x305: {  	v13 =	vld.idx.msk [tilespmem:v10+s22+$0x0], $0xffff  }
0x306: {  	v3 =	vadd.f32 v4, v3;
	v4 =	vmul.f32 v7, v14;
	v7 =	vld.idx.msk [tilespmem:v10+s23+$0x0], $0xffff  }
0x307: {  	v10 =	vld [tilespmem:$0x1FB40]  }
0x308: {  	v14 =	vld.idx.msk [tilespmem:v8+s22+$0x0], $0xffff  }
0x309: {  	v3 =	vadd.f32 v4, v3;
	v4 =	vmul.f32 v6, v11;
	v9 =	vor.u32 v9, v2;
	v6 =	vld.idx.msk [tilespmem:v8+s23+$0x0], $0xffff  }
0x30a: {  	v8 =	vld [tilespmem:$0x1FB50];
	_ =	sdelay $0x1  }
0x30b: {  	v10 =	vor.u32 v10, v2;
	_ =	sdelay $0x1  }
0x30c: {  	v11 =	vld.idx.msk [tilespmem:v9+s22+$0x0], $0xffff  }
0x30d: {  	v3 =	vadd.f32 v4, v3;
	v4 =	vmul.f32 v5, v12;
	v5 =	vld.idx.msk [tilespmem:v9+s23+$0x0], $0xffff;
	v8 =	vor.u32 v8, v2  }
0x30e: {  	v9 =	vld [tilespmem:$0x1FD80]  }
0x30f: {  	v12 =	vld.idx.msk [tilespmem:v10+s22+$0x0], $0xffff  }
0x310: {  	v3 =	vadd.f32 v4, v3;
	v4 =	vmul.f32 v7, v13;
	v7 =	vld.idx.msk [tilespmem:v10+s23+$0x0], $0xffff  }
0x311: {  	v10 =	vld [tilespmem:$0x1FB60]  }
0x312: {  	v13 =	vld.idx.msk [tilespmem:v8+s22+$0x0], $0xffff  }
0x313: {  	v3 =	vadd.f32 v4, v3;
	v4 =	vmul.f32 v6, v14;
	v9 =	vor.u32 v9, v2;
	v6 =	vld.idx.msk [tilespmem:v8+s23+$0x0], $0xffff  }
0x314: {  	v8 =	vld [tilespmem:$0x1FB70];
	_ =	sdelay $0x1  }
0x315: {  	v10 =	vor.u32 v10, v2;
	_ =	sdelay $0x1  }
0x316: {  	v14 =	vld.idx.msk [tilespmem:v9+s22+$0x0], $0xffff  }
0x317: {  	v3 =	vadd.f32 v4, v3;
	v4 =	vmul.f32 v5, v11;
	v5 =	vld.idx.msk [tilespmem:v9+s23+$0x0], $0xffff;
	v8 =	vor.u32 v8, v2  }
0x318: {  	v9 =	vld [tilespmem:$0x1FB80]  }
0x319: {  	v11 =	vld.idx.msk [tilespmem:v10+s22+$0x0], $0xffff  }
0x31a: {  	v3 =	vadd.f32 v4, v3;
	v4 =	vmul.f32 v7, v12;
	v7 =	vld.idx.msk [tilespmem:v10+s23+$0x0], $0xffff  }
0x31b: {  	v10 =	vld [tilespmem:$0x1FBA0]  }
0x31c: {  	v12 =	vld.idx.msk [tilespmem:v8+s22+$0x0], $0xffff  }
0x31d: {  	v3 =	vadd.f32 v4, v3;
	v4 =	vmul.f32 v6, v13;
	v6 =	vld.idx.msk [tilespmem:v8+s23+$0x0], $0xffff  }
0x31e: {  	v8 =	vld [tilespmem:$0x1FBB0]  }
0x31f: {  	v9 =	vor.u32 v9, v2;
	_ =	sdelay $0x1  }
0x320: {  	v10 =	vor.u32 v10, v2;
	_ =	sdelay $0x1  }
0x321: {  	v8 =	vor.u32 v8, v2  }
0x322: {  	v3 =	vadd.f32 v4, v3;
	v4 =	vmul.f32 v5, v14;
	v13 =	vld.idx.msk [tilespmem:v9+s22+$0x0], $0xffff  }
0x323: {  	v5 =	vld.idx.msk [tilespmem:v9+s23+$0x0], $0xffff;
	v9 =	vor.u32 v1, v2  }
0x324: {  	v3 =	vadd.f32 v4, v3;
	v4 =	vmul.f32 v7, v11;
	v14 =	vld.idx.msk [tilespmem:v10+s22+$0x0], $0xffff  }
0x325: {  	v7 =	vld.idx.msk [tilespmem:v10+s23+$0x0], $0xffff;
	v10 =	vor.u32 v52, v2  }
0x326: {  	v3 =	vadd.f32 v4, v3;
	v4 =	vmul.f32 v6, v12;
	v11 =	vld.idx.msk [tilespmem:v8+s22+$0x0], $0xffff  }
0x327: {  	v6 =	vld.idx.msk [tilespmem:v8+s23+$0x0], $0xffff;
	v8 =	vor.u32 v0, v2  }
0x328: {  	v12 =	vld.idx.msk [tilespmem:v9+s22+$0x0], $0xffff;
	v3 =	vadd.f32 v4, v3;
	v4 =	vmul.f32 v5, v13  }
0x329: {  	v5 =	vld.idx.msk [tilespmem:v9+s23+$0x0], $0xffff;
	v9 =	vor.u32 v45, v2  }
0x32a: {  	v3 =	vadd.f32 v4, v3;
	v13 =	vld.idx.msk [tilespmem:v10+s22+$0x0], $0xffff;
	v4 =	vmul.f32 v7, v14  }
0x32b: {  	v7 =	vld.idx.msk [tilespmem:v10+s23+$0x0], $0xffff  }
0x32c: {  	v10 =	vor.u32 v41, v2;
	v14 =	vld.idx.msk [tilespmem:v8+s22+$0x0], $0xffff;
	v3 =	vadd.f32 v4, v3;
	v4 =	vmul.f32 v6, v11  }
0x32d: {  	v6 =	vld.idx.msk [tilespmem:v8+s23+$0x0], $0xffff  }
0x32e: {  	v2 =	vor.u32 v18, v2;
	v8 =	vld.idx.msk [tilespmem:v9+s22+$0x0], $0xffff;
	v3 =	vadd.f32 v4, v3;
	v4 =	vmul.f32 v5, v12  }
0x32f: {  	v5 =	vld.idx.msk [tilespmem:v9+s23+$0x0], $0xffff  }
0x330: {  	v3 =	vadd.f32 v4, v3;
	v4 =	vmul.f32 v7, v13  }
0x331: {  	v9 =	vld.idx.msk [tilespmem:v10+s22+$0x0], $0xffff  }
0x332: {  	v7 =	vld.idx.msk [tilespmem:v10+s23+$0x0], $0xffff;
	v3 =	vadd.f32 v4, v3;
	v4 =	vmul.f32 v6, v14  }
0x333: {  	v10 =	vld.idx.msk [tilespmem:v2+s22+$0x0], $0xffff  }
0x334: {  	v6 =	vld.idx.msk [tilespmem:v2+s23+$0x0], $0xffff;
	v2 =	vadd.f32 v4, v3;
	v3 =	vmul.f32 v5, v8;
	_ =	sdelay $0x1  }
0x335: {  	v5 =	vadd.f32 v3, v2;
	v2 =	vld [tilespmem:$0x1FED0]  }
0x336: {  	p2 =	sne.s32 s8, $0x100  }
.Ltmp0:
0x337: {  	s24 =	sadd.s32 $0x10, s24;
	(pc) =	sbr.rel @p2 .LBB2_3-.Ltmp0, $4  }
0x338: {  	v4 =	vmov s24  }
0x339: {  	v4 =	vshll.u32 v4, $0x7;
	v7 =	vmul.f32 v7, v9  }
0x33a: {  	v14 =	vlaneseq.u32;
	v2 =	vor.u32 v2, v4  }
0x33b: {  	s19 =	smov.u32 s5;
	s5 =	smov.u32 s8;
	s8 =	sadd.s32 $0x40, s8;
	v4 =	vadd.f32 v7, v5;
	v5 =	vmul.f32 v6, v10;
	v3 =	vor.u32 v14, v2  }
0x33c: {  	_ =	sdelay $0x1  }
0x33d: {  	v4 =	vadd.f32 v5, v4;
	v5 =	vld [tilespmem:$0x1FEC0]  }
0x33e: {  	s8 =	sshra.s32 s19, $0x2  }
0x33f: {  	[tilespmem:v21+s8+$0x0 ss:$0x1] =	vst.idx.msk $0xffff, v4;
	v4 =	vld [tilespmem:$0x1FEB0];
	_ =	sdelay $0x1  }
0x340: {  	v7 =	vld [tilespmem:$0x1FEA0]  }
0x341: {  	v5 =	vor.u32 v5, v2;
	_ =	sdelay $0x1  }
0x342: {  	v4 =	vor.u32 v4, v2  }
0x343: {  	v6 =	vld.idx.msk [tilespmem:v3+s23+$0x0], $0xffff  }
0x344: {  	v3 =	vld.idx.msk [tilespmem:v3+s22+$0x0], $0xffff;
	v7 =	vor.u32 v7, v2  }
0x345: {  	v8 =	vld.idx.msk [tilespmem:v5+s22+$0x0], $0xffff  }
0x346: {  	v9 =	vor.u32 v19, v2;
	v5 =	vld.idx.msk [tilespmem:v5+s23+$0x0], $0xffff  }
0x347: {  	v10 =	vld.idx.msk [tilespmem:v4+s22+$0x0], $0xffff  }
0x348: {  	v11 =	vor.u32 v53, v2;
	v4 =	vld.idx.msk [tilespmem:v4+s23+$0x0], $0xffff  }
0x349: {  	v12 =	vld.idx.msk [tilespmem:v7+s22+$0x0], $0xffff  }
0x34a: {  	v13 =	vor.u32 v54, v2;
	v7 =	vld.idx.msk [tilespmem:v7+s23+$0x0], $0xffff  }
0x34b: {  	v3 =	vmul.f32 v6, v3;
	v6 =	vld.idx.msk [tilespmem:v9+s22+$0x0], $0xffff;
	v5 =	vmul.f32 v5, v8  }
0x34c: {  	v8 =	vld.idx.msk [tilespmem:v9+s23+$0x0], $0xffff;
	v9 =	vor.u32 v55, v2  }
0x34d: {  	v3 =	vadd.f32 v5, v3;
	v4 =	vmul.f32 v4, v10;
	v5 =	vld.idx.msk [tilespmem:v11+s22+$0x0], $0xffff  }
0x34e: {  	v10 =	vld.idx.msk [tilespmem:v11+s23+$0x0], $0xffff;
	v11 =	vor.u32 v47, v2  }
0x34f: {  	v19 =	vmul.f32 v7, v12;
	v7 =	vld.idx.msk [tilespmem:v13+s22+$0x0], $0xffff;
	v3 =	vadd.f32 v4, v3  }
0x350: {  	v12 =	vld.idx.msk [tilespmem:v13+s23+$0x0], $0xffff;
	v13 =	vor.u32 v44, v2  }
0x351: {  	v3 =	vadd.f32 v19, v3;
	v19 =	vmul.f32 v8, v6;
	v6 =	vld.idx.msk [tilespmem:v9+s22+$0x0], $0xffff  }
0x352: {  	v8 =	vld.idx.msk [tilespmem:v9+s23+$0x0], $0xffff;
	v9 =	vor.u32 v43, v2  }
0x353: {  	v3 =	vadd.f32 v19, v3;
	v19 =	vmul.f32 v10, v5;
	v5 =	vld.idx.msk [tilespmem:v11+s22+$0x0], $0xffff  }
0x354: {  	v10 =	vld.idx.msk [tilespmem:v11+s23+$0x0], $0xffff;
	v11 =	vor.u32 v30, v2  }
0x355: {  	v3 =	vadd.f32 v19, v3;
	v19 =	vmul.f32 v12, v7;
	v7 =	vld.idx.msk [tilespmem:v13+s22+$0x0], $0xffff  }
0x356: {  	v12 =	vld.idx.msk [tilespmem:v13+s23+$0x0], $0xffff;
	v13 =	vor.u32 v42, v2  }
0x357: {  	v3 =	vadd.f32 v19, v3;
	v19 =	vmul.f32 v8, v6;
	v6 =	vld.idx.msk [tilespmem:v9+s22+$0x0], $0xffff  }
0x358: {  	v8 =	vld.idx.msk [tilespmem:v9+s23+$0x0], $0xffff;
	v9 =	vor.u32 v24, v2  }
0x359: {  	v3 =	vadd.f32 v19, v3;
	v19 =	vmul.f32 v10, v5;
	v5 =	vld.idx.msk [tilespmem:v11+s22+$0x0], $0xffff  }
0x35a: {  	v10 =	vld.idx.msk [tilespmem:v11+s23+$0x0], $0xffff;
	v11 =	vor.u32 v25, v2  }
0x35b: {  	v3 =	vadd.f32 v19, v3;
	v19 =	vmul.f32 v12, v7;
	v7 =	vld.idx.msk [tilespmem:v13+s22+$0x0], $0xffff  }
0x35c: {  	v12 =	vld.idx.msk [tilespmem:v13+s23+$0x0], $0xffff;
	v13 =	vor.u32 v26, v2  }
0x35d: {  	v3 =	vadd.f32 v19, v3;
	v19 =	vmul.f32 v8, v6;
	v6 =	vld.idx.msk [tilespmem:v9+s22+$0x0], $0xffff  }
0x35e: {  	v8 =	vld.idx.msk [tilespmem:v9+s23+$0x0], $0xffff;
	v9 =	vor.u32 v27, v2  }
0x35f: {  	v3 =	vadd.f32 v19, v3;
	v19 =	vmul.f32 v10, v5;
	v5 =	vld.idx.msk [tilespmem:v11+s22+$0x0], $0xffff  }
0x360: {  	v10 =	vld.idx.msk [tilespmem:v11+s23+$0x0], $0xffff;
	v11 =	vor.u32 v28, v2  }
0x361: {  	v3 =	vadd.f32 v19, v3;
	v19 =	vmul.f32 v12, v7;
	v7 =	vld.idx.msk [tilespmem:v13+s22+$0x0], $0xffff  }
0x362: {  	v12 =	vld.idx.msk [tilespmem:v13+s23+$0x0], $0xffff;
	v13 =	vor.u32 v29, v2  }
0x363: {  	v3 =	vadd.f32 v19, v3;
	v19 =	vmul.f32 v8, v6;
	v6 =	vld.idx.msk [tilespmem:v9+s22+$0x0], $0xffff  }
0x364: {  	v8 =	vld.idx.msk [tilespmem:v9+s23+$0x0], $0xffff;
	v9 =	vor.u32 v39, v2  }
0x365: {  	[tilespmem:$0x1F800] =	vst v21;
	v21 =	vmov v39;
	v39 =	vmul.f32 v10, v5;
	v5 =	vld.idx.msk [tilespmem:v11+s22+$0x0], $0xffff  }
0x366: {  	v10 =	vld.idx.msk [tilespmem:v11+s23+$0x0], $0xffff;
	v11 =	vor.u32 v31, v2  }
0x367: {  	v3 =	vadd.f32 v19, v3;
	v19 =	vmul.f32 v12, v7;
	v7 =	vld.idx.msk [tilespmem:v13+s22+$0x0], $0xffff  }
0x368: {  	v12 =	vld.idx.msk [tilespmem:v13+s23+$0x0], $0xffff;
	v13 =	vor.u32 v32, v2  }
0x369: {  	v3 =	vadd.f32 v39, v3;
	v39 =	vmul.f32 v8, v6;
	v6 =	vld.idx.msk [tilespmem:v9+s22+$0x0], $0xffff  }
0x36a: {  	v8 =	vld.idx.msk [tilespmem:v9+s23+$0x0], $0xffff;
	v9 =	vor.u32 v33, v2  }
0x36b: {  	v32 =	vmov v33;
	v3 =	vadd.f32 v19, v3;
	v33 =	vld.idx.msk [tilespmem:v11+s22+$0x0], $0xffff  }
0x36c: {  	v19 =	vmul.f32 v10, v5;
	v10 =	vld.idx.msk [tilespmem:v11+s23+$0x0], $0xffff;
	v11 =	vor.u32 v34, v2  }
0x36d: {  	v3 =	vadd.f32 v39, v3;
	v34 =	vmul.f32 v12, v7;
	v7 =	vld.idx.msk [tilespmem:v13+s22+$0x0], $0xffff  }
0x36e: {  	v12 =	vld.idx.msk [tilespmem:v13+s23+$0x0], $0xffff;
	v13 =	vor.u32 v35, v2  }
0x36f: {  	v3 =	vadd.f32 v19, v3;
	v19 =	vld.idx.msk [tilespmem:v9+s22+$0x0], $0xffff  }
0x370: {  	v39 =	vmov v35;
	v35 =	vmul.f32 v8, v6;
	v8 =	vld.idx.msk [tilespmem:v9+s23+$0x0], $0xffff;
	v9 =	vor.u32 v36, v2  }
0x371: {  	v33 =	vmul.f32 v10, v33;
	v10 =	vld.idx.msk [tilespmem:v11+s23+$0x0], $0xffff;
	v3 =	vadd.f32 v34, v3  }
0x372: {  	v34 =	vld.idx.msk [tilespmem:v11+s22+$0x0], $0xffff;
	v11 =	vor.u32 v37, v2  }
0x373: {  	v3 =	vadd.f32 v35, v3;
	v35 =	vmul.f32 v12, v7;
	v7 =	vld.idx.msk [tilespmem:v13+s22+$0x0], $0xffff  }
0x374: {  	v12 =	vld.idx.msk [tilespmem:v13+s23+$0x0], $0xffff;
	v13 =	vor.u32 v38, v2  }
0x375: {  	v19 =	vmul.f32 v8, v19;
	v8 =	vld.idx.msk [tilespmem:v9+s23+$0x0], $0xffff  }
0x376: {  	v3 =	vadd.f32 v33, v3;
	v33 =	vld.idx.msk [tilespmem:v9+s22+$0x0], $0xffff  }
0x377: {  	v34 =	vmul.f32 v10, v34;
	v10 =	vld.idx.msk [tilespmem:v11+s23+$0x0], $0xffff  }
0x378: {  	v9 =	vor.u32 v17, v2;
	v3 =	vadd.f32 v35, v3;
	v35 =	vld.idx.msk [tilespmem:v11+s22+$0x0], $0xffff  }
0x379: {  	v17 =	vld.idx.msk [tilespmem:v13+s22+$0x0], $0xffff  }
0x37a: {  	v11 =	vor.u32 v40, v2;
	v40 =	vmul.f32 v12, v7;
	v12 =	vld.idx.msk [tilespmem:v13+s23+$0x0], $0xffff;
	v13 =	vor.u32 v56, v2  }
0x37b: {  	v3 =	vadd.f32 v19, v3;
	_ =	sdelay $0x1  }
0x37c: {  	v19 =	vmul.f32 v8, v33;
	v33 =	vld.idx.msk [tilespmem:v9+s22+$0x0], $0xffff;
	v3 =	vadd.f32 v34, v3  }
0x37d: {  	v8 =	vld.idx.msk [tilespmem:v9+s23+$0x0], $0xffff;
	v9 =	vor.u32 v57, v2  }
0x37e: {  	v3 =	vadd.f32 v40, v3;
	v40 =	vmul.f32 v12, v17;
	v17 =	vld.idx.msk [tilespmem:v13+s22+$0x0], $0xffff  }
0x37f: {  	v12 =	vld.idx.msk [tilespmem:v13+s23+$0x0], $0xffff;
	v13 =	vor.u32 v22, v2  }
0x380: {  	v34 =	vmul.f32 v10, v35;
	v35 =	vld.idx.msk [tilespmem:v11+s22+$0x0], $0xffff  }
0x381: {  	v10 =	vld.idx.msk [tilespmem:v11+s23+$0x0], $0xffff;
	v11 =	vor.u32 v20, v2;
	v3 =	vadd.f32 v19, v3  }
0x382: {  	v19 =	vmul.f32 v8, v33;
	v33 =	vld.idx.msk [tilespmem:v9+s22+$0x0], $0xffff  }
0x383: {  	v8 =	vld.idx.msk [tilespmem:v9+s23+$0x0], $0xffff;
	v9 =	vor.u32 v16, v2;
	v3 =	vadd.f32 v34, v3  }
0x384: {  	v16 =	vld.idx.msk [tilespmem:v13+s22+$0x0], $0xffff  }
0x385: {  	v3 =	vadd.f32 v40, v3;
	v40 =	vmul.f32 v12, v17;
	v12 =	vld.idx.msk [tilespmem:v13+s23+$0x0], $0xffff;
	v13 =	vor.u32 v46, v2  }
0x386: {  	v34 =	vmul.f32 v10, v35;
	v35 =	vld.idx.msk [tilespmem:v11+s22+$0x0], $0xffff  }
0x387: {  	v10 =	vld.idx.msk [tilespmem:v11+s23+$0x0], $0xffff;
	v11 =	vor.u32 v15, v2  }
0x388: {  	v17 =	vmul.f32 v8, v33;
	v8 =	vld.idx.msk [tilespmem:v9+s23+$0x0], $0xffff  }
0x389: {  	v3 =	vadd.f32 v19, v3;
	v19 =	vld.idx.msk [tilespmem:v9+s22+$0x0], $0xffff;
	v9 =	vor.u32 v48, v2  }
0x38a: {  	v48 =	vld.idx.msk [tilespmem:v13+s22+$0x0], $0xffff  }
0x38b: {  	v3 =	vadd.f32 v34, v3;
	v46 =	vmul.f32 v12, v16;
	v12 =	vld.idx.msk [tilespmem:v13+s23+$0x0], $0xffff;
	v13 =	vor.u32 v50, v2  }
0x38c: {  	v35 =	vmul.f32 v10, v35;
	v10 =	vld.idx.msk [tilespmem:v11+s23+$0x0], $0xffff  }
0x38d: {  	v3 =	vadd.f32 v40, v3;
	v40 =	vld.idx.msk [tilespmem:v11+s22+$0x0], $0xffff;
	v11 =	vor.u32 v49, v2  }
0x38e: {  	v34 =	vmov v50;
	v50 =	vld.idx.msk [tilespmem:v9+s22+$0x0], $0xffff  }
0x38f: {  	v49 =	vmul.f32 v8, v19;
	v8 =	vld.idx.msk [tilespmem:v9+s23+$0x0], $0xffff;
	v9 =	vor.u32 v63, v2  }
0x390: {  	v33 =	vld.idx.msk [tilespmem:v13+s22+$0x0], $0xffff  }
0x391: {  	v3 =	vadd.f32 v17, v3;
	v19 =	vmul.f32 v12, v48;
	v12 =	vld.idx.msk [tilespmem:v13+s23+$0x0], $0xffff;
	v13 =	vor.u32 v58, v2  }
0x392: {  	v17 =	vld.idx.msk [tilespmem:v11+s22+$0x0], $0xffff  }
0x393: {  	v3 =	vadd.f32 v35, v3;
	v16 =	vmul.f32 v10, v40;
	v10 =	vld.idx.msk [tilespmem:v11+s23+$0x0], $0xffff;
	v11 =	vor.u32 v23, v2  }
0x394: {  	v40 =	vld.idx.msk [tilespmem:v9+s22+$0x0], $0xffff  }
0x395: {  	v3 =	vadd.f32 v46, v3;
	v35 =	vmul.f32 v8, v50;
	v8 =	vld.idx.msk [tilespmem:v9+s23+$0x0], $0xffff;
	v9 =	vor.u32 v59, v2  }
0x396: {  	v50 =	vld.idx.msk [tilespmem:v13+s22+$0x0], $0xffff  }
0x397: {  	v3 =	vadd.f32 v49, v3;
	v49 =	vmul.f32 v12, v33;
	v12 =	vld.idx.msk [tilespmem:v13+s23+$0x0], $0xffff;
	v13 =	vor.u32 v61, v2  }
0x398: {  	v48 =	vld.idx.msk [tilespmem:v11+s22+$0x0], $0xffff  }
0x399: {  	v46 =	vmul.f32 v10, v17;
	v10 =	vld.idx.msk [tilespmem:v11+s23+$0x0], $0xffff  }
0x39a: {  	v3 =	vadd.f32 v16, v3;
	v11 =	vor.u32 v60, v2;
	v61 =	vld.idx.msk [tilespmem:v9+s22+$0x0], $0xffff  }
0x39b: {  	v60 =	vmul.f32 v8, v40;
	v8 =	vld.idx.msk [tilespmem:v9+s23+$0x0], $0xffff  }
0x39c: {  	v9 =	vor.u32 v62, v2;
	v3 =	vadd.f32 v19, v3;
	v17 =	vld.idx.msk [tilespmem:v13+s22+$0x0], $0xffff  }
0x39d: {  	v16 =	vmul.f32 v12, v50;
	v12 =	vld.idx.msk [tilespmem:v13+s23+$0x0], $0xffff  }
0x39e: {  	v3 =	vadd.f32 v35, v3;
	v13 =	vld [tilespmem:$0x1FD60]  }
0x39f: {  	v63 =	vld.idx.msk [tilespmem:v11+s22+$0x0], $0xffff  }
0x3a0: {  	v3 =	vadd.f32 v46, v3;
	v46 =	vmov v62;
	v62 =	vmul.f32 v10, v48;
	v10 =	vld.idx.msk [tilespmem:v11+s23+$0x0], $0xffff  }
0x3a1: {  	v11 =	vor.u32 v51, v2;
	v33 =	vld.idx.msk [tilespmem:v9+s22+$0x0], $0xffff  }
0x3a2: {  	v19 =	vmul.f32 v8, v61;
	v8 =	vld.idx.msk [tilespmem:v9+s23+$0x0], $0xffff  }
0x3a3: {  	v9 =	vld [tilespmem:$0x1FE80]  }
0x3a4: {  	v13 =	vor.u32 v13, v2;
	_ =	sdelay $0x1  }
0x3a5: {  	v40 =	vld.idx.msk [tilespmem:v11+s22+$0x0], $0xffff  }
0x3a6: {  	v35 =	vmul.f32 v10, v63;
	v10 =	vld.idx.msk [tilespmem:v11+s23+$0x0], $0xffff  }
0x3a7: {  	v9 =	vor.u32 v9, v2;
	v11 =	vld [tilespmem:$0x1FE90]  }
0x3a8: {  	v3 =	vadd.f32 v49, v3;
	v49 =	vld.idx.msk [tilespmem:v13+s22+$0x0], $0xffff  }
0x3a9: {  	v48 =	vmul.f32 v12, v17;
	v12 =	vld.idx.msk [tilespmem:v13+s23+$0x0], $0xffff  }
0x3aa: {  	v13 =	vld [tilespmem:$0x1FDD0];
	_ =	sdelay $0x1  }
0x3ab: {  	v59 =	vmov v51;
	v11 =	vor.u32 v11, v2;
	v51 =	vld.idx.msk [tilespmem:v9+s22+$0x0], $0xffff  }
0x3ac: {  	v50 =	vmul.f32 v8, v33;
	v8 =	vld.idx.msk [tilespmem:v9+s23+$0x0], $0xffff  }
0x3ad: {  	v9 =	vld [tilespmem:$0x1FDE0]  }
0x3ae: {  	v13 =	vor.u32 v13, v2;
	_ =	sdelay $0x1  }
0x3af: {  	v3 =	vadd.f32 v60, v3;
	v60 =	vld.idx.msk [tilespmem:v11+s22+$0x0], $0xffff  }
0x3b0: {  	v58 =	vmul.f32 v10, v40;
	v10 =	vld.idx.msk [tilespmem:v11+s23+$0x0], $0xffff  }
0x3b1: {  	v9 =	vor.u32 v9, v2;
	v11 =	vld [tilespmem:$0x1FDF0]  }
0x3b2: {  	v3 =	vadd.f32 v62, v3;
	v62 =	vld.idx.msk [tilespmem:v13+s22+$0x0], $0xffff  }
0x3b3: {  	v61 =	vmul.f32 v12, v49;
	v12 =	vld.idx.msk [tilespmem:v13+s23+$0x0], $0xffff  }
0x3b4: {  	v13 =	vld [tilespmem:$0x1FE00];
	_ =	sdelay $0x1  }
0x3b5: {  	v3 =	vadd.f32 v16, v3;
	v11 =	vor.u32 v11, v2;
	v16 =	vld.idx.msk [tilespmem:v9+s22+$0x0], $0xffff  }
0x3b6: {  	v63 =	vmul.f32 v8, v51;
	v8 =	vld.idx.msk [tilespmem:v9+s23+$0x0], $0xffff  }
0x3b7: {  	v9 =	vld [tilespmem:$0x1FE10]  }
0x3b8: {  	v13 =	vor.u32 v13, v2;
	_ =	sdelay $0x1  }
0x3b9: {  	v3 =	vadd.f32 v19, v3;
	v19 =	vld.idx.msk [tilespmem:v11+s22+$0x0], $0xffff  }
0x3ba: {  	v17 =	vmul.f32 v10, v60;
	v10 =	vld.idx.msk [tilespmem:v11+s23+$0x0], $0xffff  }
0x3bb: {  	v9 =	vor.u32 v9, v2;
	v11 =	vld [tilespmem:$0x1FE20]  }
0x3bc: {  	v3 =	vadd.f32 v35, v3;
	v35 =	vld.idx.msk [tilespmem:v13+s22+$0x0], $0xffff  }
0x3bd: {  	v33 =	vmul.f32 v12, v62;
	v12 =	vld.idx.msk [tilespmem:v13+s23+$0x0], $0xffff  }
0x3be: {  	v13 =	vld [tilespmem:$0x1FE30];
	_ =	sdelay $0x1  }
0x3bf: {  	v3 =	vadd.f32 v48, v3;
	v11 =	vor.u32 v11, v2;
	v48 =	vld.idx.msk [tilespmem:v9+s22+$0x0], $0xffff  }
0x3c0: {  	v40 =	vmul.f32 v8, v16;
	v8 =	vld.idx.msk [tilespmem:v9+s23+$0x0], $0xffff  }
0x3c1: {  	v9 =	vld [tilespmem:$0x1FE40]  }
0x3c2: {  	v13 =	vor.u32 v13, v2  }
0x3c3: {  	v20 =	vld [tilespmem:$0x1FE60]  }
0x3c4: {  	v3 =	vadd.f32 v50, v3;
	v50 =	vld.idx.msk [tilespmem:v11+s22+$0x0], $0xffff  }
0x3c5: {  	v49 =	vmul.f32 v10, v19;
	v10 =	vld.idx.msk [tilespmem:v11+s23+$0x0], $0xffff  }
0x3c6: {  	v9 =	vor.u32 v9, v2;
	v11 =	vld [tilespmem:$0x1FE50]  }
0x3c7: {  	v3 =	vadd.f32 v58, v3;
	v58 =	vld.idx.msk [tilespmem:v13+s22+$0x0], $0xffff  }
0x3c8: {  	v51 =	vmul.f32 v12, v35;
	v12 =	vld.idx.msk [tilespmem:v13+s23+$0x0], $0xffff;
	v13 =	vor.u32 v20, v2  }
0x3c9: {  	v62 =	vld [tilespmem:$0x1FE70]  }
0x3ca: {  	v3 =	vadd.f32 v61, v3  }
0x3cb: {  	v11 =	vor.u32 v11, v2;
	v61 =	vld.idx.msk [tilespmem:v9+s22+$0x0], $0xffff  }
0x3cc: {  	v3 =	vadd.f32 v63, v3;
	v60 =	vmul.f32 v8, v48;
	v8 =	vld.idx.msk [tilespmem:v9+s23+$0x0], $0xffff  }
0x3cd: {  	v19 =	vld.idx.msk [tilespmem:v13+s22+$0x0], $0xffff  }
0x3ce: {  	v3 =	vadd.f32 v17, v3;
	v9 =	vor.u32 v62, v2;
	v17 =	vmul.f32 v12, v58;
	v12 =	vld.idx.msk [tilespmem:v13+s23+$0x0], $0xffff  }
0x3cf: {  	v13 =	vld [tilespmem:$0x1F810]  }
0x3d0: {  	v16 =	vld.idx.msk [tilespmem:v11+s22+$0x0], $0xffff  }
0x3d1: {  	v63 =	vmul.f32 v10, v50;
	v10 =	vld.idx.msk [tilespmem:v11+s23+$0x0], $0xffff  }
0x3d2: {  	v11 =	vld [tilespmem:$0x1FD70]  }
0x3d3: {  	v35 =	vld.idx.msk [tilespmem:v9+s22+$0x0], $0xffff  }
0x3d4: {  	v3 =	vadd.f32 v33, v3;
	v33 =	vmul.f32 v8, v61;
	v8 =	vld.idx.msk [tilespmem:v9+s23+$0x0], $0xffff;
	v13 =	vor.u32 v13, v2  }
0x3d5: {  	v9 =	vld [tilespmem:$0x1F820];
	_ =	sdelay $0x1  }
0x3d6: {  	v11 =	vor.u32 v11, v2  }
0x3d7: {  	v3 =	vadd.f32 v40, v3  }
0x3d8: {  	v50 =	vld.idx.msk [tilespmem:v13+s22+$0x0], $0xffff  }
0x3d9: {  	v3 =	vadd.f32 v49, v3;
	v49 =	vmul.f32 v12, v19;
	v9 =	vor.u32 v9, v2;
	v12 =	vld.idx.msk [tilespmem:v13+s23+$0x0], $0xffff  }
0x3da: {  	v13 =	vld [tilespmem:$0x1F840]  }
0x3db: {  	v48 =	vld.idx.msk [tilespmem:v11+s22+$0x0], $0xffff  }
0x3dc: {  	v40 =	vmul.f32 v10, v16;
	v10 =	vld.idx.msk [tilespmem:v11+s23+$0x0], $0xffff  }
0x3dd: {  	v11 =	vld [tilespmem:$0x1F830]  }
0x3de: {  	v58 =	vld.idx.msk [tilespmem:v9+s22+$0x0], $0xffff  }
0x3df: {  	v3 =	vadd.f32 v51, v3;
	v51 =	vmul.f32 v8, v35;
	v8 =	vld.idx.msk [tilespmem:v9+s23+$0x0], $0xffff;
	v13 =	vor.u32 v13, v2  }
0x3e0: {  	v9 =	vld [tilespmem:$0x1F850];
	_ =	sdelay $0x1  }
0x3e1: {  	v3 =	vadd.f32 v60, v3;
	v11 =	vor.u32 v11, v2;
	_ =	sdelay $0x1  }
0x3e2: {  	v3 =	vadd.f32 v63, v3;
	v63 =	vld.idx.msk [tilespmem:v13+s22+$0x0], $0xffff  }
0x3e3: {  	v62 =	vmul.f32 v12, v50;
	v9 =	vor.u32 v9, v2;
	v12 =	vld.idx.msk [tilespmem:v13+s23+$0x0], $0xffff  }
0x3e4: {  	v13 =	vld [tilespmem:$0x1F870]  }
0x3e5: {  	v61 =	vld.idx.msk [tilespmem:v11+s22+$0x0], $0xffff  }
0x3e6: {  	v60 =	vmul.f32 v10, v48;
	v10 =	vld.idx.msk [tilespmem:v11+s23+$0x0], $0xffff  }
0x3e7: {  	v11 =	vld [tilespmem:$0x1F860]  }
0x3e8: {  	v3 =	vadd.f32 v17, v3;
	v17 =	vld.idx.msk [tilespmem:v9+s22+$0x0], $0xffff  }
0x3e9: {  	v16 =	vmul.f32 v8, v58;
	v8 =	vld.idx.msk [tilespmem:v9+s23+$0x0], $0xffff;
	v13 =	vor.u32 v13, v2  }
0x3ea: {  	v9 =	vld [tilespmem:$0x1F880];
	_ =	sdelay $0x1  }
0x3eb: {  	v3 =	vadd.f32 v33, v3;
	v11 =	vor.u32 v11, v2;
	_ =	sdelay $0x1  }
0x3ec: {  	v3 =	vadd.f32 v40, v3;
	v40 =	vld.idx.msk [tilespmem:v13+s22+$0x0], $0xffff  }
0x3ed: {  	v35 =	vmul.f32 v12, v63;
	v9 =	vor.u32 v9, v2;
	v12 =	vld.idx.msk [tilespmem:v13+s23+$0x0], $0xffff  }
0x3ee: {  	v13 =	vld [tilespmem:$0x1F8A0]  }
0x3ef: {  	v33 =	vld.idx.msk [tilespmem:v11+s22+$0x0], $0xffff  }
0x3f0: {  	v19 =	vmul.f32 v10, v61;
	v10 =	vld.idx.msk [tilespmem:v11+s23+$0x0], $0xffff  }
0x3f1: {  	v11 =	vld [tilespmem:$0x1F890]  }
0x3f2: {  	v3 =	vadd.f32 v49, v3;
	v49 =	vld.idx.msk [tilespmem:v9+s22+$0x0], $0xffff  }
0x3f3: {  	v48 =	vmul.f32 v8, v17;
	v8 =	vld.idx.msk [tilespmem:v9+s23+$0x0], $0xffff;
	v13 =	vor.u32 v13, v2  }
0x3f4: {  	v9 =	vld [tilespmem:$0x1F8B0];
	_ =	sdelay $0x1  }
0x3f5: {  	v3 =	vadd.f32 v51, v3;
	v11 =	vor.u32 v11, v2;
	_ =	sdelay $0x1  }
0x3f6: {  	v3 =	vadd.f32 v60, v3;
	v60 =	vld.idx.msk [tilespmem:v13+s22+$0x0], $0xffff  }
0x3f7: {  	v58 =	vmul.f32 v12, v40;
	v9 =	vor.u32 v9, v2;
	v12 =	vld.idx.msk [tilespmem:v13+s23+$0x0], $0xffff  }
0x3f8: {  	v13 =	vld [tilespmem:$0x1F8D0]  }
0x3f9: {  	v51 =	vld.idx.msk [tilespmem:v11+s22+$0x0], $0xffff  }
0x3fa: {  	v50 =	vmul.f32 v10, v33;
	v10 =	vld.idx.msk [tilespmem:v11+s23+$0x0], $0xffff  }
0x3fb: {  	v11 =	vld [tilespmem:$0x1F8C0]  }
0x3fc: {  	v3 =	vadd.f32 v62, v3;
	v62 =	vld.idx.msk [tilespmem:v9+s22+$0x0], $0xffff  }
0x3fd: {  	v61 =	vmul.f32 v8, v49;
	v8 =	vld.idx.msk [tilespmem:v9+s23+$0x0], $0xffff;
	v13 =	vor.u32 v13, v2  }
0x3fe: {  	v9 =	vld [tilespmem:$0x1F8E0];
	_ =	sdelay $0x1  }
0x3ff: {  	v3 =	vadd.f32 v16, v3;
	v11 =	vor.u32 v11, v2;
	_ =	sdelay $0x1  }
0x400: {  	v3 =	vadd.f32 v19, v3;
	v19 =	vld.idx.msk [tilespmem:v13+s22+$0x0], $0xffff  }
0x401: {  	v17 =	vmul.f32 v12, v60;
	v9 =	vor.u32 v9, v2;
	v12 =	vld.idx.msk [tilespmem:v13+s23+$0x0], $0xffff  }
0x402: {  	v13 =	vld [tilespmem:$0x1F900]  }
0x403: {  	v16 =	vld.idx.msk [tilespmem:v11+s22+$0x0], $0xffff  }
0x404: {  	v63 =	vmul.f32 v10, v51;
	v10 =	vld.idx.msk [tilespmem:v11+s23+$0x0], $0xffff  }
0x405: {  	v11 =	vld [tilespmem:$0x1F8F0]  }
0x406: {  	v3 =	vadd.f32 v35, v3;
	v35 =	vld.idx.msk [tilespmem:v9+s22+$0x0], $0xffff  }
0x407: {  	v33 =	vmul.f32 v8, v62;
	v8 =	vld.idx.msk [tilespmem:v9+s23+$0x0], $0xffff;
	v13 =	vor.u32 v13, v2  }
0x408: {  	v9 =	vld [tilespmem:$0x1F910];
	_ =	sdelay $0x1  }
0x409: {  	v3 =	vadd.f32 v48, v3;
	v11 =	vor.u32 v11, v2;
	_ =	sdelay $0x1  }
0x40a: {  	v3 =	vadd.f32 v50, v3;
	v50 =	vld.idx.msk [tilespmem:v13+s22+$0x0], $0xffff  }
0x40b: {  	v49 =	vmul.f32 v12, v19;
	v9 =	vor.u32 v9, v2;
	v12 =	vld.idx.msk [tilespmem:v13+s23+$0x0], $0xffff  }
0x40c: {  	v13 =	vld [tilespmem:$0x1F930]  }
0x40d: {  	v48 =	vld.idx.msk [tilespmem:v11+s22+$0x0], $0xffff  }
0x40e: {  	v40 =	vmul.f32 v10, v16;
	v10 =	vld.idx.msk [tilespmem:v11+s23+$0x0], $0xffff  }
0x40f: {  	v11 =	vld [tilespmem:$0x1F920]  }
0x410: {  	v3 =	vadd.f32 v58, v3;
	v58 =	vld.idx.msk [tilespmem:v9+s22+$0x0], $0xffff  }
0x411: {  	v51 =	vmul.f32 v8, v35;
	v8 =	vld.idx.msk [tilespmem:v9+s23+$0x0], $0xffff;
	v13 =	vor.u32 v13, v2  }
0x412: {  	v9 =	vld [tilespmem:$0x1F940];
	_ =	sdelay $0x1  }
0x413: {  	v3 =	vadd.f32 v61, v3;
	v11 =	vor.u32 v11, v2;
	_ =	sdelay $0x1  }
0x414: {  	v3 =	vadd.f32 v63, v3;
	v63 =	vld.idx.msk [tilespmem:v13+s22+$0x0], $0xffff  }
0x415: {  	v62 =	vmul.f32 v12, v50;
	v9 =	vor.u32 v9, v2;
	v12 =	vld.idx.msk [tilespmem:v13+s23+$0x0], $0xffff  }
0x416: {  	v13 =	vld [tilespmem:$0x1F960]  }
0x417: {  	v61 =	vld.idx.msk [tilespmem:v11+s22+$0x0], $0xffff  }
0x418: {  	v60 =	vmul.f32 v10, v48;
	v10 =	vld.idx.msk [tilespmem:v11+s23+$0x0], $0xffff  }
0x419: {  	v11 =	vld [tilespmem:$0x1F950]  }
0x41a: {  	v3 =	vadd.f32 v17, v3;
	v17 =	vld.idx.msk [tilespmem:v9+s22+$0x0], $0xffff  }
0x41b: {  	v16 =	vmul.f32 v8, v58;
	v8 =	vld.idx.msk [tilespmem:v9+s23+$0x0], $0xffff;
	v13 =	vor.u32 v13, v2  }
0x41c: {  	v9 =	vld [tilespmem:$0x1F970];
	_ =	sdelay $0x1  }
0x41d: {  	v3 =	vadd.f32 v33, v3;
	v11 =	vor.u32 v11, v2;
	_ =	sdelay $0x1  }
0x41e: {  	v3 =	vadd.f32 v40, v3;
	v40 =	vld.idx.msk [tilespmem:v13+s22+$0x0], $0xffff  }
0x41f: {  	v35 =	vmul.f32 v12, v63;
	v9 =	vor.u32 v9, v2;
	v12 =	vld.idx.msk [tilespmem:v13+s23+$0x0], $0xffff  }
0x420: {  	v13 =	vld [tilespmem:$0x1F990]  }
0x421: {  	v33 =	vld.idx.msk [tilespmem:v11+s22+$0x0], $0xffff  }
0x422: {  	v19 =	vmul.f32 v10, v61;
	v10 =	vld.idx.msk [tilespmem:v11+s23+$0x0], $0xffff  }
0x423: {  	v11 =	vld [tilespmem:$0x1F980]  }
0x424: {  	v3 =	vadd.f32 v49, v3;
	v49 =	vld.idx.msk [tilespmem:v9+s22+$0x0], $0xffff  }
0x425: {  	v48 =	vmul.f32 v8, v17;
	v8 =	vld.idx.msk [tilespmem:v9+s23+$0x0], $0xffff;
	v13 =	vor.u32 v13, v2  }
0x426: {  	v9 =	vld [tilespmem:$0x1F9A0];
	_ =	sdelay $0x1  }
0x427: {  	v3 =	vadd.f32 v51, v3;
	v11 =	vor.u32 v11, v2;
	_ =	sdelay $0x1  }
0x428: {  	v3 =	vadd.f32 v60, v3;
	v60 =	vld.idx.msk [tilespmem:v13+s22+$0x0], $0xffff  }
0x429: {  	v58 =	vmul.f32 v12, v40;
	v9 =	vor.u32 v9, v2;
	v12 =	vld.idx.msk [tilespmem:v13+s23+$0x0], $0xffff  }
0x42a: {  	v13 =	vld [tilespmem:$0x1F9C0]  }
0x42b: {  	v51 =	vld.idx.msk [tilespmem:v11+s22+$0x0], $0xffff  }
0x42c: {  	v50 =	vmul.f32 v10, v33;
	v10 =	vld.idx.msk [tilespmem:v11+s23+$0x0], $0xffff  }
0x42d: {  	v11 =	vld [tilespmem:$0x1F9B0]  }
0x42e: {  	v3 =	vadd.f32 v62, v3;
	v62 =	vld.idx.msk [tilespmem:v9+s22+$0x0], $0xffff  }
0x42f: {  	v61 =	vmul.f32 v8, v49;
	v8 =	vld.idx.msk [tilespmem:v9+s23+$0x0], $0xffff;
	v13 =	vor.u32 v13, v2  }
0x430: {  	v9 =	vld [tilespmem:$0x1F9D0];
	_ =	sdelay $0x1  }
0x431: {  	v3 =	vadd.f32 v16, v3;
	v11 =	vor.u32 v11, v2;
	_ =	sdelay $0x1  }
0x432: {  	v3 =	vadd.f32 v19, v3;
	v19 =	vld.idx.msk [tilespmem:v13+s22+$0x0], $0xffff  }
0x433: {  	v17 =	vmul.f32 v12, v60;
	v9 =	vor.u32 v9, v2;
	v12 =	vld.idx.msk [tilespmem:v13+s23+$0x0], $0xffff  }
0x434: {  	v13 =	vld [tilespmem:$0x1F9F0]  }
0x435: {  	v16 =	vld.idx.msk [tilespmem:v11+s22+$0x0], $0xffff  }
0x436: {  	v63 =	vmul.f32 v10, v51;
	v10 =	vld.idx.msk [tilespmem:v11+s23+$0x0], $0xffff  }
0x437: {  	v11 =	vld [tilespmem:$0x1F9E0]  }
0x438: {  	v3 =	vadd.f32 v35, v3;
	v35 =	vld.idx.msk [tilespmem:v9+s22+$0x0], $0xffff  }
0x439: {  	v33 =	vmul.f32 v8, v62;
	v8 =	vld.idx.msk [tilespmem:v9+s23+$0x0], $0xffff;
	v13 =	vor.u32 v13, v2  }
0x43a: {  	v9 =	vld [tilespmem:$0x1FA00];
	_ =	sdelay $0x1  }
0x43b: {  	v3 =	vadd.f32 v48, v3;
	v11 =	vor.u32 v11, v2;
	_ =	sdelay $0x1  }
0x43c: {  	v3 =	vadd.f32 v50, v3;
	v50 =	vld.idx.msk [tilespmem:v13+s22+$0x0], $0xffff  }
0x43d: {  	v49 =	vmul.f32 v12, v19;
	v9 =	vor.u32 v9, v2;
	v12 =	vld.idx.msk [tilespmem:v13+s23+$0x0], $0xffff  }
0x43e: {  	v13 =	vld [tilespmem:$0x1FA20]  }
0x43f: {  	v48 =	vld.idx.msk [tilespmem:v11+s22+$0x0], $0xffff  }
0x440: {  	v40 =	vmul.f32 v10, v16;
	v10 =	vld.idx.msk [tilespmem:v11+s23+$0x0], $0xffff  }
0x441: {  	v11 =	vld [tilespmem:$0x1FA10]  }
0x442: {  	v3 =	vadd.f32 v58, v3;
	v58 =	vld.idx.msk [tilespmem:v9+s22+$0x0], $0xffff  }
0x443: {  	v51 =	vmul.f32 v8, v35;
	v8 =	vld.idx.msk [tilespmem:v9+s23+$0x0], $0xffff;
	v13 =	vor.u32 v13, v2  }
0x444: {  	v9 =	vld [tilespmem:$0x1FA30];
	_ =	sdelay $0x1  }
0x445: {  	v3 =	vadd.f32 v61, v3;
	v11 =	vor.u32 v11, v2;
	_ =	sdelay $0x1  }
0x446: {  	v3 =	vadd.f32 v63, v3;
	v63 =	vld.idx.msk [tilespmem:v13+s22+$0x0], $0xffff  }
0x447: {  	v62 =	vmul.f32 v12, v50;
	v9 =	vor.u32 v9, v2;
	v12 =	vld.idx.msk [tilespmem:v13+s23+$0x0], $0xffff  }
0x448: {  	v13 =	vld [tilespmem:$0x1FA50]  }
0x449: {  	v61 =	vld.idx.msk [tilespmem:v11+s22+$0x0], $0xffff  }
0x44a: {  	v60 =	vmul.f32 v10, v48;
	v10 =	vld.idx.msk [tilespmem:v11+s23+$0x0], $0xffff  }
0x44b: {  	v11 =	vld [tilespmem:$0x1FA40]  }
0x44c: {  	v3 =	vadd.f32 v17, v3;
	v17 =	vld.idx.msk [tilespmem:v9+s22+$0x0], $0xffff  }
0x44d: {  	v16 =	vmul.f32 v8, v58;
	v8 =	vld.idx.msk [tilespmem:v9+s23+$0x0], $0xffff;
	v13 =	vor.u32 v13, v2  }
0x44e: {  	v9 =	vld [tilespmem:$0x1FA60];
	_ =	sdelay $0x1  }
0x44f: {  	v3 =	vadd.f32 v33, v3;
	v11 =	vor.u32 v11, v2;
	_ =	sdelay $0x1  }
0x450: {  	v3 =	vadd.f32 v40, v3;
	v40 =	vld.idx.msk [tilespmem:v13+s22+$0x0], $0xffff  }
0x451: {  	v35 =	vmul.f32 v12, v63;
	v9 =	vor.u32 v9, v2;
	v12 =	vld.idx.msk [tilespmem:v13+s23+$0x0], $0xffff  }
0x452: {  	v13 =	vld [tilespmem:$0x1FA80]  }
0x453: {  	v33 =	vld.idx.msk [tilespmem:v11+s22+$0x0], $0xffff  }
0x454: {  	v19 =	vmul.f32 v10, v61;
	v10 =	vld.idx.msk [tilespmem:v11+s23+$0x0], $0xffff  }
0x455: {  	v11 =	vld [tilespmem:$0x1FA70]  }
0x456: {  	v3 =	vadd.f32 v49, v3;
	v49 =	vld.idx.msk [tilespmem:v9+s22+$0x0], $0xffff  }
0x457: {  	v48 =	vmul.f32 v8, v17;
	v8 =	vld.idx.msk [tilespmem:v9+s23+$0x0], $0xffff;
	v13 =	vor.u32 v13, v2  }
0x458: {  	v9 =	vld [tilespmem:$0x1FA90];
	_ =	sdelay $0x1  }
0x459: {  	v3 =	vadd.f32 v51, v3;
	v11 =	vor.u32 v11, v2;
	_ =	sdelay $0x1  }
0x45a: {  	v3 =	vadd.f32 v60, v3;
	v60 =	vld.idx.msk [tilespmem:v13+s22+$0x0], $0xffff  }
0x45b: {  	v58 =	vmul.f32 v12, v40;
	v9 =	vor.u32 v9, v2;
	v12 =	vld.idx.msk [tilespmem:v13+s23+$0x0], $0xffff  }
0x45c: {  	v13 =	vld [tilespmem:$0x1FAB0]  }
0x45d: {  	v51 =	vld.idx.msk [tilespmem:v11+s22+$0x0], $0xffff  }
0x45e: {  	v50 =	vmul.f32 v10, v33;
	v10 =	vld.idx.msk [tilespmem:v11+s23+$0x0], $0xffff  }
0x45f: {  	v11 =	vld [tilespmem:$0x1FAA0]  }
0x460: {  	v3 =	vadd.f32 v62, v3;
	v62 =	vld.idx.msk [tilespmem:v9+s22+$0x0], $0xffff  }
0x461: {  	v61 =	vmul.f32 v8, v49;
	v8 =	vld.idx.msk [tilespmem:v9+s23+$0x0], $0xffff;
	v13 =	vor.u32 v13, v2  }
0x462: {  	v9 =	vld [tilespmem:$0x1FAC0];
	_ =	sdelay $0x1  }
0x463: {  	v3 =	vadd.f32 v16, v3;
	v11 =	vor.u32 v11, v2;
	_ =	sdelay $0x1  }
0x464: {  	v3 =	vadd.f32 v19, v3;
	v19 =	vld.idx.msk [tilespmem:v13+s22+$0x0], $0xffff  }
0x465: {  	v17 =	vmul.f32 v12, v60;
	v9 =	vor.u32 v9, v2;
	v12 =	vld.idx.msk [tilespmem:v13+s23+$0x0], $0xffff  }
0x466: {  	v13 =	vld [tilespmem:$0x1FAE0]  }
0x467: {  	v16 =	vld.idx.msk [tilespmem:v11+s22+$0x0], $0xffff  }
0x468: {  	v63 =	vmul.f32 v10, v51;
	v10 =	vld.idx.msk [tilespmem:v11+s23+$0x0], $0xffff  }
0x469: {  	v11 =	vld [tilespmem:$0x1FAD0]  }
0x46a: {  	v3 =	vadd.f32 v35, v3;
	v35 =	vld.idx.msk [tilespmem:v9+s22+$0x0], $0xffff  }
0x46b: {  	v33 =	vmul.f32 v8, v62;
	v8 =	vld.idx.msk [tilespmem:v9+s23+$0x0], $0xffff;
	v13 =	vor.u32 v13, v2  }
0x46c: {  	v9 =	vld [tilespmem:$0x1FAF0];
	_ =	sdelay $0x1  }
0x46d: {  	v3 =	vadd.f32 v48, v3;
	v11 =	vor.u32 v11, v2;
	_ =	sdelay $0x1  }
0x46e: {  	v3 =	vadd.f32 v50, v3;
	v50 =	vld.idx.msk [tilespmem:v13+s22+$0x0], $0xffff  }
0x46f: {  	v49 =	vmul.f32 v12, v19;
	v9 =	vor.u32 v9, v2;
	v12 =	vld.idx.msk [tilespmem:v13+s23+$0x0], $0xffff  }
0x470: {  	v13 =	vld [tilespmem:$0x1FB10]  }
0x471: {  	v48 =	vld.idx.msk [tilespmem:v11+s22+$0x0], $0xffff  }
0x472: {  	v40 =	vmul.f32 v10, v16;
	v10 =	vld.idx.msk [tilespmem:v11+s23+$0x0], $0xffff  }
0x473: {  	v11 =	vld [tilespmem:$0x1FB00]  }
0x474: {  	v3 =	vadd.f32 v58, v3;
	v58 =	vld.idx.msk [tilespmem:v9+s22+$0x0], $0xffff  }
0x475: {  	v51 =	vmul.f32 v8, v35;
	v8 =	vld.idx.msk [tilespmem:v9+s23+$0x0], $0xffff;
	v13 =	vor.u32 v13, v2  }
0x476: {  	v9 =	vld [tilespmem:$0x1FB20];
	_ =	sdelay $0x1  }
0x477: {  	v3 =	vadd.f32 v61, v3;
	v11 =	vor.u32 v11, v2;
	_ =	sdelay $0x1  }
0x478: {  	v3 =	vadd.f32 v63, v3;
	v63 =	vld.idx.msk [tilespmem:v13+s22+$0x0], $0xffff  }
0x479: {  	v62 =	vmul.f32 v12, v50;
	v9 =	vor.u32 v9, v2;
	v12 =	vld.idx.msk [tilespmem:v13+s23+$0x0], $0xffff  }
0x47a: {  	v13 =	vld [tilespmem:$0x1FB40]  }
0x47b: {  	v61 =	vld.idx.msk [tilespmem:v11+s22+$0x0], $0xffff  }
0x47c: {  	v60 =	vmul.f32 v10, v48;
	v10 =	vld.idx.msk [tilespmem:v11+s23+$0x0], $0xffff  }
0x47d: {  	v11 =	vld [tilespmem:$0x1FB30]  }
0x47e: {  	v3 =	vadd.f32 v17, v3;
	v17 =	vld.idx.msk [tilespmem:v9+s22+$0x0], $0xffff  }
0x47f: {  	v16 =	vmul.f32 v8, v58;
	v8 =	vld.idx.msk [tilespmem:v9+s23+$0x0], $0xffff  }
0x480: {  	v9 =	vld [tilespmem:$0x1FB50];
	v13 =	vor.u32 v13, v2;
	_ =	sdelay $0x2  }
0x481: {  	v3 =	vadd.f32 v33, v3;
	v11 =	vor.u32 v11, v2  }
0x482: {  	v33 =	vld [tilespmem:$0x1FD80]  }
0x483: {  	v3 =	vadd.f32 v40, v3;
	v9 =	vor.u32 v9, v2;
	v40 =	vld.idx.msk [tilespmem:v13+s22+$0x0], $0xffff  }
0x484: {  	v35 =	vmul.f32 v12, v63;
	v12 =	vld.idx.msk [tilespmem:v13+s23+$0x0], $0xffff  }
0x485: {  	v13 =	vld [tilespmem:$0x1FB60]  }
0x486: {  	v19 =	vld.idx.msk [tilespmem:v11+s22+$0x0], $0xffff  }
0x487: {  	v3 =	vadd.f32 v49, v3;
	v5 =	vmul.f32 v10, v61;
	v10 =	vld.idx.msk [tilespmem:v11+s23+$0x0], $0xffff  }
0x488: {  	v49 =	vld.idx.msk [tilespmem:v9+s22+$0x0], $0xffff  }
0x489: {  	v3 =	vadd.f32 v51, v3;
	v48 =	vmul.f32 v8, v17;
	v11 =	vor.u32 v33, v2;
	v8 =	vld.idx.msk [tilespmem:v9+s23+$0x0], $0xffff  }
0x48a: {  	v9 =	vld [tilespmem:$0x1FB70]  }
0x48b: {  	v3 =	vadd.f32 v60, v3  }
0x48c: {  	v13 =	vor.u32 v13, v2  }
0x48d: {  	v3 =	vadd.f32 v62, v3  }
0x48e: {  	v50 =	vld.idx.msk [tilespmem:v11+s22+$0x0], $0xffff  }
0x48f: {  	v3 =	vadd.f32 v16, v3;
	v9 =	vor.u32 v9, v2;
	v4 =	vmul.f32 v10, v19;
	v10 =	vld.idx.msk [tilespmem:v11+s23+$0x0], $0xffff  }
0x490: {  	v11 =	vld [tilespmem:$0x1FB80]  }
0x491: {  	v3 =	vadd.f32 v5, v3;
	v58 =	vld.idx.msk [tilespmem:v13+s22+$0x0], $0xffff  }
0x492: {  	v51 =	vmul.f32 v12, v40;
	v12 =	vld.idx.msk [tilespmem:v13+s23+$0x0], $0xffff  }
0x493: {  	v3 =	vadd.f32 v35, v3;
	v13 =	vld [tilespmem:$0x1FBA0]  }
0x494: {  	v61 =	vld.idx.msk [tilespmem:v9+s22+$0x0], $0xffff  }
0x495: {  	v3 =	vadd.f32 v48, v3;
	v60 =	vmul.f32 v8, v49;
	v8 =	vld.idx.msk [tilespmem:v9+s23+$0x0], $0xffff  }
0x496: {  	v48 =	vor.u32 v18, v2;
	v9 =	vld [tilespmem:$0x1FBB0]  }
0x497: {  	v3 =	vadd.f32 v4, v3;
	v11 =	vor.u32 v11, v2;
	_ =	sdelay $0x1  }
0x498: {  	v3 =	vadd.f32 v51, v3;
	v13 =	vor.u32 v13, v2  }
0x499: {  	v22 =	vld [tilespmem:$0x1FED0]  }
0x49a: {  	v3 =	vadd.f32 v60, v3;
	v60 =	vld.idx.msk [tilespmem:v48+s22+$0x0], $0xffff;
	v9 =	vor.u32 v9, v2  }
0x49b: {  	v63 =	vld.idx.msk [tilespmem:v11+s22+$0x0], $0xffff  }
0x49c: {  	v62 =	vmul.f32 v10, v50;
	v10 =	vld.idx.msk [tilespmem:v11+s23+$0x0], $0xffff;
	v11 =	vor.u32 v1, v2  }
0x49d: {  	v17 =	vld.idx.msk [tilespmem:v13+s22+$0x0], $0xffff  }
0x49e: {  	v16 =	vmul.f32 v12, v58;
	v12 =	vld.idx.msk [tilespmem:v13+s23+$0x0], $0xffff  }
0x49f: {  	v13 =	vor.u32 v52, v2;
	v19 =	vld.idx.msk [tilespmem:v9+s22+$0x0], $0xffff  }
0x4a0: {  	v6 =	vmul.f32 v8, v61;
	v8 =	vld.idx.msk [tilespmem:v9+s23+$0x0], $0xffff  }
0x4a1: {  	v3 =	vadd.f32 v62, v3;
	v33 =	vld.idx.msk [tilespmem:v11+s22+$0x0], $0xffff  }
0x4a2: {  	v5 =	vmul.f32 v10, v63;
	v10 =	vld.idx.msk [tilespmem:v11+s23+$0x0], $0xffff  }
0x4a3: {  	v3 =	vadd.f32 v16, v3;
	v63 =	vld [tilespmem:$0x1F800]  }
0x4a4: {  	v9 =	vor.u32 v0, v2;
	v35 =	vld.idx.msk [tilespmem:v13+s22+$0x0], $0xffff  }
0x4a5: {  	v3 =	vadd.f32 v6, v3;
	v40 =	vld.idx.msk [tilespmem:v13+s23+$0x0], $0xffff  }
0x4a6: {  	v11 =	vor.u32 v45, v2;
	v7 =	vmul.f32 v12, v17;
	v12 =	vor.u32 v41, v2;
	v2 =	vld.idx.msk [tilespmem:v48+s23+$0x0], $0xffff  }
0x4a7: {  	v30 =	vmov v29;
	v3 =	vadd.f32 v5, v3;
	v48 =	vld [tilespmem:$0x1FF60]  }
0x4a8: {  	v41 =	vmovc v24;
	v24 =	vmovc v25;
	v25 =	vmov v26;
	v26 =	vmov v28;
	v28 =	vmov v30;
	v30 =	vld [tilespmem:$0x1FFC0]  }
0x4a9: {  	v3 =	vadd.f32 v7, v3;
	v4 =	vmul.f32 v8, v19;
	v45 =	vld.idx.msk [tilespmem:v9+s22+$0x0], $0xffff  }
0x4aa: {  	v8 =	vld.idx.msk [tilespmem:v9+s23+$0x0], $0xffff  }
0x4ab: {  	v49 =	vmul.f32 v10, v33;
	v50 =	vld.idx.msk [tilespmem:v11+s22+$0x0], $0xffff;
	v3 =	vadd.f32 v4, v3  }
0x4ac: {  	v9 =	vld.idx.msk [tilespmem:v11+s23+$0x0], $0xffff  }
0x4ad: {  	v0 =	vmul.f32 v40, v35;
	v51 =	vld.idx.msk [tilespmem:v12+s22+$0x0], $0xffff;
	v3 =	vadd.f32 v49, v3  }
0x4ae: {  	v52 =	vld.idx.msk [tilespmem:v12+s23+$0x0], $0xffff  }
0x4af: {  	v10 =	vld [tilespmem:$0x1FEC0];
	v58 =	vmul.f32 v8, v45;
	v0 =	vadd.f32 v0, v3  }
0x4b0: {  	v11 =	vld [tilespmem:$0x1FEB0]  }
0x4b1: {  	v33 =	vmov v46;
	v46 =	vld [tilespmem:$0x1FE80];
	v61 =	vmul.f32 v9, v50;
	v0 =	vadd.f32 v58, v0  }
0x4b2: {  	v12 =	vld [tilespmem:$0x1FEA0]  }
0x4b3: {  	v40 =	vld [tilespmem:$0x1FF20];
	v62 =	vmul.f32 v52, v51;
	v0 =	vadd.f32 v61, v0  }
0x4b4: {  	v2 =	vmul.f32 v2, v60;
	v60 =	vld [tilespmem:$0x1FF90]  }
0x4b5: {  	s19 =	smul.u32 $0x50, s30;
	p2 =	sne.s32 s2, $0x7D;
	v35 =	vld [tilespmem:$0x1FFB0];
	v0 =	vadd.f32 v62, v0  }
.Ltmp1:
0x4b6: {  	v50 =	vld [tilespmem:$0x1FF70];
	(pc) =	sbr.rel @p2 .LBB2_2-.Ltmp1, $4  }
0x4b7: {  	s8 =	sadd.s32 s7, s19;
	v45 =	vld [tilespmem:$0x1FE90];
	v0 =	vadd.f32 v2, v0  }
0x4b8: {  	s5 =	sshra.s32 s5, $0x2;
	s31 =	sor.u32 $0xA200, s31;
	s8 =	sshrl.u32 s8, $0x3;
	v58 =	vmov v53;
	v53 =	vmov v55;
	v55 =	vld [tilespmem:$0x1FF50]  }
0x4b9: {  	p1 =	por !p1, !p1;
	s30 =	smov.u32 s2;
	s24 =	sadd.s32 s1, s8;
	v61 =	vmov v56;
	v56 =	vld [tilespmem:$0x1FFA0];
	[tilespmem:v63+s5+$0x0 ss:$0x1] =	vst.idx.msk $0xffff, v0  }
0x4ba: {  	v29 =	vmovc v27;
	v13 =	vmovc v47;
	v52 =	vmov v54;
	v54 =	vmov v43;
	v62 =	vld [tilespmem:$0x1FF80];
	v63 =	vmov v21;
	[hbm4b:s24+s4] =	stream.linear.scatter [tilespmem:s31], [sflag:$0x4], $0x50, $0x38  }
0x4bb: {  	s29 =	sadd.s32 $0x1, s29  }
0x4bc: {  	_ =	swait.ge [sflag:s28], $0x50;
	p1 =	sne.s32 s29, s15  }
.Ltmp2:
0x4bd: {  	[sflag:s28] =	ssyncset.done $0x0;
	(pc) =	sbr.rel @p1 .LBB2_1-.Ltmp2, $4  }
0x4be: {  	[sflag:s28] =	ssyncadd.s32 $0xFFFFFFB0  }
0x4bf: {  	_ =	swait.ge [sflag:s28], $0x50  }
0x4c0: {  	[sflag:s28] =	ssyncset.done $0x0  }
0x4c1: {  	[sflag:s28] =	ssyncadd.s32 $0xFFFFFFB0  }
0x4c2: {  	_ =	sfence.sel $0x180000  }
0x4c3: {  	[bflag:$0x0] =	sbarrier.arrive $0xFFFF  }
0x4c4: {  	_ =	strace $0x90000047  }
0x4c5: {  	s0 =	stileid.u32;
	[bflag:$0x2] =	sbarrier.arrive $0xFFFF  }
0x4c6: {  	p0 =	sne.s32 s0, $0x0;
	s0 =	rddreg [dreg:$0x4]  }
0x4c7: {  	s0 =	sadd.s32 @!p0 $0x100000, s0  }
0x4c8: {  	[sflag:s0] =	ssyncadd.tile.s32 @!p0 $0x1;
	_ =	shalt  }
.Lfunc_end2:
_tile_overlayer_lowered:
.L_overlay_start_2:
0x4c9: {  	(tag) =	ssettag $0x2  }
0x4ca: {  	s0 =	rddreg [dreg:$0x0];
	s2 =	stileid.u32  }
0x4cb: {  	s1 =	rddreg [dreg:$0x1];
	p0 =	sne.s32 s2, $0x0  }
0x4cc: {  	s3 =	rddreg [dreg:$0x2];
	[bflag:$0x3] =	sbarrier.arrive $0xFFFF;
	s2 =	simm.s32 @!p0 $0x1C05  }
0x4cd: {  	[timem:s3], [sflag:s2] =	dma.local @!p0 [hbm:s0], s1  }
0x4ce: {  	s0 =	simm.s32 @!p0 $0x5  }
0x4cf: {  	_ =	swait.ge @!p0 [sflag:s0], s1  }
0x4d0: {  	s1 =	ssub.s32 @!p0 $0x0, s1;
	[sflag:s0] =	ssyncset.done @!p0 $0x0  }
0x4d1: {  	[sflag:s0] =	ssyncadd.s32 @!p0 s1  }
0x4d2: {  	[bflag:$0x3] =	sbarrier.arrive $0xFFFF  }
0x4d3: {  	_ =	shalt  }

</sc_bundles>
